<compile_context>
chip_gen: v7x
topology: tpu7x:2x2x1
jax: 0.10.2.dev20260603
libtpu: 0.0.44.dev20260713+nightly
codegen_flags: <defaults>
</compile_context>

<pallas_src>
import functools

import jax
import jax.numpy as jnp
import numpy as np
from jax import lax
from jax.experimental import pallas as pl
from jax.experimental.pallas import tpu as pltpu
from jax.experimental.pallas import tpu_sc as plsc

KH, KW, PAD = 16, 16, 10
H, W, C = 128, 128, 3
D = C * KH * KW
K1, K2 = 2048, 1024
OH = H + 2 * PAD - KH + 1
OW = W + 2 * PAD - KW + 1
L = OH * OW
L_PAD = 17920
BLK_A = 512

NC, NS = 2, 16
NW = NC * NS
BPW = L_PAD // NW
CHUNK = 56
NCHUNK = BPW // CHUNK


def _nn_body(q_ref, k_ref, m_ref, ids_ref):
    q = q_ref[...]
    k = k_ref[...]
    dot = lax.dot_general(k, q, (((1,), (0,)), ((), ())),
                          preferred_element_type=jnp.float32)
    qsq = jnp.sum(q * q, axis=0, keepdims=True)
    ksq = jnp.sum(k * k, axis=1, keepdims=True)
    d2 = qsq - 2.0 * dot + ksq
    mn = jnp.min(d2, axis=0, keepdims=True)
    iota = lax.broadcasted_iota(jnp.int32, (K1, BLK_A), 0)
    ids = jnp.min(jnp.where(d2 == mn, iota, K1), axis=0)
    pat = jnp.sum(jnp.where(iota == ids[None, :], m_ref[...], 0), axis=0)
    ids_ref[0, 0, :] = pat


def _nearest_pattern_ids(patches_t, keys1r, mapping_col):
    grid = L_PAD // BLK_A
    out = pl.pallas_call(
        _nn_body,
        grid=(grid,),
        in_specs=[
            pl.BlockSpec((D, BLK_A), lambda m: (0, m)),
            pl.BlockSpec((K1, D), lambda m: (0, 0)),
            pl.BlockSpec((K1, 1), lambda m: (0, 0)),
        ],
        out_specs=pl.BlockSpec((1, 1, BLK_A), lambda m: (m, 0, 0)),
        out_shape=jax.ShapeDtypeStruct((grid, 1, BLK_A), jnp.int32),
    )(patches_t, keys1r, mapping_col)
    return out.reshape(L_PAD)


def _sc_gather(pat_ids, table):
    mesh = plsc.VectorSubcoreMesh(core_axis_name="c", subcore_axis_name="s")
    ids3 = pat_ids.reshape(NW, NCHUNK, CHUNK)

    @functools.partial(
        pl.kernel,
        mesh=mesh,
        out_type=jax.ShapeDtypeStruct((NW, NCHUNK, CHUNK, D), jnp.float32),
        scratch_types=[
            pltpu.VMEM((NCHUNK, CHUNK), jnp.int32),
            pltpu.VMEM((CHUNK, D), jnp.float32),
            pltpu.VMEM((CHUNK, D), jnp.float32),
            pltpu.SemaphoreType.DMA,
            pltpu.SemaphoreType.DMA,
        ],
    )
    def k(ids_hbm, tab_hbm, out_hbm, idx_v, rows0, rows1, sem0, sem1):
        wid = lax.axis_index("s") * NC + lax.axis_index("c")
        pltpu.sync_copy(ids_hbm.at[wid], idx_v)

        bufs, sems = (rows0, rows1), (sem0, sem1)
        pend = pltpu.async_copy(tab_hbm.at[idx_v.at[0]], bufs[0], sems[0])
        for ci in range(NCHUNK):
            nxt = None
            if ci + 1 < NCHUNK:
                nxt = pltpu.async_copy(
                    tab_hbm.at[idx_v.at[ci + 1]],
                    bufs[(ci + 1) % 2], sems[(ci + 1) % 2])
            pend.wait()
            pltpu.sync_copy(bufs[ci % 2], out_hbm.at[wid, ci])
            pend = nxt

    return k(ids3, table).reshape(L_PAD, D)


def _fold_matrix():
    s = np.zeros((W + 2 * PAD, OW * KW), np.float32)
    for px in range(OW):
        for j in range(KW):
            s[px + j, px * KW + j] = 1.0
    return jnp.asarray(s)


def _fold_body(g_ref, s_ref, out_ref, acc_ref):
    py = pl.program_id(0)
    gp = g_ref[...]
    r = lax.dot_general(s_ref[...], gp, (((1,), (0,)), ((), ())),
                        preferred_element_type=jnp.float32)
    acc_ref[py] = r.T

    @pl.when(py == OH - 1)
    def _():
        out_ref[...] = jnp.zeros((C, H, W), jnp.float32)
        for c in range(C):
            for i in range(KH):
                ylo = max(0, i - PAD)
                yhi = min(H - 1, H - KH + PAD + i)
                n = yhi - ylo + 1
                plo = ylo + PAD - i
                out_ref[c, ylo:ylo + n, :] += (
                    acc_ref[plo:plo + n, c * KH + i, PAD:PAD + W])
        m = jnp.max(out_ref[...])
        out_ref[...] = out_ref[...] / m


def _fold_normalize(g3, s_mat):
    return pl.pallas_call(
        _fold_body,
        grid=(OH,),
        in_specs=[
            pl.BlockSpec((OW * KW, C * KH), lambda py: (py, 0)),
            pl.BlockSpec((W + 2 * PAD, OW * KW), lambda py: (0, 0)),
        ],
        out_specs=pl.BlockSpec((C, H, W), lambda py: (0, 0, 0)),
        out_shape=jax.ShapeDtypeStruct((C, H, W), jnp.float32),
        scratch_shapes=[pltpu.VMEM((OH, C * KH, W + 2 * PAD), jnp.float32)],
    )(g3, s_mat)


def kernel(image, keys1, values2, mapping_table):
    img = jnp.transpose(image, (2, 0, 1))
    padded = jnp.pad(img, ((0, 0), (PAD, PAD), (PAD, PAD)))
    ri = jnp.stack([padded[:, i:i + OH, :] for i in range(KH)], axis=0)
    ri = jnp.transpose(ri, (2, 1, 0, 3)).reshape(OH, C * KH, W + 2 * PAD)
    pt = jnp.stack([ri[:, :, j:j + OW] for j in range(KW)], axis=0)
    pt = jnp.transpose(pt, (0, 2, 1, 3)).reshape(D, L)
    pt = jnp.pad(pt, ((0, 0), (0, L_PAD - L)))

    keys1r = keys1.reshape(K1, C * KH, KW).swapaxes(1, 2).reshape(K1, D)
    pat_ids = _nearest_pattern_ids(pt, keys1r, mapping_table.reshape(K1, 1))

    v3 = values2.reshape(K2, C * KH, KW).swapaxes(1, 2).reshape(K2, D)
    g = _sc_gather(pat_ids, v3)

    g3 = g[:L].reshape(OH * OW * KW, C * KH)
    out_chw = _fold_normalize(g3, _fold_matrix())
    return jnp.transpose(out_chw, (1, 2, 0))

# --- scband reference (transcript-rebuilt; emitter-appended) ---
"""Pipeline reference for scband-neural-mem-41205916238481 (READ-ONLY COPY).

The authoritative reference and input builder live on the scoring server;
editing this copy changes nothing except your own understanding.
"""

import jax, jax.numpy as jnp
import numpy as np

KH, KW, PAD = 16, 16, 10
H, W, C = 128, 128, 3
D = C * KH * KW
K1, K2 = 2048, 1024


def setup_inputs(seed: int = 0) -> dict:
    key = jax.random.key(seed)
    k1, k2, k3, k4 = jax.random.split(key, 4)
    image = jax.random.uniform(k1, (H, W, C), dtype=jnp.float32)
    keys1 = jax.random.normal(k2, (K1, D), dtype=jnp.float32)
    values2 = jax.random.normal(k3, (K2, D), dtype=jnp.float32)
    mapping_table = jax.random.randint(k4, (K1,), 0, K2, dtype=jnp.int32)
    return {"image": image, "keys1": keys1, "values2": values2, "mapping_table": mapping_table}


def reference(image, keys1, values2, mapping_table):
    h, w, c = image.shape
    img = jnp.transpose(image, (2, 0, 1))  # [C, H, W]
    padded = jnp.pad(img, ((0, 0), (PAD, PAD), (PAD, PAD)))
    out_h = h + 2 * PAD - KH + 1
    out_w = w + 2 * PAD - KW + 1
    ri = jnp.arange(out_h)[:, None] + jnp.arange(KH)[None, :]  # [out_h, KH]
    ci = jnp.arange(out_w)[:, None] + jnp.arange(KW)[None, :]  # [out_w, KW]
    # unfold (im2col), torch ordering: channel-major patch features
    patches = padded[:, ri[:, None, :, None], ci[None, :, None, :]]  # [C, out_h, out_w, KH, KW]
    patches = jnp.transpose(patches, (1, 2, 0, 3, 4)).reshape(out_h * out_w, c * KH * KW)  # [L, D]
    # faiss IndexFlatL2.search(unfolded, 1): exact L2 top-1
    q_sq = jnp.sum(patches * patches, axis=1, keepdims=True)
    k_sq = jnp.sum(keys1 * keys1, axis=1)[None, :]
    d2 = q_sq - 2.0 * (patches @ keys1.T) + k_sq  # [L, K1]
    ids = jnp.argmin(d2, axis=1)  # [L]
    # pattern_mappings[mappings_id].most_common(1)[0][0] -> static int mapping table
    pat_ids = jnp.take(mapping_table, ids, axis=0)  # [L]
    # mem2.reconstruct(pattern_id) -> gather stored vectors
    out_vecs = jnp.take(values2, pat_ids, axis=0)  # [L, D]
    # fold (col2im, sums overlaps)
    outp = out_vecs.reshape(out_h, out_w, c, KH, KW)
    outp = jnp.transpose(outp, (2, 0, 1, 3, 4))  # [C, out_h, out_w, KH, KW]
    folded = jnp.zeros((c, h + 2 * PAD, w + 2 * PAD), dtype=out_vecs.dtype)
    folded = folded.at[:, ri[:, None, :, None], ci[None, :, None, :]].add(outp)
    folded = folded[:, PAD:PAD + h, PAD:PAD + w]  # [C, H, W]
    out = folded / jnp.max(folded.reshape(-1))
    out = jnp.transpose(out, (1, 2, 0))  # [H, W, C]
    return out

if __name__ == "__main__":
    import jax
    _d = setup_inputs()
    print(jax.jit(kernel)(*tuple(_d.values())))

</pallas_src>

<mosaic_0001>
#map = affine_map<(d0, d1) -> (0, 0, 0)>
#map1 = affine_map<(d0, d1) -> (0, 0)>
#map2 = affine_map<(d0, d1) -> (0, 0, 0, 0)>
module attributes {stable_mosaic.version = 14 : i64} {
  func.func @k(%arg0: i32, %arg1: i32, %arg2: memref<32x10x56xi32, #tpu.memory_space<hbm>>, %arg3: memref<1024x768xf32, #tpu.memory_space<hbm>>, %arg4: memref<32x10x56x768xf32, #tpu.memory_space<hbm>>, %arg5: memref<10x56xi32, #tpu.memory_space<vmem>>, %arg6: memref<56x768xf32, #tpu.memory_space<vmem>>, %arg7: memref<56x768xf32, #tpu.memory_space<vmem>>, %arg8: memref<!tpu.dma_semaphore, #tpu.memory_space<semaphore_mem>>, %arg9: memref<!tpu.dma_semaphore, #tpu.memory_space<semaphore_mem>>) attributes {dimension_semantics = [#tpu.dimension_semantics<core_parallel>, #tpu.dimension_semantics<subcore_parallel>], iteration_bounds = array<i64: 2, 16>, scalar_prefetch = 0 : i64, scratch_operands = 5 : i64, tpu.core_type = #tpu.core_type<sc_vector_subcore>, window_params = [{transform_indices = #map}, {transform_indices = #map1}, {transform_indices = #map2}]} {
    %mul3A = arith.constant 2 : i32
    %mul3A_0 = arith.muli %arg1, %mul3A : i32
    %add3A = arith.addi %mul3A_0, %arg0 : i32
    "tpu.region"() ({
      %run_scoped3A_148 = tpu.sem_alloc : memref<!tpu.dma_semaphore, #tpu.memory_space<semaphore_mem>>
      %dma_start3A_149 = arith.constant 0 : i32
      %dma_start3A_150 = arith.constant 0 : i32
      %dma_start3A_151 = tpu.memref_slice %arg2[%add3A, %dma_start3A_149, %dma_start3A_150] : memref<32x10x56xi32, #tpu.memory_space<hbm>> -> memref<1x10x56xi32, #tpu.memory_space<hbm>>
      %dma_start3A_152 = tpu.memref_squeeze %dma_start3A_151 : memref<1x10x56xi32, #tpu.memory_space<hbm>> -> memref<10x56xi32, #tpu.memory_space<hbm>>
      %dma_start3A_153 = arith.constant 0 : i32
      %dma_start3A_154 = arith.constant 0 : i32
      %dma_start3A_155 = tpu.memref_slice %arg2[%add3A, %dma_start3A_153, %dma_start3A_154] : memref<32x10x56xi32, #tpu.memory_space<hbm>> -> memref<1x10x56xi32, #tpu.memory_space<hbm>>
      %dma_start3A_156 = tpu.memref_squeeze %dma_start3A_155 : memref<1x10x56xi32, #tpu.memory_space<hbm>> -> memref<10x56xi32, #tpu.memory_space<hbm>>
      tpu.enqueue_dma source(%dma_start3A_156 : memref<10x56xi32, #tpu.memory_space<hbm>>) target(%arg5 : memref<10x56xi32, #tpu.memory_space<vmem>>) target_semaphore(%run_scoped3A_148 : memref<!tpu.dma_semaphore, #tpu.memory_space<semaphore_mem>>)
      %dma_wait3A_157 = arith.constant 0 : i32
      %dma_wait3A_158 = arith.constant 0 : i32
      %dma_wait3A_159 = tpu.memref_slice %arg2[%add3A, %dma_wait3A_157, %dma_wait3A_158] : memref<32x10x56xi32, #tpu.memory_space<hbm>> -> memref<1x10x56xi32, #tpu.memory_space<hbm>>
      %dma_wait3A_160 = tpu.memref_squeeze %dma_wait3A_159 : memref<1x10x56xi32, #tpu.memory_space<hbm>> -> memref<10x56xi32, #tpu.memory_space<hbm>>
      %dma_wait3A_161 = arith.constant 0 : i32
      %dma_wait3A_162 = arith.constant 0 : i32
      %dma_wait3A_163 = tpu.memref_slice %arg2[%add3A, %dma_wait3A_161, %dma_wait3A_162] : memref<32x10x56xi32, #tpu.memory_space<hbm>> -> memref<1x10x56xi32, #tpu.memory_space<hbm>>
      %dma_wait3A_164 = tpu.memref_squeeze %dma_wait3A_163 : memref<1x10x56xi32, #tpu.memory_space<hbm>> -> memref<10x56xi32, #tpu.memory_space<hbm>>
      tpu.wait_dma2 semaphore(%run_scoped3A_148 : memref<!tpu.dma_semaphore, #tpu.memory_space<semaphore_mem>>) src(%dma_wait3A_164 : memref<10x56xi32, #tpu.memory_space<hbm>>) dst(%arg5 : memref<10x56xi32, #tpu.memory_space<vmem>>)
      tpu.yield
    }) : () -> ()
    %dma_start3A = arith.constant 0 : i32
    %dma_start3A_1 = arith.constant 0 : i32
    %dma_start3A_2 = tpu.memref_slice %arg5[%dma_start3A, %dma_start3A_1] : memref<10x56xi32, #tpu.memory_space<vmem>> -> memref<1x56xi32, #tpu.memory_space<vmem>>
    %dma_start3A_3 = tpu.memref_squeeze %dma_start3A_2 : memref<1x56xi32, #tpu.memory_space<vmem>> -> memref<56xi32, #tpu.memory_space<vmem>>
    %dma_start3A_4 = arith.constant 0 : i32
    %dma_start3A_5 = arith.constant 0 : i32
    %dma_start3A_6 = tpu.memref_slice %arg3[%dma_start3A_4, %dma_start3A_5] : memref<1024x768xf32, #tpu.memory_space<hbm>> -> memref<1024x768xf32, #tpu.memory_space<hbm>>
    tpu.enqueue_indirect_dma source(%dma_start3A_6 : memref<1024x768xf32, #tpu.memory_space<hbm>>) target(%arg6 : memref<56x768xf32, #tpu.memory_space<vmem>>) offsets(%dma_start3A_3 : memref<56xi32, #tpu.memory_space<vmem>>) semaphore(%arg8 : memref<!tpu.dma_semaphore, #tpu.memory_space<semaphore_mem>>)
    %dma_start3A_7 = arith.constant 1 : i32
    %dma_start3A_8 = arith.constant 0 : i32
    %dma_start3A_9 = tpu.memref_slice %arg5[%dma_start3A_7, %dma_start3A_8] : memref<10x56xi32, #tpu.memory_space<vmem>> -> memref<1x56xi32, #tpu.memory_space<vmem>>
    %dma_start3A_10 = tpu.memref_squeeze %dma_start3A_9 : memref<1x56xi32, #tpu.memory_space<vmem>> -> memref<56xi32, #tpu.memory_space<vmem>>
    %dma_start3A_11 = arith.constant 0 : i32
    %dma_start3A_12 = arith.constant 0 : i32
    %dma_start3A_13 = tpu.memref_slice %arg3[%dma_start3A_11, %dma_start3A_12] : memref<1024x768xf32, #tpu.memory_space<hbm>> -> memref<1024x768xf32, #tpu.memory_space<hbm>>
    tpu.enqueue_indirect_dma source(%dma_start3A_13 : memref<1024x768xf32, #tpu.memory_space<hbm>>) target(%arg7 : memref<56x768xf32, #tpu.memory_space<vmem>>) offsets(%dma_start3A_10 : memref<56xi32, #tpu.memory_space<vmem>>) semaphore(%arg9 : memref<!tpu.dma_semaphore, #tpu.memory_space<semaphore_mem>>)
    %dma_wait3A = arith.constant 0 : i32
    %dma_wait3A_14 = arith.constant 0 : i32
    %dma_wait3A_15 = tpu.memref_slice %arg5[%dma_wait3A, %dma_wait3A_14] : memref<10x56xi32, #tpu.memory_space<vmem>> -> memref<1x56xi32, #tpu.memory_space<vmem>>
    %dma_wait3A_16 = tpu.memref_squeeze %dma_wait3A_15 : memref<1x56xi32, #tpu.memory_space<vmem>> -> memref<56xi32, #tpu.memory_space<vmem>>
    %dma_wait3A_17 = arith.constant 0 : i32
    %dma_wait3A_18 = arith.constant 0 : i32
    %dma_wait3A_19 = tpu.memref_slice %arg3[%dma_wait3A_17, %dma_wait3A_18] : memref<1024x768xf32, #tpu.memory_space<hbm>> -> memref<1024x768xf32, #tpu.memory_space<hbm>>
    tpu.wait_indirect_dma semaphore(%arg8 : memref<!tpu.dma_semaphore, #tpu.memory_space<semaphore_mem>>) src(%dma_wait3A_19 : memref<1024x768xf32, #tpu.memory_space<hbm>>) dst(%arg6 : memref<56x768xf32, #tpu.memory_space<vmem>>)
    %run_scoped3A = arith.constant 0 : i32
    "tpu.region"() ({
      %run_scoped3A_148 = tpu.sem_alloc : memref<!tpu.dma_semaphore, #tpu.memory_space<semaphore_mem>>
      %dma_start3A_149 = arith.constant 0 : i32
      %dma_start3A_150 = arith.constant 0 : i32
      %dma_start3A_151 = tpu.memref_slice %arg4[%add3A, %run_scoped3A, %dma_start3A_149, %dma_start3A_150] : memref<32x10x56x768xf32, #tpu.memory_space<hbm>> -> memref<1x1x56x768xf32, #tpu.memory_space<hbm>>
      %dma_start3A_152 = tpu.memref_squeeze %dma_start3A_151 : memref<1x1x56x768xf32, #tpu.memory_space<hbm>> -> memref<56x768xf32, #tpu.memory_space<hbm>>
      %dma_start3A_153 = arith.constant 0 : i32
      %dma_start3A_154 = arith.constant 0 : i32
      %dma_start3A_155 = tpu.memref_slice %arg4[%add3A, %run_scoped3A, %dma_start3A_153, %dma_start3A_154] : memref<32x10x56x768xf32, #tpu.memory_space<hbm>> -> memref<1x1x56x768xf32, #tpu.memory_space<hbm>>
      %dma_start3A_156 = tpu.memref_squeeze %dma_start3A_155 : memref<1x1x56x768xf32, #tpu.memory_space<hbm>> -> memref<56x768xf32, #tpu.memory_space<hbm>>
      tpu.enqueue_dma source(%arg6 : memref<56x768xf32, #tpu.memory_space<vmem>>) target(%dma_start3A_156 : memref<56x768xf32, #tpu.memory_space<hbm>>) target_semaphore(%run_scoped3A_148 : memref<!tpu.dma_semaphore, #tpu.memory_space<semaphore_mem>>)
      %dma_wait3A_157 = arith.constant 0 : i32
      %dma_wait3A_158 = arith.constant 0 : i32
      %dma_wait3A_159 = tpu.memref_slice %arg4[%add3A, %run_scoped3A, %dma_wait3A_157, %dma_wait3A_158] : memref<32x10x56x768xf32, #tpu.memory_space<hbm>> -> memref<1x1x56x768xf32, #tpu.memory_space<hbm>>
      %dma_wait3A_160 = tpu.memref_squeeze %dma_wait3A_159 : memref<1x1x56x768xf32, #tpu.memory_space<hbm>> -> memref<56x768xf32, #tpu.memory_space<hbm>>
      %dma_wait3A_161 = arith.constant 0 : i32
      %dma_wait3A_162 = arith.constant 0 : i32
      %dma_wait3A_163 = tpu.memref_slice %arg4[%add3A, %run_scoped3A, %dma_wait3A_161, %dma_wait3A_162] : memref<32x10x56x768xf32, #tpu.memory_space<hbm>> -> memref<1x1x56x768xf32, #tpu.memory_space<hbm>>
      %dma_wait3A_164 = tpu.memref_squeeze %dma_wait3A_163 : memref<1x1x56x768xf32, #tpu.memory_space<hbm>> -> memref<56x768xf32, #tpu.memory_space<hbm>>
      tpu.wait_dma2 semaphore(%run_scoped3A_148 : memref<!tpu.dma_semaphore, #tpu.memory_space<semaphore_mem>>) src(%arg6 : memref<56x768xf32, #tpu.memory_space<vmem>>) dst(%dma_wait3A_164 : memref<56x768xf32, #tpu.memory_space<hbm>>)
      tpu.yield
    }) : () -> ()
    %dma_start3A_20 = arith.constant 2 : i32
    %dma_start3A_21 = arith.constant 0 : i32
    %dma_start3A_22 = tpu.memref_slice %arg5[%dma_start3A_20, %dma_start3A_21] : memref<10x56xi32, #tpu.memory_space<vmem>> -> memref<1x56xi32, #tpu.memory_space<vmem>>
    %dma_start3A_23 = tpu.memref_squeeze %dma_start3A_22 : memref<1x56xi32, #tpu.memory_space<vmem>> -> memref<56xi32, #tpu.memory_space<vmem>>
    %dma_start3A_24 = arith.constant 0 : i32
    %dma_start3A_25 = arith.constant 0 : i32
    %dma_start3A_26 = tpu.memref_slice %arg3[%dma_start3A_24, %dma_start3A_25] : memref<1024x768xf32, #tpu.memory_space<hbm>> -> memref<1024x768xf32, #tpu.memory_space<hbm>>
    tpu.enqueue_indirect_dma source(%dma_start3A_26 : memref<1024x768xf32, #tpu.memory_space<hbm>>) target(%arg6 : memref<56x768xf32, #tpu.memory_space<vmem>>) offsets(%dma_start3A_23 : memref<56xi32, #tpu.memory_space<vmem>>) semaphore(%arg8 : memref<!tpu.dma_semaphore, #tpu.memory_space<semaphore_mem>>)
    %dma_wait3A_27 = arith.constant 1 : i32
    %dma_wait3A_28 = arith.constant 0 : i32
    %dma_wait3A_29 = tpu.memref_slice %arg5[%dma_wait3A_27, %dma_wait3A_28] : memref<10x56xi32, #tpu.memory_space<vmem>> -> memref<1x56xi32, #tpu.memory_space<vmem>>
    %dma_wait3A_30 = tpu.memref_squeeze %dma_wait3A_29 : memref<1x56xi32, #tpu.memory_space<vmem>> -> memref<56xi32, #tpu.memory_space<vmem>>
    %dma_wait3A_31 = arith.constant 0 : i32
    %dma_wait3A_32 = arith.constant 0 : i32
    %dma_wait3A_33 = tpu.memref_slice %arg3[%dma_wait3A_31, %dma_wait3A_32] : memref<1024x768xf32, #tpu.memory_space<hbm>> -> memref<1024x768xf32, #tpu.memory_space<hbm>>
    tpu.wait_indirect_dma semaphore(%arg9 : memref<!tpu.dma_semaphore, #tpu.memory_space<semaphore_mem>>) src(%dma_wait3A_33 : memref<1024x768xf32, #tpu.memory_space<hbm>>) dst(%arg7 : memref<56x768xf32, #tpu.memory_space<vmem>>)
    %run_scoped3A_34 = arith.constant 1 : i32
    "tpu.region"() ({
      %run_scoped3A_148 = tpu.sem_alloc : memref<!tpu.dma_semaphore, #tpu.memory_space<semaphore_mem>>
      %dma_start3A_149 = arith.constant 0 : i32
      %dma_start3A_150 = arith.constant 0 : i32
      %dma_start3A_151 = tpu.memref_slice %arg4[%add3A, %run_scoped3A_34, %dma_start3A_149, %dma_start3A_150] : memref<32x10x56x768xf32, #tpu.memory_space<hbm>> -> memref<1x1x56x768xf32, #tpu.memory_space<hbm>>
      %dma_start3A_152 = tpu.memref_squeeze %dma_start3A_151 : memref<1x1x56x768xf32, #tpu.memory_space<hbm>> -> memref<56x768xf32, #tpu.memory_space<hbm>>
      %dma_start3A_153 = arith.constant 0 : i32
      %dma_start3A_154 = arith.constant 0 : i32
      %dma_start3A_155 = tpu.memref_slice %arg4[%add3A, %run_scoped3A_34, %dma_start3A_153, %dma_start3A_154] : memref<32x10x56x768xf32, #tpu.memory_space<hbm>> -> memref<1x1x56x768xf32, #tpu.memory_space<hbm>>
      %dma_start3A_156 = tpu.memref_squeeze %dma_start3A_155 : memref<1x1x56x768xf32, #tpu.memory_space<hbm>> -> memref<56x768xf32, #tpu.memory_space<hbm>>
      tpu.enqueue_dma source(%arg7 : memref<56x768xf32, #tpu.memory_space<vmem>>) target(%dma_start3A_156 : memref<56x768xf32, #tpu.memory_space<hbm>>) target_semaphore(%run_scoped3A_148 : memref<!tpu.dma_semaphore, #tpu.memory_space<semaphore_mem>>)
      %dma_wait3A_157 = arith.constant 0 : i32
      %dma_wait3A_158 = arith.constant 0 : i32
      %dma_wait3A_159 = tpu.memref_slice %arg4[%add3A, %run_scoped3A_34, %dma_wait3A_157, %dma_wait3A_158] : memref<32x10x56x768xf32, #tpu.memory_space<hbm>> -> memref<1x1x56x768xf32, #tpu.memory_space<hbm>>
      %dma_wait3A_160 = tpu.memref_squeeze %dma_wait3A_159 : memref<1x1x56x768xf32, #tpu.memory_space<hbm>> -> memref<56x768xf32, #tpu.memory_space<hbm>>
      %dma_wait3A_161 = arith.constant 0 : i32
      %dma_wait3A_162 = arith.constant 0 : i32
      %dma_wait3A_163 = tpu.memref_slice %arg4[%add3A, %run_scoped3A_34, %dma_wait3A_161, %dma_wait3A_162] : memref<32x10x56x768xf32, #tpu.memory_space<hbm>> -> memref<1x1x56x768xf32, #tpu.memory_space<hbm>>
      %dma_wait3A_164 = tpu.memref_squeeze %dma_wait3A_163 : memref<1x1x56x768xf32, #tpu.memory_space<hbm>> -> memref<56x768xf32, #tpu.memory_space<hbm>>
      tpu.wait_dma2 semaphore(%run_scoped3A_148 : memref<!tpu.dma_semaphore, #tpu.memory_space<semaphore_mem>>) src(%arg7 : memref<56x768xf32, #tpu.memory_space<vmem>>) dst(%dma_wait3A_164 : memref<56x768xf32, #tpu.memory_space<hbm>>)
      tpu.yield
    }) : () -> ()
    %dma_start3A_35 = arith.constant 3 : i32
    %dma_start3A_36 = arith.constant 0 : i32
    %dma_start3A_37 = tpu.memref_slice %arg5[%dma_start3A_35, %dma_start3A_36] : memref<10x56xi32, #tpu.memory_space<vmem>> -> memref<1x56xi32, #tpu.memory_space<vmem>>
    %dma_start3A_38 = tpu.memref_squeeze %dma_start3A_37 : memref<1x56xi32, #tpu.memory_space<vmem>> -> memref<56xi32, #tpu.memory_space<vmem>>
    %dma_start3A_39 = arith.constant 0 : i32
    %dma_start3A_40 = arith.constant 0 : i32
    %dma_start3A_41 = tpu.memref_slice %arg3[%dma_start3A_39, %dma_start3A_40] : memref<1024x768xf32, #tpu.memory_space<hbm>> -> memref<1024x768xf32, #tpu.memory_space<hbm>>
    tpu.enqueue_indirect_dma source(%dma_start3A_41 : memref<1024x768xf32, #tpu.memory_space<hbm>>) target(%arg7 : memref<56x768xf32, #tpu.memory_space<vmem>>) offsets(%dma_start3A_38 : memref<56xi32, #tpu.memory_space<vmem>>) semaphore(%arg9 : memref<!tpu.dma_semaphore, #tpu.memory_space<semaphore_mem>>)
    %dma_wait3A_42 = arith.constant 2 : i32
    %dma_wait3A_43 = arith.constant 0 : i32
    %dma_wait3A_44 = tpu.memref_slice %arg5[%dma_wait3A_42, %dma_wait3A_43] : memref<10x56xi32, #tpu.memory_space<vmem>> -> memref<1x56xi32, #tpu.memory_space<vmem>>
    %dma_wait3A_45 = tpu.memref_squeeze %dma_wait3A_44 : memref<1x56xi32, #tpu.memory_space<vmem>> -> memref<56xi32, #tpu.memory_space<vmem>>
    %dma_wait3A_46 = arith.constant 0 : i32
    %dma_wait3A_47 = arith.constant 0 : i32
    %dma_wait3A_48 = tpu.memref_slice %arg3[%dma_wait3A_46, %dma_wait3A_47] : memref<1024x768xf32, #tpu.memory_space<hbm>> -> memref<1024x768xf32, #tpu.memory_space<hbm>>
    tpu.wait_indirect_dma semaphore(%arg8 : memref<!tpu.dma_semaphore, #tpu.memory_space<semaphore_mem>>) src(%dma_wait3A_48 : memref<1024x768xf32, #tpu.memory_space<hbm>>) dst(%arg6 : memref<56x768xf32, #tpu.memory_space<vmem>>)
    %run_scoped3A_49 = arith.constant 2 : i32
    "tpu.region"() ({
      %run_scoped3A_148 = tpu.sem_alloc : memref<!tpu.dma_semaphore, #tpu.memory_space<semaphore_mem>>
      %dma_start3A_149 = arith.constant 0 : i32
      %dma_start3A_150 = arith.constant 0 : i32
      %dma_start3A_151 = tpu.memref_slice %arg4[%add3A, %run_scoped3A_49, %dma_start3A_149, %dma_start3A_150] : memref<32x10x56x768xf32, #tpu.memory_space<hbm>> -> memref<1x1x56x768xf32, #tpu.memory_space<hbm>>
      %dma_start3A_152 = tpu.memref_squeeze %dma_start3A_151 : memref<1x1x56x768xf32, #tpu.memory_space<hbm>> -> memref<56x768xf32, #tpu.memory_space<hbm>>
      %dma_start3A_153 = arith.constant 0 : i32
      %dma_start3A_154 = arith.constant 0 : i32
      %dma_start3A_155 = tpu.memref_slice %arg4[%add3A, %run_scoped3A_49, %dma_start3A_153, %dma_start3A_154] : memref<32x10x56x768xf32, #tpu.memory_space<hbm>> -> memref<1x1x56x768xf32, #tpu.memory_space<hbm>>
      %dma_start3A_156 = tpu.memref_squeeze %dma_start3A_155 : memref<1x1x56x768xf32, #tpu.memory_space<hbm>> -> memref<56x768xf32, #tpu.memory_space<hbm>>
      tpu.enqueue_dma source(%arg6 : memref<56x768xf32, #tpu.memory_space<vmem>>) target(%dma_start3A_156 : memref<56x768xf32, #tpu.memory_space<hbm>>) target_semaphore(%run_scoped3A_148 : memref<!tpu.dma_semaphore, #tpu.memory_space<semaphore_mem>>)
      %dma_wait3A_157 = arith.constant 0 : i32
      %dma_wait3A_158 = arith.constant 0 : i32
      %dma_wait3A_159 = tpu.memref_slice %arg4[%add3A, %run_scoped3A_49, %dma_wait3A_157, %dma_wait3A_158] : memref<32x10x56x768xf32, #tpu.memory_space<hbm>> -> memref<1x1x56x768xf32, #tpu.memory_space<hbm>>
      %dma_wait3A_160 = tpu.memref_squeeze %dma_wait3A_159 : memref<1x1x56x768xf32, #tpu.memory_space<hbm>> -> memref<56x768xf32, #tpu.memory_space<hbm>>
      %dma_wait3A_161 = arith.constant 0 : i32
      %dma_wait3A_162 = arith.constant 0 : i32
      %dma_wait3A_163 = tpu.memref_slice %arg4[%add3A, %run_scoped3A_49, %dma_wait3A_161, %dma_wait3A_162] : memref<32x10x56x768xf32, #tpu.memory_space<hbm>> -> memref<1x1x56x768xf32, #tpu.memory_space<hbm>>
      %dma_wait3A_164 = tpu.memref_squeeze %dma_wait3A_163 : memref<1x1x56x768xf32, #tpu.memory_space<hbm>> -> memref<56x768xf32, #tpu.memory_space<hbm>>
      tpu.wait_dma2 semaphore(%run_scoped3A_148 : memref<!tpu.dma_semaphore, #tpu.memory_space<semaphore_mem>>) src(%arg6 : memref<56x768xf32, #tpu.memory_space<vmem>>) dst(%dma_wait3A_164 : memref<56x768xf32, #tpu.memory_space<hbm>>)
      tpu.yield
    }) : () -> ()
    %dma_start3A_50 = arith.constant 4 : i32
    %dma_start3A_51 = arith.constant 0 : i32
    %dma_start3A_52 = tpu.memref_slice %arg5[%dma_start3A_50, %dma_start3A_51] : memref<10x56xi32, #tpu.memory_space<vmem>> -> memref<1x56xi32, #tpu.memory_space<vmem>>
    %dma_start3A_53 = tpu.memref_squeeze %dma_start3A_52 : memref<1x56xi32, #tpu.memory_space<vmem>> -> memref<56xi32, #tpu.memory_space<vmem>>
    %dma_start3A_54 = arith.constant 0 : i32
    %dma_start3A_55 = arith.constant 0 : i32
    %dma_start3A_56 = tpu.memref_slice %arg3[%dma_start3A_54, %dma_start3A_55] : memref<1024x768xf32, #tpu.memory_space<hbm>> -> memref<1024x768xf32, #tpu.memory_space<hbm>>
    tpu.enqueue_indirect_dma source(%dma_start3A_56 : memref<1024x768xf32, #tpu.memory_space<hbm>>) target(%arg6 : memref<56x768xf32, #tpu.memory_space<vmem>>) offsets(%dma_start3A_53 : memref<56xi32, #tpu.memory_space<vmem>>) semaphore(%arg8 : memref<!tpu.dma_semaphore, #tpu.memory_space<semaphore_mem>>)
    %dma_wait3A_57 = arith.constant 3 : i32
    %dma_wait3A_58 = arith.constant 0 : i32
    %dma_wait3A_59 = tpu.memref_slice %arg5[%dma_wait3A_57, %dma_wait3A_58] : memref<10x56xi32, #tpu.memory_space<vmem>> -> memref<1x56xi32, #tpu.memory_space<vmem>>
    %dma_wait3A_60 = tpu.memref_squeeze %dma_wait3A_59 : memref<1x56xi32, #tpu.memory_space<vmem>> -> memref<56xi32, #tpu.memory_space<vmem>>
    %dma_wait3A_61 = arith.constant 0 : i32
    %dma_wait3A_62 = arith.constant 0 : i32
    %dma_wait3A_63 = tpu.memref_slice %arg3[%dma_wait3A_61, %dma_wait3A_62] : memref<1024x768xf32, #tpu.memory_space<hbm>> -> memref<1024x768xf32, #tpu.memory_space<hbm>>
    tpu.wait_indirect_dma semaphore(%arg9 : memref<!tpu.dma_semaphore, #tpu.memory_space<semaphore_mem>>) src(%dma_wait3A_63 : memref<1024x768xf32, #tpu.memory_space<hbm>>) dst(%arg7 : memref<56x768xf32, #tpu.memory_space<vmem>>)
    %run_scoped3A_64 = arith.constant 3 : i32
    "tpu.region"() ({
      %run_scoped3A_148 = tpu.sem_alloc : memref<!tpu.dma_semaphore, #tpu.memory_space<semaphore_mem>>
      %dma_start3A_149 = arith.constant 0 : i32
      %dma_start3A_150 = arith.constant 0 : i32
      %dma_start3A_151 = tpu.memref_slice %arg4[%add3A, %run_scoped3A_64, %dma_start3A_149, %dma_start3A_150] : memref<32x10x56x768xf32, #tpu.memory_space<hbm>> -> memref<1x1x56x768xf32, #tpu.memory_space<hbm>>
      %dma_start3A_152 = tpu.memref_squeeze %dma_start3A_151 : memref<1x1x56x768xf32, #tpu.memory_space<hbm>> -> memref<56x768xf32, #tpu.memory_space<hbm>>
      %dma_start3A_153 = arith.constant 0 : i32
      %dma_start3A_154 = arith.constant 0 : i32
      %dma_start3A_155 = tpu.memref_slice %arg4[%add3A, %run_scoped3A_64, %dma_start3A_153, %dma_start3A_154] : memref<32x10x56x768xf32, #tpu.memory_space<hbm>> -> memref<1x1x56x768xf32, #tpu.memory_space<hbm>>
      %dma_start3A_156 = tpu.memref_squeeze %dma_start3A_155 : memref<1x1x56x768xf32, #tpu.memory_space<hbm>> -> memref<56x768xf32, #tpu.memory_space<hbm>>
      tpu.enqueue_dma source(%arg7 : memref<56x768xf32, #tpu.memory_space<vmem>>) target(%dma_start3A_156 : memref<56x768xf32, #tpu.memory_space<hbm>>) target_semaphore(%run_scoped3A_148 : memref<!tpu.dma_semaphore, #tpu.memory_space<semaphore_mem>>)
      %dma_wait3A_157 = arith.constant 0 : i32
      %dma_wait3A_158 = arith.constant 0 : i32
      %dma_wait3A_159 = tpu.memref_slice %arg4[%add3A, %run_scoped3A_64, %dma_wait3A_157, %dma_wait3A_158] : memref<32x10x56x768xf32, #tpu.memory_space<hbm>> -> memref<1x1x56x768xf32, #tpu.memory_space<hbm>>
      %dma_wait3A_160 = tpu.memref_squeeze %dma_wait3A_159 : memref<1x1x56x768xf32, #tpu.memory_space<hbm>> -> memref<56x768xf32, #tpu.memory_space<hbm>>
      %dma_wait3A_161 = arith.constant 0 : i32
      %dma_wait3A_162 = arith.constant 0 : i32
      %dma_wait3A_163 = tpu.memref_slice %arg4[%add3A, %run_scoped3A_64, %dma_wait3A_161, %dma_wait3A_162] : memref<32x10x56x768xf32, #tpu.memory_space<hbm>> -> memref<1x1x56x768xf32, #tpu.memory_space<hbm>>
      %dma_wait3A_164 = tpu.memref_squeeze %dma_wait3A_163 : memref<1x1x56x768xf32, #tpu.memory_space<hbm>> -> memref<56x768xf32, #tpu.memory_space<hbm>>
      tpu.wait_dma2 semaphore(%run_scoped3A_148 : memref<!tpu.dma_semaphore, #tpu.memory_space<semaphore_mem>>) src(%arg7 : memref<56x768xf32, #tpu.memory_space<vmem>>) dst(%dma_wait3A_164 : memref<56x768xf32, #tpu.memory_space<hbm>>)
      tpu.yield
    }) : () -> ()
    %dma_start3A_65 = arith.constant 5 : i32
    %dma_start3A_66 = arith.constant 0 : i32
    %dma_start3A_67 = tpu.memref_slice %arg5[%dma_start3A_65, %dma_start3A_66] : memref<10x56xi32, #tpu.memory_space<vmem>> -> memref<1x56xi32, #tpu.memory_space<vmem>>
    %dma_start3A_68 = tpu.memref_squeeze %dma_start3A_67 : memref<1x56xi32, #tpu.memory_space<vmem>> -> memref<56xi32, #tpu.memory_space<vmem>>
    %dma_start3A_69 = arith.constant 0 : i32
    %dma_start3A_70 = arith.constant 0 : i32
    %dma_start3A_71 = tpu.memref_slice %arg3[%dma_start3A_69, %dma_start3A_70] : memref<1024x768xf32, #tpu.memory_space<hbm>> -> memref<1024x768xf32, #tpu.memory_space<hbm>>
    tpu.enqueue_indirect_dma source(%dma_start3A_71 : memref<1024x768xf32, #tpu.memory_space<hbm>>) target(%arg7 : memref<56x768xf32, #tpu.memory_space<vmem>>) offsets(%dma_start3A_68 : memref<56xi32, #tpu.memory_space<vmem>>) semaphore(%arg9 : memref<!tpu.dma_semaphore, #tpu.memory_space<semaphore_mem>>)
    %dma_wait3A_72 = arith.constant 4 : i32
    %dma_wait3A_73 = arith.constant 0 : i32
    %dma_wait3A_74 = tpu.memref_slice %arg5[%dma_wait3A_72, %dma_wait3A_73] : memref<10x56xi32, #tpu.memory_space<vmem>> -> memref<1x56xi32, #tpu.memory_space<vmem>>
    %dma_wait3A_75 = tpu.memref_squeeze %dma_wait3A_74 : memref<1x56xi32, #tpu.memory_space<vmem>> -> memref<56xi32, #tpu.memory_space<vmem>>
    %dma_wait3A_76 = arith.constant 0 : i32
    %dma_wait3A_77 = arith.constant 0 : i32
    %dma_wait3A_78 = tpu.memref_slice %arg3[%dma_wait3A_76, %dma_wait3A_77] : memref<1024x768xf32, #tpu.memory_space<hbm>> -> memref<1024x768xf32, #tpu.memory_space<hbm>>
    tpu.wait_indirect_dma semaphore(%arg8 : memref<!tpu.dma_semaphore, #tpu.memory_space<semaphore_mem>>) src(%dma_wait3A_78 : memref<1024x768xf32, #tpu.memory_space<hbm>>) dst(%arg6 : memref<56x768xf32, #tpu.memory_space<vmem>>)
    %run_scoped3A_79 = arith.constant 4 : i32
    "tpu.region"() ({
      %run_scoped3A_148 = tpu.sem_alloc : memref<!tpu.dma_semaphore, #tpu.memory_space<semaphore_mem>>
      %dma_start3A_149 = arith.constant 0 : i32
      %dma_start3A_150 = arith.constant 0 : i32
      %dma_start3A_151 = tpu.memref_slice %arg4[%add3A, %run_scoped3A_79, %dma_start3A_149, %dma_start3A_150] : memref<32x10x56x768xf32, #tpu.memory_space<hbm>> -> memref<1x1x56x768xf32, #tpu.memory_space<hbm>>
      %dma_start3A_152 = tpu.memref_squeeze %dma_start3A_151 : memref<1x1x56x768xf32, #tpu.memory_space<hbm>> -> memref<56x768xf32, #tpu.memory_space<hbm>>
      %dma_start3A_153 = arith.constant 0 : i32
      %dma_start3A_154 = arith.constant 0 : i32
      %dma_start3A_155 = tpu.memref_slice %arg4[%add3A, %run_scoped3A_79, %dma_start3A_153, %dma_start3A_154] : memref<32x10x56x768xf32, #tpu.memory_space<hbm>> -> memref<1x1x56x768xf32, #tpu.memory_space<hbm>>
      %dma_start3A_156 = tpu.memref_squeeze %dma_start3A_155 : memref<1x1x56x768xf32, #tpu.memory_space<hbm>> -> memref<56x768xf32, #tpu.memory_space<hbm>>
      tpu.enqueue_dma source(%arg6 : memref<56x768xf32, #tpu.memory_space<vmem>>) target(%dma_start3A_156 : memref<56x768xf32, #tpu.memory_space<hbm>>) target_semaphore(%run_scoped3A_148 : memref<!tpu.dma_semaphore, #tpu.memory_space<semaphore_mem>>)
      %dma_wait3A_157 = arith.constant 0 : i32
      %dma_wait3A_158 = arith.constant 0 : i32
      %dma_wait3A_159 = tpu.memref_slice %arg4[%add3A, %run_scoped3A_79, %dma_wait3A_157, %dma_wait3A_158] : memref<32x10x56x768xf32, #tpu.memory_space<hbm>> -> memref<1x1x56x768xf32, #tpu.memory_space<hbm>>
      %dma_wait3A_160 = tpu.memref_squeeze %dma_wait3A_159 : memref<1x1x56x768xf32, #tpu.memory_space<hbm>> -> memref<56x768xf32, #tpu.memory_space<hbm>>
      %dma_wait3A_161 = arith.constant 0 : i32
      %dma_wait3A_162 = arith.constant 0 : i32
      %dma_wait3A_163 = tpu.memref_slice %arg4[%add3A, %run_scoped3A_79, %dma_wait3A_161, %dma_wait3A_162] : memref<32x10x56x768xf32, #tpu.memory_space<hbm>> -> memref<1x1x56x768xf32, #tpu.memory_space<hbm>>
      %dma_wait3A_164 = tpu.memref_squeeze %dma_wait3A_163 : memref<1x1x56x768xf32, #tpu.memory_space<hbm>> -> memref<56x768xf32, #tpu.memory_space<hbm>>
      tpu.wait_dma2 semaphore(%run_scoped3A_148 : memref<!tpu.dma_semaphore, #tpu.memory_space<semaphore_mem>>) src(%arg6 : memref<56x768xf32, #tpu.memory_space<vmem>>) dst(%dma_wait3A_164 : memref<56x768xf32, #tpu.memory_space<hbm>>)
      tpu.yield
    }) : () -> ()
    %dma_start3A_80 = arith.constant 6 : i32
    %dma_start3A_81 = arith.constant 0 : i32
    %dma_start3A_82 = tpu.memref_slice %arg5[%dma_start3A_80, %dma_start3A_81] : memref<10x56xi32, #tpu.memory_space<vmem>> -> memref<1x56xi32, #tpu.memory_space<vmem>>
    %dma_start3A_83 = tpu.memref_squeeze %dma_start3A_82 : memref<1x56xi32, #tpu.memory_space<vmem>> -> memref<56xi32, #tpu.memory_space<vmem>>
    %dma_start3A_84 = arith.constant 0 : i32
    %dma_start3A_85 = arith.constant 0 : i32
    %dma_start3A_86 = tpu.memref_slice %arg3[%dma_start3A_84, %dma_start3A_85] : memref<1024x768xf32, #tpu.memory_space<hbm>> -> memref<1024x768xf32, #tpu.memory_space<hbm>>
    tpu.enqueue_indirect_dma source(%dma_start3A_86 : memref<1024x768xf32, #tpu.memory_space<hbm>>) target(%arg6 : memref<56x768xf32, #tpu.memory_space<vmem>>) offsets(%dma_start3A_83 : memref<56xi32, #tpu.memory_space<vmem>>) semaphore(%arg8 : memref<!tpu.dma_semaphore, #tpu.memory_space<semaphore_mem>>)
    %dma_wait3A_87 = arith.constant 5 : i32
    %dma_wait3A_88 = arith.constant 0 : i32
    %dma_wait3A_89 = tpu.memref_slice %arg5[%dma_wait3A_87, %dma_wait3A_88] : memref<10x56xi32, #tpu.memory_space<vmem>> -> memref<1x56xi32, #tpu.memory_space<vmem>>
    %dma_wait3A_90 = tpu.memref_squeeze %dma_wait3A_89 : memref<1x56xi32, #tpu.memory_space<vmem>> -> memref<56xi32, #tpu.memory_space<vmem>>
    %dma_wait3A_91 = arith.constant 0 : i32
    %dma_wait3A_92 = arith.constant 0 : i32
    %dma_wait3A_93 = tpu.memref_slice %arg3[%dma_wait3A_91, %dma_wait3A_92] : memref<1024x768xf32, #tpu.memory_space<hbm>> -> memref<1024x768xf32, #tpu.memory_space<hbm>>
    tpu.wait_indirect_dma semaphore(%arg9 : memref<!tpu.dma_semaphore, #tpu.memory_space<semaphore_mem>>) src(%dma_wait3A_93 : memref<1024x768xf32, #tpu.memory_space<hbm>>) dst(%arg7 : memref<56x768xf32, #tpu.memory_space<vmem>>)
    %run_scoped3A_94 = arith.constant 5 : i32
    "tpu.region"() ({
      %run_scoped3A_148 = tpu.sem_alloc : memref<!tpu.dma_semaphore, #tpu.memory_space<semaphore_mem>>
      %dma_start3A_149 = arith.constant 0 : i32
      %dma_start3A_150 = arith.constant 0 : i32
      %dma_start3A_151 = tpu.memref_slice %arg4[%add3A, %run_scoped3A_94, %dma_start3A_149, %dma_start3A_150] : memref<32x10x56x768xf32, #tpu.memory_space<hbm>> -> memref<1x1x56x768xf32, #tpu.memory_space<hbm>>
      %dma_start3A_152 = tpu.memref_squeeze %dma_start3A_151 : memref<1x1x56x768xf32, #tpu.memory_space<hbm>> -> memref<56x768xf32, #tpu.memory_space<hbm>>
      %dma_start3A_153 = arith.constant 0 : i32
      %dma_start3A_154 = arith.constant 0 : i32
      %dma_start3A_155 = tpu.memref_slice %arg4[%add3A, %run_scoped3A_94, %dma_start3A_153, %dma_start3A_154] : memref<32x10x56x768xf32, #tpu.memory_space<hbm>> -> memref<1x1x56x768xf32, #tpu.memory_space<hbm>>
      %dma_start3A_156 = tpu.memref_squeeze %dma_start3A_155 : memref<1x1x56x768xf32, #tpu.memory_space<hbm>> -> memref<56x768xf32, #tpu.memory_space<hbm>>
      tpu.enqueue_dma source(%arg7 : memref<56x768xf32, #tpu.memory_space<vmem>>) target(%dma_start3A_156 : memref<56x768xf32, #tpu.memory_space<hbm>>) target_semaphore(%run_scoped3A_148 : memref<!tpu.dma_semaphore, #tpu.memory_space<semaphore_mem>>)
      %dma_wait3A_157 = arith.constant 0 : i32
      %dma_wait3A_158 = arith.constant 0 : i32
      %dma_wait3A_159 = tpu.memref_slice %arg4[%add3A, %run_scoped3A_94, %dma_wait3A_157, %dma_wait3A_158] : memref<32x10x56x768xf32, #tpu.memory_space<hbm>> -> memref<1x1x56x768xf32, #tpu.memory_space<hbm>>
      %dma_wait3A_160 = tpu.memref_squeeze %dma_wait3A_159 : memref<1x1x56x768xf32, #tpu.memory_space<hbm>> -> memref<56x768xf32, #tpu.memory_space<hbm>>
      %dma_wait3A_161 = arith.constant 0 : i32
      %dma_wait3A_162 = arith.constant 0 : i32
      %dma_wait3A_163 = tpu.memref_slice %arg4[%add3A, %run_scoped3A_94, %dma_wait3A_161, %dma_wait3A_162] : memref<32x10x56x768xf32, #tpu.memory_space<hbm>> -> memref<1x1x56x768xf32, #tpu.memory_space<hbm>>
      %dma_wait3A_164 = tpu.memref_squeeze %dma_wait3A_163 : memref<1x1x56x768xf32, #tpu.memory_space<hbm>> -> memref<56x768xf32, #tpu.memory_space<hbm>>
      tpu.wait_dma2 semaphore(%run_scoped3A_148 : memref<!tpu.dma_semaphore, #tpu.memory_space<semaphore_mem>>) src(%arg7 : memref<56x768xf32, #tpu.memory_space<vmem>>) dst(%dma_wait3A_164 : memref<56x768xf32, #tpu.memory_space<hbm>>)
      tpu.yield
    }) : () -> ()
    %dma_start3A_95 = arith.constant 7 : i32
    %dma_start3A_96 = arith.constant 0 : i32
    %dma_start3A_97 = tpu.memref_slice %arg5[%dma_start3A_95, %dma_start3A_96] : memref<10x56xi32, #tpu.memory_space<vmem>> -> memref<1x56xi32, #tpu.memory_space<vmem>>
    %dma_start3A_98 = tpu.memref_squeeze %dma_start3A_97 : memref<1x56xi32, #tpu.memory_space<vmem>> -> memref<56xi32, #tpu.memory_space<vmem>>
    %dma_start3A_99 = arith.constant 0 : i32
    %dma_start3A_100 = arith.constant 0 : i32
    %dma_start3A_101 = tpu.memref_slice %arg3[%dma_start3A_99, %dma_start3A_100] : memref<1024x768xf32, #tpu.memory_space<hbm>> -> memref<1024x768xf32, #tpu.memory_space<hbm>>
    tpu.enqueue_indirect_dma source(%dma_start3A_101 : memref<1024x768xf32, #tpu.memory_space<hbm>>) target(%arg7 : memref<56x768xf32, #tpu.memory_space<vmem>>) offsets(%dma_start3A_98 : memref<56xi32, #tpu.memory_space<vmem>>) semaphore(%arg9 : memref<!tpu.dma_semaphore, #tpu.memory_space<semaphore_mem>>)
    %dma_wait3A_102 = arith.constant 6 : i32
    %dma_wait3A_103 = arith.constant 0 : i32
    %dma_wait3A_104 = tpu.memref_slice %arg5[%dma_wait3A_102, %dma_wait3A_103] : memref<10x56xi32, #tpu.memory_space<vmem>> -> memref<1x56xi32, #tpu.memory_space<vmem>>
    %dma_wait3A_105 = tpu.memref_squeeze %dma_wait3A_104 : memref<1x56xi32, #tpu.memory_space<vmem>> -> memref<56xi32, #tpu.memory_space<vmem>>
    %dma_wait3A_106 = arith.constant 0 : i32
    %dma_wait3A_107 = arith.constant 0 : i32
    %dma_wait3A_108 = tpu.memref_slice %arg3[%dma_wait3A_106, %dma_wait3A_107] : memref<1024x768xf32, #tpu.memory_space<hbm>> -> memref<1024x768xf32, #tpu.memory_space<hbm>>
    tpu.wait_indirect_dma semaphore(%arg8 : memref<!tpu.dma_semaphore, #tpu.memory_space<semaphore_mem>>) src(%dma_wait3A_108 : memref<1024x768xf32, #tpu.memory_space<hbm>>) dst(%arg6 : memref<56x768xf32, #tpu.memory_space<vmem>>)
    %run_scoped3A_109 = arith.constant 6 : i32
    "tpu.region"() ({
      %run_scoped3A_148 = tpu.sem_alloc : memref<!tpu.dma_semaphore, #tpu.memory_space<semaphore_mem>>
      %dma_start3A_149 = arith.constant 0 : i32
      %dma_start3A_150 = arith.constant 0 : i32
      %dma_start3A_151 = tpu.memref_slice %arg4[%add3A, %run_scoped3A_109, %dma_start3A_149, %dma_start3A_150] : memref<32x10x56x768xf32, #tpu.memory_space<hbm>> -> memref<1x1x56x768xf32, #tpu.memory_space<hbm>>
      %dma_start3A_152 = tpu.memref_squeeze %dma_start3A_151 : memref<1x1x56x768xf32, #tpu.memory_space<hbm>> -> memref<56x768xf32, #tpu.memory_space<hbm>>
      %dma_start3A_153 = arith.constant 0 : i32
      %dma_start3A_154 = arith.constant 0 : i32
      %dma_start3A_155 = tpu.memref_slice %arg4[%add3A, %run_scoped3A_109, %dma_start3A_153, %dma_start3A_154] : memref<32x10x56x768xf32, #tpu.memory_space<hbm>> -> memref<1x1x56x768xf32, #tpu.memory_space<hbm>>
      %dma_start3A_156 = tpu.memref_squeeze %dma_start3A_155 : memref<1x1x56x768xf32, #tpu.memory_space<hbm>> -> memref<56x768xf32, #tpu.memory_space<hbm>>
      tpu.enqueue_dma source(%arg6 : memref<56x768xf32, #tpu.memory_space<vmem>>) target(%dma_start3A_156 : memref<56x768xf32, #tpu.memory_space<hbm>>) target_semaphore(%run_scoped3A_148 : memref<!tpu.dma_semaphore, #tpu.memory_space<semaphore_mem>>)
      %dma_wait3A_157 = arith.constant 0 : i32
      %dma_wait3A_158 = arith.constant 0 : i32
      %dma_wait3A_159 = tpu.memref_slice %arg4[%add3A, %run_scoped3A_109, %dma_wait3A_157, %dma_wait3A_158] : memref<32x10x56x768xf32, #tpu.memory_space<hbm>> -> memref<1x1x56x768xf32, #tpu.memory_space<hbm>>
      %dma_wait3A_160 = tpu.memref_squeeze %dma_wait3A_159 : memref<1x1x56x768xf32, #tpu.memory_space<hbm>> -> memref<56x768xf32, #tpu.memory_space<hbm>>
      %dma_wait3A_161 = arith.constant 0 : i32
      %dma_wait3A_162 = arith.constant 0 : i32
      %dma_wait3A_163 = tpu.memref_slice %arg4[%add3A, %run_scoped3A_109, %dma_wait3A_161, %dma_wait3A_162] : memref<32x10x56x768xf32, #tpu.memory_space<hbm>> -> memref<1x1x56x768xf32, #tpu.memory_space<hbm>>
      %dma_wait3A_164 = tpu.memref_squeeze %dma_wait3A_163 : memref<1x1x56x768xf32, #tpu.memory_space<hbm>> -> memref<56x768xf32, #tpu.memory_space<hbm>>
      tpu.wait_dma2 semaphore(%run_scoped3A_148 : memref<!tpu.dma_semaphore, #tpu.memory_space<semaphore_mem>>) src(%arg6 : memref<56x768xf32, #tpu.memory_space<vmem>>) dst(%dma_wait3A_164 : memref<56x768xf32, #tpu.memory_space<hbm>>)
      tpu.yield
    }) : () -> ()
    %dma_start3A_110 = arith.constant 8 : i32
    %dma_start3A_111 = arith.constant 0 : i32
    %dma_start3A_112 = tpu.memref_slice %arg5[%dma_start3A_110, %dma_start3A_111] : memref<10x56xi32, #tpu.memory_space<vmem>> -> memref<1x56xi32, #tpu.memory_space<vmem>>
    %dma_start3A_113 = tpu.memref_squeeze %dma_start3A_112 : memref<1x56xi32, #tpu.memory_space<vmem>> -> memref<56xi32, #tpu.memory_space<vmem>>
    %dma_start3A_114 = arith.constant 0 : i32
    %dma_start3A_115 = arith.constant 0 : i32
    %dma_start3A_116 = tpu.memref_slice %arg3[%dma_start3A_114, %dma_start3A_115] : memref<1024x768xf32, #tpu.memory_space<hbm>> -> memref<1024x768xf32, #tpu.memory_space<hbm>>
    tpu.enqueue_indirect_dma source(%dma_start3A_116 : memref<1024x768xf32, #tpu.memory_space<hbm>>) target(%arg6 : memref<56x768xf32, #tpu.memory_space<vmem>>) offsets(%dma_start3A_113 : memref<56xi32, #tpu.memory_space<vmem>>) semaphore(%arg8 : memref<!tpu.dma_semaphore, #tpu.memory_space<semaphore_mem>>)
    %dma_wait3A_117 = arith.constant 7 : i32
    %dma_wait3A_118 = arith.constant 0 : i32
    %dma_wait3A_119 = tpu.memref_slice %arg5[%dma_wait3A_117, %dma_wait3A_118] : memref<10x56xi32, #tpu.memory_space<vmem>> -> memref<1x56xi32, #tpu.memory_space<vmem>>
    %dma_wait3A_120 = tpu.memref_squeeze %dma_wait3A_119 : memref<1x56xi32, #tpu.memory_space<vmem>> -> memref<56xi32, #tpu.memory_space<vmem>>
    %dma_wait3A_121 = arith.constant 0 : i32
    %dma_wait3A_122 = arith.constant 0 : i32
    %dma_wait3A_123 = tpu.memref_slice %arg3[%dma_wait3A_121, %dma_wait3A_122] : memref<1024x768xf32, #tpu.memory_space<hbm>> -> memref<1024x768xf32, #tpu.memory_space<hbm>>
    tpu.wait_indirect_dma semaphore(%arg9 : memref<!tpu.dma_semaphore, #tpu.memory_space<semaphore_mem>>) src(%dma_wait3A_123 : memref<1024x768xf32, #tpu.memory_space<hbm>>) dst(%arg7 : memref<56x768xf32, #tpu.memory_space<vmem>>)
    %run_scoped3A_124 = arith.constant 7 : i32
    "tpu.region"() ({
      %run_scoped3A_148 = tpu.sem_alloc : memref<!tpu.dma_semaphore, #tpu.memory_space<semaphore_mem>>
      %dma_start3A_149 = arith.constant 0 : i32
      %dma_start3A_150 = arith.constant 0 : i32
      %dma_start3A_151 = tpu.memref_slice %arg4[%add3A, %run_scoped3A_124, %dma_start3A_149, %dma_start3A_150] : memref<32x10x56x768xf32, #tpu.memory_space<hbm>> -> memref<1x1x56x768xf32, #tpu.memory_space<hbm>>
      %dma_start3A_152 = tpu.memref_squeeze %dma_start3A_151 : memref<1x1x56x768xf32, #tpu.memory_space<hbm>> -> memref<56x768xf32, #tpu.memory_space<hbm>>
      %dma_start3A_153 = arith.constant 0 : i32
      %dma_start3A_154 = arith.constant 0 : i32
      %dma_start3A_155 = tpu.memref_slice %arg4[%add3A, %run_scoped3A_124, %dma_start3A_153, %dma_start3A_154] : memref<32x10x56x768xf32, #tpu.memory_space<hbm>> -> memref<1x1x56x768xf32, #tpu.memory_space<hbm>>
      %dma_start3A_156 = tpu.memref_squeeze %dma_start3A_155 : memref<1x1x56x768xf32, #tpu.memory_space<hbm>> -> memref<56x768xf32, #tpu.memory_space<hbm>>
      tpu.enqueue_dma source(%arg7 : memref<56x768xf32, #tpu.memory_space<vmem>>) target(%dma_start3A_156 : memref<56x768xf32, #tpu.memory_space<hbm>>) target_semaphore(%run_scoped3A_148 : memref<!tpu.dma_semaphore, #tpu.memory_space<semaphore_mem>>)
      %dma_wait3A_157 = arith.constant 0 : i32
      %dma_wait3A_158 = arith.constant 0 : i32
      %dma_wait3A_159 = tpu.memref_slice %arg4[%add3A, %run_scoped3A_124, %dma_wait3A_157, %dma_wait3A_158] : memref<32x10x56x768xf32, #tpu.memory_space<hbm>> -> memref<1x1x56x768xf32, #tpu.memory_space<hbm>>
      %dma_wait3A_160 = tpu.memref_squeeze %dma_wait3A_159 : memref<1x1x56x768xf32, #tpu.memory_space<hbm>> -> memref<56x768xf32, #tpu.memory_space<hbm>>
      %dma_wait3A_161 = arith.constant 0 : i32
      %dma_wait3A_162 = arith.constant 0 : i32
      %dma_wait3A_163 = tpu.memref_slice %arg4[%add3A, %run_scoped3A_124, %dma_wait3A_161, %dma_wait3A_162] : memref<32x10x56x768xf32, #tpu.memory_space<hbm>> -> memref<1x1x56x768xf32, #tpu.memory_space<hbm>>
      %dma_wait3A_164 = tpu.memref_squeeze %dma_wait3A_163 : memref<1x1x56x768xf32, #tpu.memory_space<hbm>> -> memref<56x768xf32, #tpu.memory_space<hbm>>
      tpu.wait_dma2 semaphore(%run_scoped3A_148 : memref<!tpu.dma_semaphore, #tpu.memory_space<semaphore_mem>>) src(%arg7 : memref<56x768xf32, #tpu.memory_space<vmem>>) dst(%dma_wait3A_164 : memref<56x768xf32, #tpu.memory_space<hbm>>)
      tpu.yield
    }) : () -> ()
    %dma_start3A_125 = arith.constant 9 : i32
    %dma_start3A_126 = arith.constant 0 : i32
    %dma_start3A_127 = tpu.memref_slice %arg5[%dma_start3A_125, %dma_start3A_126] : memref<10x56xi32, #tpu.memory_space<vmem>> -> memref<1x56xi32, #tpu.memory_space<vmem>>
    %dma_start3A_128 = tpu.memref_squeeze %dma_start3A_127 : memref<1x56xi32, #tpu.memory_space<vmem>> -> memref<56xi32, #tpu.memory_space<vmem>>
    %dma_start3A_129 = arith.constant 0 : i32
    %dma_start3A_130 = arith.constant 0 : i32
    %dma_start3A_131 = tpu.memref_slice %arg3[%dma_start3A_129, %dma_start3A_130] : memref<1024x768xf32, #tpu.memory_space<hbm>> -> memref<1024x768xf32, #tpu.memory_space<hbm>>
    tpu.enqueue_indirect_dma source(%dma_start3A_131 : memref<1024x768xf32, #tpu.memory_space<hbm>>) target(%arg7 : memref<56x768xf32, #tpu.memory_space<vmem>>) offsets(%dma_start3A_128 : memref<56xi32, #tpu.memory_space<vmem>>) semaphore(%arg9 : memref<!tpu.dma_semaphore, #tpu.memory_space<semaphore_mem>>)
    %dma_wait3A_132 = arith.constant 8 : i32
    %dma_wait3A_133 = arith.constant 0 : i32
    %dma_wait3A_134 = tpu.memref_slice %arg5[%dma_wait3A_132, %dma_wait3A_133] : memref<10x56xi32, #tpu.memory_space<vmem>> -> memref<1x56xi32, #tpu.memory_space<vmem>>
    %dma_wait3A_135 = tpu.memref_squeeze %dma_wait3A_134 : memref<1x56xi32, #tpu.memory_space<vmem>> -> memref<56xi32, #tpu.memory_space<vmem>>
    %dma_wait3A_136 = arith.constant 0 : i32
    %dma_wait3A_137 = arith.constant 0 : i32
    %dma_wait3A_138 = tpu.memref_slice %arg3[%dma_wait3A_136, %dma_wait3A_137] : memref<1024x768xf32, #tpu.memory_space<hbm>> -> memref<1024x768xf32, #tpu.memory_space<hbm>>
    tpu.wait_indirect_dma semaphore(%arg8 : memref<!tpu.dma_semaphore, #tpu.memory_space<semaphore_mem>>) src(%dma_wait3A_138 : memref<1024x768xf32, #tpu.memory_space<hbm>>) dst(%arg6 : memref<56x768xf32, #tpu.memory_space<vmem>>)
    %run_scoped3A_139 = arith.constant 8 : i32
    "tpu.region"() ({
      %run_scoped3A_148 = tpu.sem_alloc : memref<!tpu.dma_semaphore, #tpu.memory_space<semaphore_mem>>
      %dma_start3A_149 = arith.constant 0 : i32
      %dma_start3A_150 = arith.constant 0 : i32
      %dma_start3A_151 = tpu.memref_slice %arg4[%add3A, %run_scoped3A_139, %dma_start3A_149, %dma_start3A_150] : memref<32x10x56x768xf32, #tpu.memory_space<hbm>> -> memref<1x1x56x768xf32, #tpu.memory_space<hbm>>
      %dma_start3A_152 = tpu.memref_squeeze %dma_start3A_151 : memref<1x1x56x768xf32, #tpu.memory_space<hbm>> -> memref<56x768xf32, #tpu.memory_space<hbm>>
      %dma_start3A_153 = arith.constant 0 : i32
      %dma_start3A_154 = arith.constant 0 : i32
      %dma_start3A_155 = tpu.memref_slice %arg4[%add3A, %run_scoped3A_139, %dma_start3A_153, %dma_start3A_154] : memref<32x10x56x768xf32, #tpu.memory_space<hbm>> -> memref<1x1x56x768xf32, #tpu.memory_space<hbm>>
      %dma_start3A_156 = tpu.memref_squeeze %dma_start3A_155 : memref<1x1x56x768xf32, #tpu.memory_space<hbm>> -> memref<56x768xf32, #tpu.memory_space<hbm>>
      tpu.enqueue_dma source(%arg6 : memref<56x768xf32, #tpu.memory_space<vmem>>) target(%dma_start3A_156 : memref<56x768xf32, #tpu.memory_space<hbm>>) target_semaphore(%run_scoped3A_148 : memref<!tpu.dma_semaphore, #tpu.memory_space<semaphore_mem>>)
      %dma_wait3A_157 = arith.constant 0 : i32
      %dma_wait3A_158 = arith.constant 0 : i32
      %dma_wait3A_159 = tpu.memref_slice %arg4[%add3A, %run_scoped3A_139, %dma_wait3A_157, %dma_wait3A_158] : memref<32x10x56x768xf32, #tpu.memory_space<hbm>> -> memref<1x1x56x768xf32, #tpu.memory_space<hbm>>
      %dma_wait3A_160 = tpu.memref_squeeze %dma_wait3A_159 : memref<1x1x56x768xf32, #tpu.memory_space<hbm>> -> memref<56x768xf32, #tpu.memory_space<hbm>>
      %dma_wait3A_161 = arith.constant 0 : i32
      %dma_wait3A_162 = arith.constant 0 : i32
      %dma_wait3A_163 = tpu.memref_slice %arg4[%add3A, %run_scoped3A_139, %dma_wait3A_161, %dma_wait3A_162] : memref<32x10x56x768xf32, #tpu.memory_space<hbm>> -> memref<1x1x56x768xf32, #tpu.memory_space<hbm>>
      %dma_wait3A_164 = tpu.memref_squeeze %dma_wait3A_163 : memref<1x1x56x768xf32, #tpu.memory_space<hbm>> -> memref<56x768xf32, #tpu.memory_space<hbm>>
      tpu.wait_dma2 semaphore(%run_scoped3A_148 : memref<!tpu.dma_semaphore, #tpu.memory_space<semaphore_mem>>) src(%arg6 : memref<56x768xf32, #tpu.memory_space<vmem>>) dst(%dma_wait3A_164 : memref<56x768xf32, #tpu.memory_space<hbm>>)
      tpu.yield
    }) : () -> ()
    %dma_wait3A_140 = arith.constant 9 : i32
    %dma_wait3A_141 = arith.constant 0 : i32
    %dma_wait3A_142 = tpu.memref_slice %arg5[%dma_wait3A_140, %dma_wait3A_141] : memref<10x56xi32, #tpu.memory_space<vmem>> -> memref<1x56xi32, #tpu.memory_space<vmem>>
    %dma_wait3A_143 = tpu.memref_squeeze %dma_wait3A_142 : memref<1x56xi32, #tpu.memory_space<vmem>> -> memref<56xi32, #tpu.memory_space<vmem>>
    %dma_wait3A_144 = arith.constant 0 : i32
    %dma_wait3A_145 = arith.constant 0 : i32
    %dma_wait3A_146 = tpu.memref_slice %arg3[%dma_wait3A_144, %dma_wait3A_145] : memref<1024x768xf32, #tpu.memory_space<hbm>> -> memref<1024x768xf32, #tpu.memory_space<hbm>>
    tpu.wait_indirect_dma semaphore(%arg9 : memref<!tpu.dma_semaphore, #tpu.memory_space<semaphore_mem>>) src(%dma_wait3A_146 : memref<1024x768xf32, #tpu.memory_space<hbm>>) dst(%arg7 : memref<56x768xf32, #tpu.memory_space<vmem>>)
    %run_scoped3A_147 = arith.constant 9 : i32
    "tpu.region"() ({
      %run_scoped3A_148 = tpu.sem_alloc : memref<!tpu.dma_semaphore, #tpu.memory_space<semaphore_mem>>
      %dma_start3A_149 = arith.constant 0 : i32
      %dma_start3A_150 = arith.constant 0 : i32
      %dma_start3A_151 = tpu.memref_slice %arg4[%add3A, %run_scoped3A_147, %dma_start3A_149, %dma_start3A_150] : memref<32x10x56x768xf32, #tpu.memory_space<hbm>> -> memref<1x1x56x768xf32, #tpu.memory_space<hbm>>
      %dma_start3A_152 = tpu.memref_squeeze %dma_start3A_151 : memref<1x1x56x768xf32, #tpu.memory_space<hbm>> -> memref<56x768xf32, #tpu.memory_space<hbm>>
      %dma_start3A_153 = arith.constant 0 : i32
      %dma_start3A_154 = arith.constant 0 : i32
      %dma_start3A_155 = tpu.memref_slice %arg4[%add3A, %run_scoped3A_147, %dma_start3A_153, %dma_start3A_154] : memref<32x10x56x768xf32, #tpu.memory_space<hbm>> -> memref<1x1x56x768xf32, #tpu.memory_space<hbm>>
      %dma_start3A_156 = tpu.memref_squeeze %dma_start3A_155 : memref<1x1x56x768xf32, #tpu.memory_space<hbm>> -> memref<56x768xf32, #tpu.memory_space<hbm>>
      tpu.enqueue_dma source(%arg7 : memref<56x768xf32, #tpu.memory_space<vmem>>) target(%dma_start3A_156 : memref<56x768xf32, #tpu.memory_space<hbm>>) target_semaphore(%run_scoped3A_148 : memref<!tpu.dma_semaphore, #tpu.memory_space<semaphore_mem>>)
      %dma_wait3A_157 = arith.constant 0 : i32
      %dma_wait3A_158 = arith.constant 0 : i32
      %dma_wait3A_159 = tpu.memref_slice %arg4[%add3A, %run_scoped3A_147, %dma_wait3A_157, %dma_wait3A_158] : memref<32x10x56x768xf32, #tpu.memory_space<hbm>> -> memref<1x1x56x768xf32, #tpu.memory_space<hbm>>
      %dma_wait3A_160 = tpu.memref_squeeze %dma_wait3A_159 : memref<1x1x56x768xf32, #tpu.memory_space<hbm>> -> memref<56x768xf32, #tpu.memory_space<hbm>>
      %dma_wait3A_161 = arith.constant 0 : i32
      %dma_wait3A_162 = arith.constant 0 : i32
      %dma_wait3A_163 = tpu.memref_slice %arg4[%add3A, %run_scoped3A_147, %dma_wait3A_161, %dma_wait3A_162] : memref<32x10x56x768xf32, #tpu.memory_space<hbm>> -> memref<1x1x56x768xf32, #tpu.memory_space<hbm>>
      %dma_wait3A_164 = tpu.memref_squeeze %dma_wait3A_163 : memref<1x1x56x768xf32, #tpu.memory_space<hbm>> -> memref<56x768xf32, #tpu.memory_space<hbm>>
      tpu.wait_dma2 semaphore(%run_scoped3A_148 : memref<!tpu.dma_semaphore, #tpu.memory_space<semaphore_mem>>) src(%arg7 : memref<56x768xf32, #tpu.memory_space<vmem>>) dst(%dma_wait3A_164 : memref<56x768xf32, #tpu.memory_space<hbm>>)
      tpu.yield
    }) : () -> ()
    return
  }
}

module attributes {stable_mosaic.version = 14 : i64} {
  func.func @_nn_body(%arg0: i32, %arg1: memref<768x512xf32, #tpu.memory_space<vmem>>, %arg2: memref<2048x768xf32, #tpu.memory_space<vmem>>, %arg3: memref<2048x1xi32, #tpu.memory_space<vmem>>, %arg4: memref<1x1x512xi32, #tpu.memory_space<vmem>>) attributes {dimension_semantics = [#tpu.dimension_semantics<arbitrary>], iteration_bounds = array<i64: 35>, scalar_prefetch = 0 : i64, scratch_operands = 0 : i64, tpu.core_type = #tpu.core_type<tc>, window_params = [{transform_indices = @transform_0, window_bounds = array<i64: 768, 512>}, {pipeline_mode = #tpu.pipeline_mode<synchronous>, transform_indices = @transform_1, window_bounds = array<i64: 2048, 768>}, {pipeline_mode = #tpu.pipeline_mode<synchronous>, transform_indices = @transform_2, window_bounds = array<i64: 2048, 1>}, {transform_indices = @transform_3, window_bounds = array<i64: 1, 1, 512>}]} {
    %get3A = arith.constant 0 : index
    %get3A_0 = arith.constant 0 : index
    %get3A_1 = vector.load %arg1[%get3A, %get3A_0] : memref<768x512xf32, #tpu.memory_space<vmem>>, vector<768x512xf32>
    %get3A_2 = arith.constant 0 : index
    %get3A_3 = arith.constant 0 : index
    %get3A_4 = vector.load %arg2[%get3A_2, %get3A_3] : memref<2048x768xf32, #tpu.memory_space<vmem>>, vector<2048x768xf32>
    %dot_general3A = arith.constant dense<0.000000e+00> : vector<2048x512xf32>
    %dot_general3A_5 = tpu.matmul %get3A_4, %get3A_1, %dot_general3A {dimension_numbers = #tpu.dot_dimension_numbers<[1], [0], [0], [1], [0, 0, 1, 1], [], []>, transpose_lhs_hint = false} : vector<2048x768xf32>, vector<768x512xf32>, vector<2048x512xf32> -> vector<2048x512xf32>
    %mul3A = arith.mulf %get3A_1, %get3A_1 : vector<768x512xf32>
    %reduce_sum3A = arith.constant dense<0.000000e+00> : vector<512xf32>
    %reduce_sum3A_6 = vector.multi_reduction <add>, %mul3A, %reduce_sum3A [0] : vector<768x512xf32> to vector<512xf32>
    %broadcast_in_dim3A = vector.shape_cast %reduce_sum3A_6 : vector<512xf32> to vector<1x512xf32>
    %mul3A_7 = arith.mulf %get3A_4, %get3A_4 : vector<2048x768xf32>
    %reduce_sum3A_8 = arith.constant dense<0.000000e+00> : vector<2048xf32>
    %reduce_sum3A_9 = vector.multi_reduction <add>, %mul3A_7, %reduce_sum3A_8 [1] : vector<2048x768xf32> to vector<2048xf32>
    %broadcast_in_dim3A_10 = vector.shape_cast %reduce_sum3A_9 : vector<2048xf32> to vector<2048x1xf32>
    %mul3A_11 = arith.constant 2.000000e+00 : f32
    %mul3A_12 = vector.broadcast %mul3A_11 : f32 to vector<2048x512xf32>
    %mul3A_13 = arith.mulf %mul3A_12, %dot_general3A_5 : vector<2048x512xf32>
    %sub3A = vector.broadcast %broadcast_in_dim3A : vector<1x512xf32> to vector<2048x512xf32>
    %sub3A_14 = arith.subf %sub3A, %mul3A_13 : vector<2048x512xf32>
    %add3A = vector.broadcast %broadcast_in_dim3A_10 : vector<2048x1xf32> to vector<2048x512xf32>
    %add3A_15 = arith.addf %sub3A_14, %add3A : vector<2048x512xf32>
    %reduce_min3A = arith.constant dense<0x7F800000> : vector<512xf32>
    %reduce_min3A_16 = vector.multi_reduction <minimumf>, %add3A_15, %reduce_min3A [0] : vector<2048x512xf32> to vector<512xf32>
    %broadcast_in_dim3A_17 = vector.shape_cast %reduce_min3A_16 : vector<512xf32> to vector<1x512xf32>
    %iota3A = tpu.iota {dimensions = array<i32: 0>} : vector<2048x512xi32>
    %eq3A = vector.broadcast %broadcast_in_dim3A_17 : vector<1x512xf32> to vector<2048x512xf32>
    %eq3A_18 = arith.cmpf oeq, %add3A_15, %eq3A : vector<2048x512xf32>
    %jit3A = arith.constant 2048 : i32
    %broadcast_in_dim3A_19 = vector.broadcast %jit3A : i32 to vector<2048x512xi32>
    %select_n3A = arith.select %eq3A_18, %iota3A, %broadcast_in_dim3A_19 : vector<2048x512xi1>, vector<2048x512xi32>
    %reduce_min3A_20 = arith.constant dense<2147483647> : vector<512xi32>
    %reduce_min3A_21 = vector.multi_reduction <minsi>, %select_n3A, %reduce_min3A_20 [0] : vector<2048x512xi32> to vector<512xi32>
    %broadcast_in_dim3A_22 = vector.shape_cast %reduce_min3A_21 : vector<512xi32> to vector<1x512xi32>
    %eq3A_23 = vector.broadcast %broadcast_in_dim3A_22 : vector<1x512xi32> to vector<2048x512xi32>
    %eq3A_24 = arith.cmpi eq, %iota3A, %eq3A_23 : vector<2048x512xi32>
    %get3A_25 = arith.constant 0 : index
    %get3A_26 = arith.constant 0 : index
    %get3A_27 = vector.load %arg3[%get3A_25, %get3A_26] : memref<2048x1xi32, #tpu.memory_space<vmem>>, vector<2048x1xi32>
    %jit3A_28 = arith.constant 0 : i32
    %broadcast_in_dim3A_29 = vector.shape_cast %get3A_27 : vector<2048x1xi32> to vector<2048x1xi32>
    %broadcast_in_dim3A_30 = vector.broadcast %broadcast_in_dim3A_29 : vector<2048x1xi32> to vector<2048x512xi32>
    %broadcast_in_dim3A_31 = vector.broadcast %jit3A_28 : i32 to vector<2048x512xi32>
    %select_n3A_32 = arith.select %eq3A_24, %broadcast_in_dim3A_30, %broadcast_in_dim3A_31 : vector<2048x512xi1>, vector<2048x512xi32>
    %reduce_sum3A_33 = arith.constant dense<0> : vector<512xi32>
    %reduce_sum3A_34 = vector.multi_reduction <add>, %select_n3A_32, %reduce_sum3A_33 [0] : vector<2048x512xi32> to vector<512xi32>
    %swap3A = arith.constant 0 : index
    %swap3A_35 = arith.constant 0 : index
    %swap3A_36 = arith.constant 0 : index
    %swap3A_37 = vector.load %arg4[%swap3A, %swap3A_35, %swap3A_36] : memref<1x1x512xi32, #tpu.memory_space<vmem>>, vector<1x1x512xi32>
    %swap3A_38 = vector.shape_cast %swap3A_37 : vector<1x1x512xi32> to vector<512xi32>
    %swap3A_39 = vector.shape_cast %reduce_sum3A_34 : vector<512xi32> to vector<1x1x512xi32>
    tpu.vector_store %arg4[%swap3A, %swap3A_35, %swap3A_36], %swap3A_39 {strides = array<i32>} : memref<1x1x512xi32, #tpu.memory_space<vmem>>, vector<1x1x512xi32>,
    return
  }
  func.func @transform_0(%arg0: i32) -> (i32, i32) {
    %c0_i32 = arith.constant 0 : i32
    %c0_i32_0 = arith.constant 0 : i32
    return %c0_i32, %arg0 : i32, i32
  }
  func.func @transform_1(%arg0: i32) -> (i32, i32) {
    %c0_i32 = arith.constant 0 : i32
    %c0_i32_0 = arith.constant 0 : i32
    %c0_i32_1 = arith.constant 0 : i32
    return %c0_i32, %c0_i32_0 : i32, i32
  }
  func.func @transform_2(%arg0: i32) -> (i32, i32) {
    %c0_i32 = arith.constant 0 : i32
    %c0_i32_0 = arith.constant 0 : i32
    %c0_i32_1 = arith.constant 0 : i32
    return %c0_i32, %c0_i32_0 : i32, i32
  }
  func.func @transform_3(%arg0: i32) -> (i32, i32, i32) {
    %c0_i32 = arith.constant 0 : i32
    %c0_i32_0 = arith.constant 0 : i32
    %c0_i32_1 = arith.constant 0 : i32
    return %arg0, %c0_i32, %c0_i32_0 : i32, i32, i32
  }
}

module attributes {stable_mosaic.version = 14 : i64} {
  func.func @_fold_body(%arg0: i32, %arg1: memref<2128x48xf32, #tpu.memory_space<vmem>>, %arg2: memref<148x2128xf32, #tpu.memory_space<vmem>>, %arg3: memref<3x128x128xf32, #tpu.memory_space<vmem>>, %arg4: memref<133x48x148xf32, #tpu.memory_space<vmem>>) attributes {dimension_semantics = [#tpu.dimension_semantics<arbitrary>], iteration_bounds = array<i64: 133>, scalar_prefetch = 0 : i64, scratch_operands = 1 : i64, tpu.core_type = #tpu.core_type<tc>, window_params = [{transform_indices = @transform_0, window_bounds = array<i64: 2128, 48>}, {pipeline_mode = #tpu.pipeline_mode<synchronous>, transform_indices = @transform_1, window_bounds = array<i64: 148, 2128>}, {pipeline_mode = #tpu.pipeline_mode<synchronous>, transform_indices = @transform_2, window_bounds = array<i64: 3, 128, 128>}]} {
    %get3A = arith.constant 0 : index
    %get3A_0 = arith.constant 0 : index
    %get3A_1 = vector.load %arg1[%get3A, %get3A_0] : memref<2128x48xf32, #tpu.memory_space<vmem>>, vector<2128x48xf32>
    %get3A_2 = arith.constant 0 : index
    %get3A_3 = arith.constant 0 : index
    %get3A_4 = vector.load %arg2[%get3A_2, %get3A_3] : memref<148x2128xf32, #tpu.memory_space<vmem>>, vector<148x2128xf32>
    %dot_general3A = arith.constant dense<0.000000e+00> : vector<148x48xf32>
    %dot_general3A_5 = tpu.matmul %get3A_4, %get3A_1, %dot_general3A {dimension_numbers = #tpu.dot_dimension_numbers<[1], [0], [0], [1], [0, 0, 1, 1], [], []>, transpose_lhs_hint = false} : vector<148x2128xf32>, vector<2128x48xf32>, vector<148x48xf32> -> vector<148x48xf32>
    %transpose3A = tpu.transpose %dot_general3A_5, [1, 0] : vector<148x48xf32> -> vector<48x148xf32>
    %swap3A = arith.index_cast %arg0 : i32 to index
    %swap3A_6 = arith.constant 0 : index
    %swap3A_7 = arith.constant 0 : index
    %swap3A_8 = vector.load %arg4[%swap3A, %swap3A_6, %swap3A_7] : memref<133x48x148xf32, #tpu.memory_space<vmem>>, vector<1x48x148xf32>
    %swap3A_9 = vector.shape_cast %swap3A_8 : vector<1x48x148xf32> to vector<48x148xf32>
    %swap3A_10 = vector.shape_cast %transpose3A : vector<48x148xf32> to vector<1x48x148xf32>
    tpu.vector_store %arg4[%swap3A, %swap3A_6, %swap3A_7], %swap3A_10 {strides = array<i32>} : memref<133x48x148xf32, #tpu.memory_space<vmem>>, vector<1x48x148xf32>,
    %eq3A = arith.constant 132 : i32
    %eq3A_11 = arith.cmpi eq, %arg0, %eq3A : i32
    %convert_element_type3A = arith.extui %eq3A_11 : i1 to i32
    %cond3A = arith.constant 0 : i32
    %cond3A_12 = arith.cmpi ne, %convert_element_type3A, %cond3A : i32
    scf.if %cond3A_12 {
      %broadcast_in_dim3A = arith.constant 0.000000e+00 : f32
      %broadcast_in_dim3A_13 = vector.broadcast %broadcast_in_dim3A : f32 to vector<3x128x128xf32>
      %swap3A_14 = arith.constant 0 : index
      %swap3A_15 = arith.constant 0 : index
      %swap3A_16 = arith.constant 0 : index
      %swap3A_17 = vector.load %arg3[%swap3A_14, %swap3A_15, %swap3A_16] : memref<3x128x128xf32, #tpu.memory_space<vmem>>, vector<3x128x128xf32>
      tpu.vector_store %arg3[%swap3A_14, %swap3A_15, %swap3A_16], %broadcast_in_dim3A_13 {strides = array<i32>} : memref<3x128x128xf32, #tpu.memory_space<vmem>>, vector<3x128x128xf32>,
      %get3A_18 = arith.constant 0 : index
      %get3A_19 = arith.constant 0 : index
      %get3A_20 = arith.constant 0 : index
      %get3A_21 = vector.load %arg3[%get3A_18, %get3A_19, %get3A_20] : memref<3x128x128xf32, #tpu.memory_space<vmem>>, vector<1x123x128xf32>
      %get3A_22 = vector.shape_cast %get3A_21 : vector<1x123x128xf32> to vector<123x128xf32>
      %get3A_23 = arith.constant 10 : index
      %get3A_24 = arith.constant 0 : index
      %get3A_25 = arith.constant 10 : index
      %get3A_26 = vector.load %arg4[%get3A_23, %get3A_24, %get3A_25] : memref<133x48x148xf32, #tpu.memory_space<vmem>>, vector<123x1x128xf32>
      %get3A_27 = vector.shape_cast %get3A_26 : vector<123x1x128xf32> to vector<123x128xf32>
      %add3A = arith.addf %get3A_22, %get3A_27 : vector<123x128xf32>
      %swap3A_28 = arith.constant 0 : index
      %swap3A_29 = arith.constant 0 : index
      %swap3A_30 = arith.constant 0 : index
      %swap3A_31 = vector.load %arg3[%swap3A_28, %swap3A_29, %swap3A_30] : memref<3x128x128xf32, #tpu.memory_space<vmem>>, vector<1x123x128xf32>
      %swap3A_32 = vector.shape_cast %swap3A_31 : vector<1x123x128xf32> to vector<123x128xf32>
      %swap3A_33 = vector.shape_cast %add3A : vector<123x128xf32> to vector<1x123x128xf32>
      tpu.vector_store %arg3[%swap3A_28, %swap3A_29, %swap3A_30], %swap3A_33 {strides = array<i32>} : memref<3x128x128xf32, #tpu.memory_space<vmem>>, vector<1x123x128xf32>,
      %get3A_34 = arith.constant 0 : index
      %get3A_35 = arith.constant 0 : index
      %get3A_36 = arith.constant 0 : index
      %get3A_37 = vector.load %arg3[%get3A_34, %get3A_35, %get3A_36] : memref<3x128x128xf32, #tpu.memory_space<vmem>>, vector<1x124x128xf32>
      %get3A_38 = vector.shape_cast %get3A_37 : vector<1x124x128xf32> to vector<124x128xf32>
      %get3A_39 = arith.constant 9 : index
      %get3A_40 = arith.constant 1 : index
      %get3A_41 = arith.constant 10 : index
      %get3A_42 = vector.load %arg4[%get3A_39, %get3A_40, %get3A_41] : memref<133x48x148xf32, #tpu.memory_space<vmem>>, vector<124x1x128xf32>
      %get3A_43 = vector.shape_cast %get3A_42 : vector<124x1x128xf32> to vector<124x128xf32>
      %add3A_44 = arith.addf %get3A_38, %get3A_43 : vector<124x128xf32>
      %swap3A_45 = arith.constant 0 : index
      %swap3A_46 = arith.constant 0 : index
      %swap3A_47 = arith.constant 0 : index
      %swap3A_48 = vector.load %arg3[%swap3A_45, %swap3A_46, %swap3A_47] : memref<3x128x128xf32, #tpu.memory_space<vmem>>, vector<1x124x128xf32>
      %swap3A_49 = vector.shape_cast %swap3A_48 : vector<1x124x128xf32> to vector<124x128xf32>
      %swap3A_50 = vector.shape_cast %add3A_44 : vector<124x128xf32> to vector<1x124x128xf32>
      tpu.vector_store %arg3[%swap3A_45, %swap3A_46, %swap3A_47], %swap3A_50 {strides = array<i32>} : memref<3x128x128xf32, #tpu.memory_space<vmem>>, vector<1x124x128xf32>,
      %get3A_51 = arith.constant 0 : index
      %get3A_52 = arith.constant 0 : index
      %get3A_53 = arith.constant 0 : index
      %get3A_54 = vector.load %arg3[%get3A_51, %get3A_52, %get3A_53] : memref<3x128x128xf32, #tpu.memory_space<vmem>>, vector<1x125x128xf32>
      %get3A_55 = vector.shape_cast %get3A_54 : vector<1x125x128xf32> to vector<125x128xf32>
      %get3A_56 = arith.constant 8 : index
      %get3A_57 = arith.constant 2 : index
      %get3A_58 = arith.constant 10 : index
      %get3A_59 = vector.load %arg4[%get3A_56, %get3A_57, %get3A_58] : memref<133x48x148xf32, #tpu.memory_space<vmem>>, vector<125x1x128xf32>
      %get3A_60 = vector.shape_cast %get3A_59 : vector<125x1x128xf32> to vector<125x128xf32>
      %add3A_61 = arith.addf %get3A_55, %get3A_60 : vector<125x128xf32>
      %swap3A_62 = arith.constant 0 : index
      %swap3A_63 = arith.constant 0 : index
      %swap3A_64 = arith.constant 0 : index
      %swap3A_65 = vector.load %arg3[%swap3A_62, %swap3A_63, %swap3A_64] : memref<3x128x128xf32, #tpu.memory_space<vmem>>, vector<1x125x128xf32>
      %swap3A_66 = vector.shape_cast %swap3A_65 : vector<1x125x128xf32> to vector<125x128xf32>
      %swap3A_67 = vector.shape_cast %add3A_61 : vector<125x128xf32> to vector<1x125x128xf32>
      tpu.vector_store %arg3[%swap3A_62, %swap3A_63, %swap3A_64], %swap3A_67 {strides = array<i32>} : memref<3x128x128xf32, #tpu.memory_space<vmem>>, vector<1x125x128xf32>,
      %get3A_68 = arith.constant 0 : index
      %get3A_69 = arith.constant 0 : index
      %get3A_70 = arith.constant 0 : index
      %get3A_71 = vector.load %arg3[%get3A_68, %get3A_69, %get3A_70] : memref<3x128x128xf32, #tpu.memory_space<vmem>>, vector<1x126x128xf32>
      %get3A_72 = vector.shape_cast %get3A_71 : vector<1x126x128xf32> to vector<126x128xf32>
      %get3A_73 = arith.constant 7 : index
      %get3A_74 = arith.constant 3 : index
      %get3A_75 = arith.constant 10 : index
      %get3A_76 = vector.load %arg4[%get3A_73, %get3A_74, %get3A_75] : memref<133x48x148xf32, #tpu.memory_space<vmem>>, vector<126x1x128xf32>
      %get3A_77 = vector.shape_cast %get3A_76 : vector<126x1x128xf32> to vector<126x128xf32>
      %add3A_78 = arith.addf %get3A_72, %get3A_77 : vector<126x128xf32>
      %swap3A_79 = arith.constant 0 : index
      %swap3A_80 = arith.constant 0 : index
      %swap3A_81 = arith.constant 0 : index
      %swap3A_82 = vector.load %arg3[%swap3A_79, %swap3A_80, %swap3A_81] : memref<3x128x128xf32, #tpu.memory_space<vmem>>, vector<1x126x128xf32>
      %swap3A_83 = vector.shape_cast %swap3A_82 : vector<1x126x128xf32> to vector<126x128xf32>
      %swap3A_84 = vector.shape_cast %add3A_78 : vector<126x128xf32> to vector<1x126x128xf32>
      tpu.vector_store %arg3[%swap3A_79, %swap3A_80, %swap3A_81], %swap3A_84 {strides = array<i32>} : memref<3x128x128xf32, #tpu.memory_space<vmem>>, vector<1x126x128xf32>,
      %get3A_85 = arith.constant 0 : index
      %get3A_86 = arith.constant 0 : index
      %get3A_87 = arith.constant 0 : index
      %get3A_88 = vector.load %arg3[%get3A_85, %get3A_86, %get3A_87] : memref<3x128x128xf32, #tpu.memory_space<vmem>>, vector<1x127x128xf32>
      %get3A_89 = vector.shape_cast %get3A_88 : vector<1x127x128xf32> to vector<127x128xf32>
      %get3A_90 = arith.constant 6 : index
      %get3A_91 = arith.constant 4 : index
      %get3A_92 = arith.constant 10 : index
      %get3A_93 = vector.load %arg4[%get3A_90, %get3A_91, %get3A_92] : memref<133x48x148xf32, #tpu.memory_space<vmem>>, vector<127x1x128xf32>
      %get3A_94 = vector.shape_cast %get3A_93 : vector<127x1x128xf32> to vector<127x128xf32>
      %add3A_95 = arith.addf %get3A_89, %get3A_94 : vector<127x128xf32>
      %swap3A_96 = arith.constant 0 : index
      %swap3A_97 = arith.constant 0 : index
      %swap3A_98 = arith.constant 0 : index
      %swap3A_99 = vector.load %arg3[%swap3A_96, %swap3A_97, %swap3A_98] : memref<3x128x128xf32, #tpu.memory_space<vmem>>, vector<1x127x128xf32>
      %swap3A_100 = vector.shape_cast %swap3A_99 : vector<1x127x128xf32> to vector<127x128xf32>
      %swap3A_101 = vector.shape_cast %add3A_95 : vector<127x128xf32> to vector<1x127x128xf32>
      tpu.vector_store %arg3[%swap3A_96, %swap3A_97, %swap3A_98], %swap3A_101 {strides = array<i32>} : memref<3x128x128xf32, #tpu.memory_space<vmem>>, vector<1x127x128xf32>,
      %get3A_102 = arith.constant 0 : index
      %get3A_103 = arith.constant 0 : index
      %get3A_104 = arith.constant 0 : index
      %get3A_105 = vector.load %arg3[%get3A_102, %get3A_103, %get3A_104] : memref<3x128x128xf32, #tpu.memory_space<vmem>>, vector<1x128x128xf32>
      %get3A_106 = vector.shape_cast %get3A_105 : vector<1x128x128xf32> to vector<128x128xf32>
      %get3A_107 = arith.constant 5 : index
      %get3A_108 = arith.constant 5 : index
      %get3A_109 = arith.constant 10 : index
      %get3A_110 = vector.load %arg4[%get3A_107, %get3A_108, %get3A_109] : memref<133x48x148xf32, #tpu.memory_space<vmem>>, vector<128x1x128xf32>
      %get3A_111 = vector.shape_cast %get3A_110 : vector<128x1x128xf32> to vector<128x128xf32>
      %add3A_112 = arith.addf %get3A_106, %get3A_111 : vector<128x128xf32>
      %swap3A_113 = arith.constant 0 : index
      %swap3A_114 = arith.constant 0 : index
      %swap3A_115 = arith.constant 0 : index
      %swap3A_116 = vector.load %arg3[%swap3A_113, %swap3A_114, %swap3A_115] : memref<3x128x128xf32, #tpu.memory_space<vmem>>, vector<1x128x128xf32>
      %swap3A_117 = vector.shape_cast %swap3A_116 : vector<1x128x128xf32> to vector<128x128xf32>
      %swap3A_118 = vector.shape_cast %add3A_112 : vector<128x128xf32> to vector<1x128x128xf32>
      tpu.vector_store %arg3[%swap3A_113, %swap3A_114, %swap3A_115], %swap3A_118 {strides = array<i32>} : memref<3x128x128xf32, #tpu.memory_space<vmem>>, vector<1x128x128xf32>,
      %get3A_119 = arith.constant 0 : index
      %get3A_120 = arith.constant 0 : index
      %get3A_121 = arith.constant 0 : index
      %get3A_122 = vector.load %arg3[%get3A_119, %get3A_120, %get3A_121] : memref<3x128x128xf32, #tpu.memory_space<vmem>>, vector<1x128x128xf32>
      %get3A_123 = vector.shape_cast %get3A_122 : vector<1x128x128xf32> to vector<128x128xf32>
      %get3A_124 = arith.constant 4 : index
      %get3A_125 = arith.constant 6 : index
      %get3A_126 = arith.constant 10 : index
      %get3A_127 = vector.load %arg4[%get3A_124, %get3A_125, %get3A_126] : memref<133x48x148xf32, #tpu.memory_space<vmem>>, vector<128x1x128xf32>
      %get3A_128 = vector.shape_cast %get3A_127 : vector<128x1x128xf32> to vector<128x128xf32>
      %add3A_129 = arith.addf %get3A_123, %get3A_128 : vector<128x128xf32>
      %swap3A_130 = arith.constant 0 : index
      %swap3A_131 = arith.constant 0 : index
      %swap3A_132 = arith.constant 0 : index
      %swap3A_133 = vector.load %arg3[%swap3A_130, %swap3A_131, %swap3A_132] : memref<3x128x128xf32, #tpu.memory_space<vmem>>, vector<1x128x128xf32>
      %swap3A_134 = vector.shape_cast %swap3A_133 : vector<1x128x128xf32> to vector<128x128xf32>
      %swap3A_135 = vector.shape_cast %add3A_129 : vector<128x128xf32> to vector<1x128x128xf32>
      tpu.vector_store %arg3[%swap3A_130, %swap3A_131, %swap3A_132], %swap3A_135 {strides = array<i32>} : memref<3x128x128xf32, #tpu.memory_space<vmem>>, vector<1x128x128xf32>,
      %get3A_136 = arith.constant 0 : index
      %get3A_137 = arith.constant 0 : index
      %get3A_138 = arith.constant 0 : index
      %get3A_139 = vector.load %arg3[%get3A_136, %get3A_137, %get3A_138] : memref<3x128x128xf32, #tpu.memory_space<vmem>>, vector<1x128x128xf32>
      %get3A_140 = vector.shape_cast %get3A_139 : vector<1x128x128xf32> to vector<128x128xf32>
      %get3A_141 = arith.constant 3 : index
      %get3A_142 = arith.constant 7 : index
      %get3A_143 = arith.constant 10 : index
      %get3A_144 = vector.load %arg4[%get3A_141, %get3A_142, %get3A_143] : memref<133x48x148xf32, #tpu.memory_space<vmem>>, vector<128x1x128xf32>
      %get3A_145 = vector.shape_cast %get3A_144 : vector<128x1x128xf32> to vector<128x128xf32>
      %add3A_146 = arith.addf %get3A_140, %get3A_145 : vector<128x128xf32>
      %swap3A_147 = arith.constant 0 : index
      %swap3A_148 = arith.constant 0 : index
      %swap3A_149 = arith.constant 0 : index
      %swap3A_150 = vector.load %arg3[%swap3A_147, %swap3A_148, %swap3A_149] : memref<3x128x128xf32, #tpu.memory_space<vmem>>, vector<1x128x128xf32>
      %swap3A_151 = vector.shape_cast %swap3A_150 : vector<1x128x128xf32> to vector<128x128xf32>
      %swap3A_152 = vector.shape_cast %add3A_146 : vector<128x128xf32> to vector<1x128x128xf32>
      tpu.vector_store %arg3[%swap3A_147, %swap3A_148, %swap3A_149], %swap3A_152 {strides = array<i32>} : memref<3x128x128xf32, #tpu.memory_space<vmem>>, vector<1x128x128xf32>,
      %get3A_153 = arith.constant 0 : index
      %get3A_154 = arith.constant 0 : index
      %get3A_155 = arith.constant 0 : index
      %get3A_156 = vector.load %arg3[%get3A_153, %get3A_154, %get3A_155] : memref<3x128x128xf32, #tpu.memory_space<vmem>>, vector<1x128x128xf32>
      %get3A_157 = vector.shape_cast %get3A_156 : vector<1x128x128xf32> to vector<128x128xf32>
      %get3A_158 = arith.constant 2 : index
      %get3A_159 = arith.constant 8 : index
      %get3A_160 = arith.constant 10 : index
      %get3A_161 = vector.load %arg4[%get3A_158, %get3A_159, %get3A_160] : memref<133x48x148xf32, #tpu.memory_space<vmem>>, vector<128x1x128xf32>
      %get3A_162 = vector.shape_cast %get3A_161 : vector<128x1x128xf32> to vector<128x128xf32>
      %add3A_163 = arith.addf %get3A_157, %get3A_162 : vector<128x128xf32>
      %swap3A_164 = arith.constant 0 : index
      %swap3A_165 = arith.constant 0 : index
      %swap3A_166 = arith.constant 0 : index
      %swap3A_167 = vector.load %arg3[%swap3A_164, %swap3A_165, %swap3A_166] : memref<3x128x128xf32, #tpu.memory_space<vmem>>, vector<1x128x128xf32>
      %swap3A_168 = vector.shape_cast %swap3A_167 : vector<1x128x128xf32> to vector<128x128xf32>
      %swap3A_169 = vector.shape_cast %add3A_163 : vector<128x128xf32> to vector<1x128x128xf32>
      tpu.vector_store %arg3[%swap3A_164, %swap3A_165, %swap3A_166], %swap3A_169 {strides = array<i32>} : memref<3x128x128xf32, #tpu.memory_space<vmem>>, vector<1x128x128xf32>,
      %get3A_170 = arith.constant 0 : index
      %get3A_171 = arith.constant 0 : index
      %get3A_172 = arith.constant 0 : index
      %get3A_173 = vector.load %arg3[%get3A_170, %get3A_171, %get3A_172] : memref<3x128x128xf32, #tpu.memory_space<vmem>>, vector<1x128x128xf32>
      %get3A_174 = vector.shape_cast %get3A_173 : vector<1x128x128xf32> to vector<128x128xf32>
      %get3A_175 = arith.constant 1 : index
      %get3A_176 = arith.constant 9 : index
      %get3A_177 = arith.constant 10 : index
      %get3A_178 = vector.load %arg4[%get3A_175, %get3A_176, %get3A_177] : memref<133x48x148xf32, #tpu.memory_space<vmem>>, vector<128x1x128xf32>
      %get3A_179 = vector.shape_cast %get3A_178 : vector<128x1x128xf32> to vector<128x128xf32>
      %add3A_180 = arith.addf %get3A_174, %get3A_179 : vector<128x128xf32>
      %swap3A_181 = arith.constant 0 : index
      %swap3A_182 = arith.constant 0 : index
      %swap3A_183 = arith.constant 0 : index
      %swap3A_184 = vector.load %arg3[%swap3A_181, %swap3A_182, %swap3A_183] : memref<3x128x128xf32, #tpu.memory_space<vmem>>, vector<1x128x128xf32>
      %swap3A_185 = vector.shape_cast %swap3A_184 : vector<1x128x128xf32> to vector<128x128xf32>
      %swap3A_186 = vector.shape_cast %add3A_180 : vector<128x128xf32> to vector<1x128x128xf32>
      tpu.vector_store %arg3[%swap3A_181, %swap3A_182, %swap3A_183], %swap3A_186 {strides = array<i32>} : memref<3x128x128xf32, #tpu.memory_space<vmem>>, vector<1x128x128xf32>,
      %get3A_187 = arith.constant 0 : index
      %get3A_188 = arith.constant 0 : index
      %get3A_189 = arith.constant 0 : index
      %get3A_190 = vector.load %arg3[%get3A_187, %get3A_188, %get3A_189] : memref<3x128x128xf32, #tpu.memory_space<vmem>>, vector<1x128x128xf32>
      %get3A_191 = vector.shape_cast %get3A_190 : vector<1x128x128xf32> to vector<128x128xf32>
      %get3A_192 = arith.constant 0 : index
      %get3A_193 = arith.constant 10 : index
      %get3A_194 = arith.constant 10 : index
      %get3A_195 = vector.load %arg4[%get3A_192, %get3A_193, %get3A_194] : memref<133x48x148xf32, #tpu.memory_space<vmem>>, vector<128x1x128xf32>
      %get3A_196 = vector.shape_cast %get3A_195 : vector<128x1x128xf32> to vector<128x128xf32>
      %add3A_197 = arith.addf %get3A_191, %get3A_196 : vector<128x128xf32>
      %swap3A_198 = arith.constant 0 : index
      %swap3A_199 = arith.constant 0 : index
      %swap3A_200 = arith.constant 0 : index
      %swap3A_201 = vector.load %arg3[%swap3A_198, %swap3A_199, %swap3A_200] : memref<3x128x128xf32, #tpu.memory_space<vmem>>, vector<1x128x128xf32>
      %swap3A_202 = vector.shape_cast %swap3A_201 : vector<1x128x128xf32> to vector<128x128xf32>
      %swap3A_203 = vector.shape_cast %add3A_197 : vector<128x128xf32> to vector<1x128x128xf32>
      tpu.vector_store %arg3[%swap3A_198, %swap3A_199, %swap3A_200], %swap3A_203 {strides = array<i32>} : memref<3x128x128xf32, #tpu.memory_space<vmem>>, vector<1x128x128xf32>,
      %get3A_204 = arith.constant 0 : index
      %get3A_205 = arith.constant 1 : index
      %get3A_206 = arith.constant 0 : index
      %get3A_207 = vector.load %arg3[%get3A_204, %get3A_205, %get3A_206] : memref<3x128x128xf32, #tpu.memory_space<vmem>>, vector<1x127x128xf32>
      %get3A_208 = vector.shape_cast %get3A_207 : vector<1x127x128xf32> to vector<127x128xf32>
      %get3A_209 = arith.constant 0 : index
      %get3A_210 = arith.constant 11 : index
      %get3A_211 = arith.constant 10 : index
      %get3A_212 = vector.load %arg4[%get3A_209, %get3A_210, %get3A_211] : memref<133x48x148xf32, #tpu.memory_space<vmem>>, vector<127x1x128xf32>
      %get3A_213 = vector.shape_cast %get3A_212 : vector<127x1x128xf32> to vector<127x128xf32>
      %add3A_214 = arith.addf %get3A_208, %get3A_213 : vector<127x128xf32>
      %swap3A_215 = arith.constant 0 : index
      %swap3A_216 = arith.constant 1 : index
      %swap3A_217 = arith.constant 0 : index
      %swap3A_218 = vector.load %arg3[%swap3A_215, %swap3A_216, %swap3A_217] : memref<3x128x128xf32, #tpu.memory_space<vmem>>, vector<1x127x128xf32>
      %swap3A_219 = vector.shape_cast %swap3A_218 : vector<1x127x128xf32> to vector<127x128xf32>
      %swap3A_220 = vector.shape_cast %add3A_214 : vector<127x128xf32> to vector<1x127x128xf32>
      tpu.vector_store %arg3[%swap3A_215, %swap3A_216, %swap3A_217], %swap3A_220 {strides = array<i32>} : memref<3x128x128xf32, #tpu.memory_space<vmem>>, vector<1x127x128xf32>,
      %get3A_221 = arith.constant 0 : index
      %get3A_222 = arith.constant 2 : index
      %get3A_223 = arith.constant 0 : index
      %get3A_224 = vector.load %arg3[%get3A_221, %get3A_222, %get3A_223] : memref<3x128x128xf32, #tpu.memory_space<vmem>>, vector<1x126x128xf32>
      %get3A_225 = vector.shape_cast %get3A_224 : vector<1x126x128xf32> to vector<126x128xf32>
      %get3A_226 = arith.constant 0 : index
      %get3A_227 = arith.constant 12 : index
      %get3A_228 = arith.constant 10 : index
      %get3A_229 = vector.load %arg4[%get3A_226, %get3A_227, %get3A_228] : memref<133x48x148xf32, #tpu.memory_space<vmem>>, vector<126x1x128xf32>
      %get3A_230 = vector.shape_cast %get3A_229 : vector<126x1x128xf32> to vector<126x128xf32>
      %add3A_231 = arith.addf %get3A_225, %get3A_230 : vector<126x128xf32>
      %swap3A_232 = arith.constant 0 : index
      %swap3A_233 = arith.constant 2 : index
      %swap3A_234 = arith.constant 0 : index
      %swap3A_235 = vector.load %arg3[%swap3A_232, %swap3A_233, %swap3A_234] : memref<3x128x128xf32, #tpu.memory_space<vmem>>, vector<1x126x128xf32>
      %swap3A_236 = vector.shape_cast %swap3A_235 : vector<1x126x128xf32> to vector<126x128xf32>
      %swap3A_237 = vector.shape_cast %add3A_231 : vector<126x128xf32> to vector<1x126x128xf32>
      tpu.vector_store %arg3[%swap3A_232, %swap3A_233, %swap3A_234], %swap3A_237 {strides = array<i32>} : memref<3x128x128xf32, #tpu.memory_space<vmem>>, vector<1x126x128xf32>,
      %get3A_238 = arith.constant 0 : index
      %get3A_239 = arith.constant 3 : index
      %get3A_240 = arith.constant 0 : index
      %get3A_241 = vector.load %arg3[%get3A_238, %get3A_239, %get3A_240] : memref<3x128x128xf32, #tpu.memory_space<vmem>>, vector<1x125x128xf32>
      %get3A_242 = vector.shape_cast %get3A_241 : vector<1x125x128xf32> to vector<125x128xf32>
      %get3A_243 = arith.constant 0 : index
      %get3A_244 = arith.constant 13 : index
      %get3A_245 = arith.constant 10 : index
      %get3A_246 = vector.load %arg4[%get3A_243, %get3A_244, %get3A_245] : memref<133x48x148xf32, #tpu.memory_space<vmem>>, vector<125x1x128xf32>
      %get3A_247 = vector.shape_cast %get3A_246 : vector<125x1x128xf32> to vector<125x128xf32>
      %add3A_248 = arith.addf %get3A_242, %get3A_247 : vector<125x128xf32>
      %swap3A_249 = arith.constant 0 : index
      %swap3A_250 = arith.constant 3 : index
      %swap3A_251 = arith.constant 0 : index
      %swap3A_252 = vector.load %arg3[%swap3A_249, %swap3A_250, %swap3A_251] : memref<3x128x128xf32, #tpu.memory_space<vmem>>, vector<1x125x128xf32>
      %swap3A_253 = vector.shape_cast %swap3A_252 : vector<1x125x128xf32> to vector<125x128xf32>
      %swap3A_254 = vector.shape_cast %add3A_248 : vector<125x128xf32> to vector<1x125x128xf32>
      tpu.vector_store %arg3[%swap3A_249, %swap3A_250, %swap3A_251], %swap3A_254 {strides = array<i32>} : memref<3x128x128xf32, #tpu.memory_space<vmem>>, vector<1x125x128xf32>,
      %get3A_255 = arith.constant 0 : index
      %get3A_256 = arith.constant 4 : index
      %get3A_257 = arith.constant 0 : index
      %get3A_258 = vector.load %arg3[%get3A_255, %get3A_256, %get3A_257] : memref<3x128x128xf32, #tpu.memory_space<vmem>>, vector<1x124x128xf32>
      %get3A_259 = vector.shape_cast %get3A_258 : vector<1x124x128xf32> to vector<124x128xf32>
      %get3A_260 = arith.constant 0 : index
      %get3A_261 = arith.constant 14 : index
      %get3A_262 = arith.constant 10 : index
      %get3A_263 = vector.load %arg4[%get3A_260, %get3A_261, %get3A_262] : memref<133x48x148xf32, #tpu.memory_space<vmem>>, vector<124x1x128xf32>
      %get3A_264 = vector.shape_cast %get3A_263 : vector<124x1x128xf32> to vector<124x128xf32>
      %add3A_265 = arith.addf %get3A_259, %get3A_264 : vector<124x128xf32>
      %swap3A_266 = arith.constant 0 : index
      %swap3A_267 = arith.constant 4 : index
      %swap3A_268 = arith.constant 0 : index
      %swap3A_269 = vector.load %arg3[%swap3A_266, %swap3A_267, %swap3A_268] : memref<3x128x128xf32, #tpu.memory_space<vmem>>, vector<1x124x128xf32>
      %swap3A_270 = vector.shape_cast %swap3A_269 : vector<1x124x128xf32> to vector<124x128xf32>
      %swap3A_271 = vector.shape_cast %add3A_265 : vector<124x128xf32> to vector<1x124x128xf32>
      tpu.vector_store %arg3[%swap3A_266, %swap3A_267, %swap3A_268], %swap3A_271 {strides = array<i32>} : memref<3x128x128xf32, #tpu.memory_space<vmem>>, vector<1x124x128xf32>,
      %get3A_272 = arith.constant 0 : index
      %get3A_273 = arith.constant 5 : index
      %get3A_274 = arith.constant 0 : index
      %get3A_275 = vector.load %arg3[%get3A_272, %get3A_273, %get3A_274] : memref<3x128x128xf32, #tpu.memory_space<vmem>>, vector<1x123x128xf32>
      %get3A_276 = vector.shape_cast %get3A_275 : vector<1x123x128xf32> to vector<123x128xf32>
      %get3A_277 = arith.constant 0 : index
      %get3A_278 = arith.constant 15 : index
      %get3A_279 = arith.constant 10 : index
      %get3A_280 = vector.load %arg4[%get3A_277, %get3A_278, %get3A_279] : memref<133x48x148xf32, #tpu.memory_space<vmem>>, vector<123x1x128xf32>
      %get3A_281 = vector.shape_cast %get3A_280 : vector<123x1x128xf32> to vector<123x128xf32>
      %add3A_282 = arith.addf %get3A_276, %get3A_281 : vector<123x128xf32>
      %swap3A_283 = arith.constant 0 : index
      %swap3A_284 = arith.constant 5 : index
      %swap3A_285 = arith.constant 0 : index
      %swap3A_286 = vector.load %arg3[%swap3A_283, %swap3A_284, %swap3A_285] : memref<3x128x128xf32, #tpu.memory_space<vmem>>, vector<1x123x128xf32>
      %swap3A_287 = vector.shape_cast %swap3A_286 : vector<1x123x128xf32> to vector<123x128xf32>
      %swap3A_288 = vector.shape_cast %add3A_282 : vector<123x128xf32> to vector<1x123x128xf32>
      tpu.vector_store %arg3[%swap3A_283, %swap3A_284, %swap3A_285], %swap3A_288 {strides = array<i32>} : memref<3x128x128xf32, #tpu.memory_space<vmem>>, vector<1x123x128xf32>,
      %get3A_289 = arith.constant 1 : index
      %get3A_290 = arith.constant 0 : index
      %get3A_291 = arith.constant 0 : index
      %get3A_292 = vector.load %arg3[%get3A_289, %get3A_290, %get3A_291] : memref<3x128x128xf32, #tpu.memory_space<vmem>>, vector<1x123x128xf32>
      %get3A_293 = vector.shape_cast %get3A_292 : vector<1x123x128xf32> to vector<123x128xf32>
      %get3A_294 = arith.constant 10 : index
      %get3A_295 = arith.constant 16 : index
      %get3A_296 = arith.constant 10 : index
      %get3A_297 = vector.load %arg4[%get3A_294, %get3A_295, %get3A_296] : memref<133x48x148xf32, #tpu.memory_space<vmem>>, vector<123x1x128xf32>
      %get3A_298 = vector.shape_cast %get3A_297 : vector<123x1x128xf32> to vector<123x128xf32>
      %add3A_299 = arith.addf %get3A_293, %get3A_298 : vector<123x128xf32>
      %swap3A_300 = arith.constant 1 : index
      %swap3A_301 = arith.constant 0 : index
      %swap3A_302 = arith.constant 0 : index
      %swap3A_303 = vector.load %arg3[%swap3A_300, %swap3A_301, %swap3A_302] : memref<3x128x128xf32, #tpu.memory_space<vmem>>, vector<1x123x128xf32>
      %swap3A_304 = vector.shape_cast %swap3A_303 : vector<1x123x128xf32> to vector<123x128xf32>
      %swap3A_305 = vector.shape_cast %add3A_299 : vector<123x128xf32> to vector<1x123x128xf32>
      tpu.vector_store %arg3[%swap3A_300, %swap3A_301, %swap3A_302], %swap3A_305 {strides = array<i32>} : memref<3x128x128xf32, #tpu.memory_space<vmem>>, vector<1x123x128xf32>,
      %get3A_306 = arith.constant 1 : index
      %get3A_307 = arith.constant 0 : index
      %get3A_308 = arith.constant 0 : index
      %get3A_309 = vector.load %arg3[%get3A_306, %get3A_307, %get3A_308] : memref<3x128x128xf32, #tpu.memory_space<vmem>>, vector<1x124x128xf32>
      %get3A_310 = vector.shape_cast %get3A_309 : vector<1x124x128xf32> to vector<124x128xf32>
      %get3A_311 = arith.constant 9 : index
      %get3A_312 = arith.constant 17 : index
      %get3A_313 = arith.constant 10 : index
      %get3A_314 = vector.load %arg4[%get3A_311, %get3A_312, %get3A_313] : memref<133x48x148xf32, #tpu.memory_space<vmem>>, vector<124x1x128xf32>
      %get3A_315 = vector.shape_cast %get3A_314 : vector<124x1x128xf32> to vector<124x128xf32>
      %add3A_316 = arith.addf %get3A_310, %get3A_315 : vector<124x128xf32>
      %swap3A_317 = arith.constant 1 : index
      %swap3A_318 = arith.constant 0 : index
      %swap3A_319 = arith.constant 0 : index
      %swap3A_320 = vector.load %arg3[%swap3A_317, %swap3A_318, %swap3A_319] : memref<3x128x128xf32, #tpu.memory_space<vmem>>, vector<1x124x128xf32>
      %swap3A_321 = vector.shape_cast %swap3A_320 : vector<1x124x128xf32> to vector<124x128xf32>
      %swap3A_322 = vector.shape_cast %add3A_316 : vector<124x128xf32> to vector<1x124x128xf32>
      tpu.vector_store %arg3[%swap3A_317, %swap3A_318, %swap3A_319], %swap3A_322 {strides = array<i32>} : memref<3x128x128xf32, #tpu.memory_space<vmem>>, vector<1x124x128xf32>,
      %get3A_323 = arith.constant 1 : index
      %get3A_324 = arith.constant 0 : index
      %get3A_325 = arith.constant 0 : index
      %get3A_326 = vector.load %arg3[%get3A_323, %get3A_324, %get3A_325] : memref<3x128x128xf32, #tpu.memory_space<vmem>>, vector<1x125x128xf32>
      %get3A_327 = vector.shape_cast %get3A_326 : vector<1x125x128xf32> to vector<125x128xf32>
      %get3A_328 = arith.constant 8 : index
      %get3A_329 = arith.constant 18 : index
      %get3A_330 = arith.constant 10 : index
      %get3A_331 = vector.load %arg4[%get3A_328, %get3A_329, %get3A_330] : memref<133x48x148xf32, #tpu.memory_space<vmem>>, vector<125x1x128xf32>
      %get3A_332 = vector.shape_cast %get3A_331 : vector<125x1x128xf32> to vector<125x128xf32>
      %add3A_333 = arith.addf %get3A_327, %get3A_332 : vector<125x128xf32>
      %swap3A_334 = arith.constant 1 : index
      %swap3A_335 = arith.constant 0 : index
      %swap3A_336 = arith.constant 0 : index
      %swap3A_337 = vector.load %arg3[%swap3A_334, %swap3A_335, %swap3A_336] : memref<3x128x128xf32, #tpu.memory_space<vmem>>, vector<1x125x128xf32>
      %swap3A_338 = vector.shape_cast %swap3A_337 : vector<1x125x128xf32> to vector<125x128xf32>
      %swap3A_339 = vector.shape_cast %add3A_333 : vector<125x128xf32> to vector<1x125x128xf32>
      tpu.vector_store %arg3[%swap3A_334, %swap3A_335, %swap3A_336], %swap3A_339 {strides = array<i32>} : memref<3x128x128xf32, #tpu.memory_space<vmem>>, vector<1x125x128xf32>,
      %get3A_340 = arith.constant 1 : index
      %get3A_341 = arith.constant 0 : index
      %get3A_342 = arith.constant 0 : index
      %get3A_343 = vector.load %arg3[%get3A_340, %get3A_341, %get3A_342] : memref<3x128x128xf32, #tpu.memory_space<vmem>>, vector<1x126x128xf32>
      %get3A_344 = vector.shape_cast %get3A_343 : vector<1x126x128xf32> to vector<126x128xf32>
      %get3A_345 = arith.constant 7 : index
      %get3A_346 = arith.constant 19 : index
      %get3A_347 = arith.constant 10 : index
      %get3A_348 = vector.load %arg4[%get3A_345, %get3A_346, %get3A_347] : memref<133x48x148xf32, #tpu.memory_space<vmem>>, vector<126x1x128xf32>
      %get3A_349 = vector.shape_cast %get3A_348 : vector<126x1x128xf32> to vector<126x128xf32>
      %add3A_350 = arith.addf %get3A_344, %get3A_349 : vector<126x128xf32>
      %swap3A_351 = arith.constant 1 : index
      %swap3A_352 = arith.constant 0 : index
      %swap3A_353 = arith.constant 0 : index
      %swap3A_354 = vector.load %arg3[%swap3A_351, %swap3A_352, %swap3A_353] : memref<3x128x128xf32, #tpu.memory_space<vmem>>, vector<1x126x128xf32>
      %swap3A_355 = vector.shape_cast %swap3A_354 : vector<1x126x128xf32> to vector<126x128xf32>
      %swap3A_356 = vector.shape_cast %add3A_350 : vector<126x128xf32> to vector<1x126x128xf32>
      tpu.vector_store %arg3[%swap3A_351, %swap3A_352, %swap3A_353], %swap3A_356 {strides = array<i32>} : memref<3x128x128xf32, #tpu.memory_space<vmem>>, vector<1x126x128xf32>,
      %get3A_357 = arith.constant 1 : index
      %get3A_358 = arith.constant 0 : index
      %get3A_359 = arith.constant 0 : index
      %get3A_360 = vector.load %arg3[%get3A_357, %get3A_358, %get3A_359] : memref<3x128x128xf32, #tpu.memory_space<vmem>>, vector<1x127x128xf32>
      %get3A_361 = vector.shape_cast %get3A_360 : vector<1x127x128xf32> to vector<127x128xf32>
      %get3A_362 = arith.constant 6 : index
      %get3A_363 = arith.constant 20 : index
      %get3A_364 = arith.constant 10 : index
      %get3A_365 = vector.load %arg4[%get3A_362, %get3A_363, %get3A_364] : memref<133x48x148xf32, #tpu.memory_space<vmem>>, vector<127x1x128xf32>
      %get3A_366 = vector.shape_cast %get3A_365 : vector<127x1x128xf32> to vector<127x128xf32>
      %add3A_367 = arith.addf %get3A_361, %get3A_366 : vector<127x128xf32>
      %swap3A_368 = arith.constant 1 : index
      %swap3A_369 = arith.constant 0 : index
      %swap3A_370 = arith.constant 0 : index
      %swap3A_371 = vector.load %arg3[%swap3A_368, %swap3A_369, %swap3A_370] : memref<3x128x128xf32, #tpu.memory_space<vmem>>, vector<1x127x128xf32>
      %swap3A_372 = vector.shape_cast %swap3A_371 : vector<1x127x128xf32> to vector<127x128xf32>
      %swap3A_373 = vector.shape_cast %add3A_367 : vector<127x128xf32> to vector<1x127x128xf32>
      tpu.vector_store %arg3[%swap3A_368, %swap3A_369, %swap3A_370], %swap3A_373 {strides = array<i32>} : memref<3x128x128xf32, #tpu.memory_space<vmem>>, vector<1x127x128xf32>,
      %get3A_374 = arith.constant 1 : index
      %get3A_375 = arith.constant 0 : index
      %get3A_376 = arith.constant 0 : index
      %get3A_377 = vector.load %arg3[%get3A_374, %get3A_375, %get3A_376] : memref<3x128x128xf32, #tpu.memory_space<vmem>>, vector<1x128x128xf32>
      %get3A_378 = vector.shape_cast %get3A_377 : vector<1x128x128xf32> to vector<128x128xf32>
      %get3A_379 = arith.constant 5 : index
      %get3A_380 = arith.constant 21 : index
      %get3A_381 = arith.constant 10 : index
      %get3A_382 = vector.load %arg4[%get3A_379, %get3A_380, %get3A_381] : memref<133x48x148xf32, #tpu.memory_space<vmem>>, vector<128x1x128xf32>
      %get3A_383 = vector.shape_cast %get3A_382 : vector<128x1x128xf32> to vector<128x128xf32>
      %add3A_384 = arith.addf %get3A_378, %get3A_383 : vector<128x128xf32>
      %swap3A_385 = arith.constant 1 : index
      %swap3A_386 = arith.constant 0 : index
      %swap3A_387 = arith.constant 0 : index
      %swap3A_388 = vector.load %arg3[%swap3A_385, %swap3A_386, %swap3A_387] : memref<3x128x128xf32, #tpu.memory_space<vmem>>, vector<1x128x128xf32>
      %swap3A_389 = vector.shape_cast %swap3A_388 : vector<1x128x128xf32> to vector<128x128xf32>
      %swap3A_390 = vector.shape_cast %add3A_384 : vector<128x128xf32> to vector<1x128x128xf32>
      tpu.vector_store %arg3[%swap3A_385, %swap3A_386, %swap3A_387], %swap3A_390 {strides = array<i32>} : memref<3x128x128xf32, #tpu.memory_space<vmem>>, vector<1x128x128xf32>,
      %get3A_391 = arith.constant 1 : index
      %get3A_392 = arith.constant 0 : index
      %get3A_393 = arith.constant 0 : index
      %get3A_394 = vector.load %arg3[%get3A_391, %get3A_392, %get3A_393] : memref<3x128x128xf32, #tpu.memory_space<vmem>>, vector<1x128x128xf32>
      %get3A_395 = vector.shape_cast %get3A_394 : vector<1x128x128xf32> to vector<128x128xf32>
      %get3A_396 = arith.constant 4 : index
      %get3A_397 = arith.constant 22 : index
      %get3A_398 = arith.constant 10 : index
      %get3A_399 = vector.load %arg4[%get3A_396, %get3A_397, %get3A_398] : memref<133x48x148xf32, #tpu.memory_space<vmem>>, vector<128x1x128xf32>
      %get3A_400 = vector.shape_cast %get3A_399 : vector<128x1x128xf32> to vector<128x128xf32>
      %add3A_401 = arith.addf %get3A_395, %get3A_400 : vector<128x128xf32>
      %swap3A_402 = arith.constant 1 : index
      %swap3A_403 = arith.constant 0 : index
      %swap3A_404 = arith.constant 0 : index
      %swap3A_405 = vector.load %arg3[%swap3A_402, %swap3A_403, %swap3A_404] : memref<3x128x128xf32, #tpu.memory_space<vmem>>, vector<1x128x128xf32>
      %swap3A_406 = vector.shape_cast %swap3A_405 : vector<1x128x128xf32> to vector<128x128xf32>
      %swap3A_407 = vector.shape_cast %add3A_401 : vector<128x128xf32> to vector<1x128x128xf32>
      tpu.vector_store %arg3[%swap3A_402, %swap3A_403, %swap3A_404], %swap3A_407 {strides = array<i32>} : memref<3x128x128xf32, #tpu.memory_space<vmem>>, vector<1x128x128xf32>,
      %get3A_408 = arith.constant 1 : index
      %get3A_409 = arith.constant 0 : index
      %get3A_410 = arith.constant 0 : index
      %get3A_411 = vector.load %arg3[%get3A_408, %get3A_409, %get3A_410] : memref<3x128x128xf32, #tpu.memory_space<vmem>>, vector<1x128x128xf32>
      %get3A_412 = vector.shape_cast %get3A_411 : vector<1x128x128xf32> to vector<128x128xf32>
      %get3A_413 = arith.constant 3 : index
      %get3A_414 = arith.constant 23 : index
      %get3A_415 = arith.constant 10 : index
      %get3A_416 = vector.load %arg4[%get3A_413, %get3A_414, %get3A_415] : memref<133x48x148xf32, #tpu.memory_space<vmem>>, vector<128x1x128xf32>
      %get3A_417 = vector.shape_cast %get3A_416 : vector<128x1x128xf32> to vector<128x128xf32>
      %add3A_418 = arith.addf %get3A_412, %get3A_417 : vector<128x128xf32>
      %swap3A_419 = arith.constant 1 : index
      %swap3A_420 = arith.constant 0 : index
      %swap3A_421 = arith.constant 0 : index
      %swap3A_422 = vector.load %arg3[%swap3A_419, %swap3A_420, %swap3A_421] : memref<3x128x128xf32, #tpu.memory_space<vmem>>, vector<1x128x128xf32>
      %swap3A_423 = vector.shape_cast %swap3A_422 : vector<1x128x128xf32> to vector<128x128xf32>
      %swap3A_424 = vector.shape_cast %add3A_418 : vector<128x128xf32> to vector<1x128x128xf32>
      tpu.vector_store %arg3[%swap3A_419, %swap3A_420, %swap3A_421], %swap3A_424 {strides = array<i32>} : memref<3x128x128xf32, #tpu.memory_space<vmem>>, vector<1x128x128xf32>,
      %get3A_425 = arith.constant 1 : index
      %get3A_426 = arith.constant 0 : index
      %get3A_427 = arith.constant 0 : index
      %get3A_428 = vector.load %arg3[%get3A_425, %get3A_426, %get3A_427] : memref<3x128x128xf32, #tpu.memory_space<vmem>>, vector<1x128x128xf32>
      %get3A_429 = vector.shape_cast %get3A_428 : vector<1x128x128xf32> to vector<128x128xf32>
      %get3A_430 = arith.constant 2 : index
      %get3A_431 = arith.constant 24 : index
      %get3A_432 = arith.constant 10 : index
      %get3A_433 = vector.load %arg4[%get3A_430, %get3A_431, %get3A_432] : memref<133x48x148xf32, #tpu.memory_space<vmem>>, vector<128x1x128xf32>
      %get3A_434 = vector.shape_cast %get3A_433 : vector<128x1x128xf32> to vector<128x128xf32>
      %add3A_435 = arith.addf %get3A_429, %get3A_434 : vector<128x128xf32>
      %swap3A_436 = arith.constant 1 : index
      %swap3A_437 = arith.constant 0 : index
      %swap3A_438 = arith.constant 0 : index
      %swap3A_439 = vector.load %arg3[%swap3A_436, %swap3A_437, %swap3A_438] : memref<3x128x128xf32, #tpu.memory_space<vmem>>, vector<1x128x128xf32>
      %swap3A_440 = vector.shape_cast %swap3A_439 : vector<1x128x128xf32> to vector<128x128xf32>
      %swap3A_441 = vector.shape_cast %add3A_435 : vector<128x128xf32> to vector<1x128x128xf32>
      tpu.vector_store %arg3[%swap3A_436, %swap3A_437, %swap3A_438], %swap3A_441 {strides = array<i32>} : memref<3x128x128xf32, #tpu.memory_space<vmem>>, vector<1x128x128xf32>,
      %get3A_442 = arith.constant 1 : index
      %get3A_443 = arith.constant 0 : index
      %get3A_444 = arith.constant 0 : index
      %get3A_445 = vector.load %arg3[%get3A_442, %get3A_443, %get3A_444] : memref<3x128x128xf32, #tpu.memory_space<vmem>>, vector<1x128x128xf32>
      %get3A_446 = vector.shape_cast %get3A_445 : vector<1x128x128xf32> to vector<128x128xf32>
      %get3A_447 = arith.constant 1 : index
      %get3A_448 = arith.constant 25 : index
      %get3A_449 = arith.constant 10 : index
      %get3A_450 = vector.load %arg4[%get3A_447, %get3A_448, %get3A_449] : memref<133x48x148xf32, #tpu.memory_space<vmem>>, vector<128x1x128xf32>
      %get3A_451 = vector.shape_cast %get3A_450 : vector<128x1x128xf32> to vector<128x128xf32>
      %add3A_452 = arith.addf %get3A_446, %get3A_451 : vector<128x128xf32>
      %swap3A_453 = arith.constant 1 : index
      %swap3A_454 = arith.constant 0 : index
      %swap3A_455 = arith.constant 0 : index
      %swap3A_456 = vector.load %arg3[%swap3A_453, %swap3A_454, %swap3A_455] : memref<3x128x128xf32, #tpu.memory_space<vmem>>, vector<1x128x128xf32>
      %swap3A_457 = vector.shape_cast %swap3A_456 : vector<1x128x128xf32> to vector<128x128xf32>
      %swap3A_458 = vector.shape_cast %add3A_452 : vector<128x128xf32> to vector<1x128x128xf32>
      tpu.vector_store %arg3[%swap3A_453, %swap3A_454, %swap3A_455], %swap3A_458 {strides = array<i32>} : memref<3x128x128xf32, #tpu.memory_space<vmem>>, vector<1x128x128xf32>,
      %get3A_459 = arith.constant 1 : index
      %get3A_460 = arith.constant 0 : index
      %get3A_461 = arith.constant 0 : index
      %get3A_462 = vector.load %arg3[%get3A_459, %get3A_460, %get3A_461] : memref<3x128x128xf32, #tpu.memory_space<vmem>>, vector<1x128x128xf32>
      %get3A_463 = vector.shape_cast %get3A_462 : vector<1x128x128xf32> to vector<128x128xf32>
      %get3A_464 = arith.constant 0 : index
      %get3A_465 = arith.constant 26 : index
      %get3A_466 = arith.constant 10 : index
      %get3A_467 = vector.load %arg4[%get3A_464, %get3A_465, %get3A_466] : memref<133x48x148xf32, #tpu.memory_space<vmem>>, vector<128x1x128xf32>
      %get3A_468 = vector.shape_cast %get3A_467 : vector<128x1x128xf32> to vector<128x128xf32>
      %add3A_469 = arith.addf %get3A_463, %get3A_468 : vector<128x128xf32>
      %swap3A_470 = arith.constant 1 : index
      %swap3A_471 = arith.constant 0 : index
      %swap3A_472 = arith.constant 0 : index
      %swap3A_473 = vector.load %arg3[%swap3A_470, %swap3A_471, %swap3A_472] : memref<3x128x128xf32, #tpu.memory_space<vmem>>, vector<1x128x128xf32>
      %swap3A_474 = vector.shape_cast %swap3A_473 : vector<1x128x128xf32> to vector<128x128xf32>
      %swap3A_475 = vector.shape_cast %add3A_469 : vector<128x128xf32> to vector<1x128x128xf32>
      tpu.vector_store %arg3[%swap3A_470, %swap3A_471, %swap3A_472], %swap3A_475 {strides = array<i32>} : memref<3x128x128xf32, #tpu.memory_space<vmem>>, vector<1x128x128xf32>,
      %get3A_476 = arith.constant 1 : index
      %get3A_477 = arith.constant 1 : index
      %get3A_478 = arith.constant 0 : index
      %get3A_479 = vector.load %arg3[%get3A_476, %get3A_477, %get3A_478] : memref<3x128x128xf32, #tpu.memory_space<vmem>>, vector<1x127x128xf32>
      %get3A_480 = vector.shape_cast %get3A_479 : vector<1x127x128xf32> to vector<127x128xf32>
      %get3A_481 = arith.constant 0 : index
      %get3A_482 = arith.constant 27 : index
      %get3A_483 = arith.constant 10 : index
      %get3A_484 = vector.load %arg4[%get3A_481, %get3A_482, %get3A_483] : memref<133x48x148xf32, #tpu.memory_space<vmem>>, vector<127x1x128xf32>
      %get3A_485 = vector.shape_cast %get3A_484 : vector<127x1x128xf32> to vector<127x128xf32>
      %add3A_486 = arith.addf %get3A_480, %get3A_485 : vector<127x128xf32>
      %swap3A_487 = arith.constant 1 : index
      %swap3A_488 = arith.constant 1 : index
      %swap3A_489 = arith.constant 0 : index
      %swap3A_490 = vector.load %arg3[%swap3A_487, %swap3A_488, %swap3A_489] : memref<3x128x128xf32, #tpu.memory_space<vmem>>, vector<1x127x128xf32>
      %swap3A_491 = vector.shape_cast %swap3A_490 : vector<1x127x128xf32> to vector<127x128xf32>
      %swap3A_492 = vector.shape_cast %add3A_486 : vector<127x128xf32> to vector<1x127x128xf32>
      tpu.vector_store %arg3[%swap3A_487, %swap3A_488, %swap3A_489], %swap3A_492 {strides = array<i32>} : memref<3x128x128xf32, #tpu.memory_space<vmem>>, vector<1x127x128xf32>,
      %get3A_493 = arith.constant 1 : index
      %get3A_494 = arith.constant 2 : index
      %get3A_495 = arith.constant 0 : index
      %get3A_496 = vector.load %arg3[%get3A_493, %get3A_494, %get3A_495] : memref<3x128x128xf32, #tpu.memory_space<vmem>>, vector<1x126x128xf32>
      %get3A_497 = vector.shape_cast %get3A_496 : vector<1x126x128xf32> to vector<126x128xf32>
      %get3A_498 = arith.constant 0 : index
      %get3A_499 = arith.constant 28 : index
      %get3A_500 = arith.constant 10 : index
      %get3A_501 = vector.load %arg4[%get3A_498, %get3A_499, %get3A_500] : memref<133x48x148xf32, #tpu.memory_space<vmem>>, vector<126x1x128xf32>
      %get3A_502 = vector.shape_cast %get3A_501 : vector<126x1x128xf32> to vector<126x128xf32>
      %add3A_503 = arith.addf %get3A_497, %get3A_502 : vector<126x128xf32>
      %swap3A_504 = arith.constant 1 : index
      %swap3A_505 = arith.constant 2 : index
      %swap3A_506 = arith.constant 0 : index
      %swap3A_507 = vector.load %arg3[%swap3A_504, %swap3A_505, %swap3A_506] : memref<3x128x128xf32, #tpu.memory_space<vmem>>, vector<1x126x128xf32>
      %swap3A_508 = vector.shape_cast %swap3A_507 : vector<1x126x128xf32> to vector<126x128xf32>
      %swap3A_509 = vector.shape_cast %add3A_503 : vector<126x128xf32> to vector<1x126x128xf32>
      tpu.vector_store %arg3[%swap3A_504, %swap3A_505, %swap3A_506], %swap3A_509 {strides = array<i32>} : memref<3x128x128xf32, #tpu.memory_space<vmem>>, vector<1x126x128xf32>,
      %get3A_510 = arith.constant 1 : index
      %get3A_511 = arith.constant 3 : index
      %get3A_512 = arith.constant 0 : index
      %get3A_513 = vector.load %arg3[%get3A_510, %get3A_511, %get3A_512] : memref<3x128x128xf32, #tpu.memory_space<vmem>>, vector<1x125x128xf32>
      %get3A_514 = vector.shape_cast %get3A_513 : vector<1x125x128xf32> to vector<125x128xf32>
      %get3A_515 = arith.constant 0 : index
      %get3A_516 = arith.constant 29 : index
      %get3A_517 = arith.constant 10 : index
      %get3A_518 = vector.load %arg4[%get3A_515, %get3A_516, %get3A_517] : memref<133x48x148xf32, #tpu.memory_space<vmem>>, vector<125x1x128xf32>
      %get3A_519 = vector.shape_cast %get3A_518 : vector<125x1x128xf32> to vector<125x128xf32>
      %add3A_520 = arith.addf %get3A_514, %get3A_519 : vector<125x128xf32>
      %swap3A_521 = arith.constant 1 : index
      %swap3A_522 = arith.constant 3 : index
      %swap3A_523 = arith.constant 0 : index
      %swap3A_524 = vector.load %arg3[%swap3A_521, %swap3A_522, %swap3A_523] : memref<3x128x128xf32, #tpu.memory_space<vmem>>, vector<1x125x128xf32>
      %swap3A_525 = vector.shape_cast %swap3A_524 : vector<1x125x128xf32> to vector<125x128xf32>
      %swap3A_526 = vector.shape_cast %add3A_520 : vector<125x128xf32> to vector<1x125x128xf32>
      tpu.vector_store %arg3[%swap3A_521, %swap3A_522, %swap3A_523], %swap3A_526 {strides = array<i32>} : memref<3x128x128xf32, #tpu.memory_space<vmem>>, vector<1x125x128xf32>,
      %get3A_527 = arith.constant 1 : index
      %get3A_528 = arith.constant 4 : index
      %get3A_529 = arith.constant 0 : index
      %get3A_530 = vector.load %arg3[%get3A_527, %get3A_528, %get3A_529] : memref<3x128x128xf32, #tpu.memory_space<vmem>>, vector<1x124x128xf32>
      %get3A_531 = vector.shape_cast %get3A_530 : vector<1x124x128xf32> to vector<124x128xf32>
      %get3A_532 = arith.constant 0 : index
      %get3A_533 = arith.constant 30 : index
      %get3A_534 = arith.constant 10 : index
      %get3A_535 = vector.load %arg4[%get3A_532, %get3A_533, %get3A_534] : memref<133x48x148xf32, #tpu.memory_space<vmem>>, vector<124x1x128xf32>
      %get3A_536 = vector.shape_cast %get3A_535 : vector<124x1x128xf32> to vector<124x128xf32>
      %add3A_537 = arith.addf %get3A_531, %get3A_536 : vector<124x128xf32>
      %swap3A_538 = arith.constant 1 : index
      %swap3A_539 = arith.constant 4 : index
      %swap3A_540 = arith.constant 0 : index
      %swap3A_541 = vector.load %arg3[%swap3A_538, %swap3A_539, %swap3A_540] : memref<3x128x128xf32, #tpu.memory_space<vmem>>, vector<1x124x128xf32>
      %swap3A_542 = vector.shape_cast %swap3A_541 : vector<1x124x128xf32> to vector<124x128xf32>
      %swap3A_543 = vector.shape_cast %add3A_537 : vector<124x128xf32> to vector<1x124x128xf32>
      tpu.vector_store %arg3[%swap3A_538, %swap3A_539, %swap3A_540], %swap3A_543 {strides = array<i32>} : memref<3x128x128xf32, #tpu.memory_space<vmem>>, vector<1x124x128xf32>,
      %get3A_544 = arith.constant 1 : index
      %get3A_545 = arith.constant 5 : index
      %get3A_546 = arith.constant 0 : index
      %get3A_547 = vector.load %arg3[%get3A_544, %get3A_545, %get3A_546] : memref<3x128x128xf32, #tpu.memory_space<vmem>>, vector<1x123x128xf32>
      %get3A_548 = vector.shape_cast %get3A_547 : vector<1x123x128xf32> to vector<123x128xf32>
      %get3A_549 = arith.constant 0 : index
      %get3A_550 = arith.constant 31 : index
      %get3A_551 = arith.constant 10 : index
      %get3A_552 = vector.load %arg4[%get3A_549, %get3A_550, %get3A_551] : memref<133x48x148xf32, #tpu.memory_space<vmem>>, vector<123x1x128xf32>
      %get3A_553 = vector.shape_cast %get3A_552 : vector<123x1x128xf32> to vector<123x128xf32>
      %add3A_554 = arith.addf %get3A_548, %get3A_553 : vector<123x128xf32>
      %swap3A_555 = arith.constant 1 : index
      %swap3A_556 = arith.constant 5 : index
      %swap3A_557 = arith.constant 0 : index
      %swap3A_558 = vector.load %arg3[%swap3A_555, %swap3A_556, %swap3A_557] : memref<3x128x128xf32, #tpu.memory_space<vmem>>, vector<1x123x128xf32>
      %swap3A_559 = vector.shape_cast %swap3A_558 : vector<1x123x128xf32> to vector<123x128xf32>
      %swap3A_560 = vector.shape_cast %add3A_554 : vector<123x128xf32> to vector<1x123x128xf32>
      tpu.vector_store %arg3[%swap3A_555, %swap3A_556, %swap3A_557], %swap3A_560 {strides = array<i32>} : memref<3x128x128xf32, #tpu.memory_space<vmem>>, vector<1x123x128xf32>,
      %get3A_561 = arith.constant 2 : index
      %get3A_562 = arith.constant 0 : index
      %get3A_563 = arith.constant 0 : index
      %get3A_564 = vector.load %arg3[%get3A_561, %get3A_562, %get3A_563] : memref<3x128x128xf32, #tpu.memory_space<vmem>>, vector<1x123x128xf32>
      %get3A_565 = vector.shape_cast %get3A_564 : vector<1x123x128xf32> to vector<123x128xf32>
      %get3A_566 = arith.constant 10 : index
      %get3A_567 = arith.constant 32 : index
      %get3A_568 = arith.constant 10 : index
      %get3A_569 = vector.load %arg4[%get3A_566, %get3A_567, %get3A_568] : memref<133x48x148xf32, #tpu.memory_space<vmem>>, vector<123x1x128xf32>
      %get3A_570 = vector.shape_cast %get3A_569 : vector<123x1x128xf32> to vector<123x128xf32>
      %add3A_571 = arith.addf %get3A_565, %get3A_570 : vector<123x128xf32>
      %swap3A_572 = arith.constant 2 : index
      %swap3A_573 = arith.constant 0 : index
      %swap3A_574 = arith.constant 0 : index
      %swap3A_575 = vector.load %arg3[%swap3A_572, %swap3A_573, %swap3A_574] : memref<3x128x128xf32, #tpu.memory_space<vmem>>, vector<1x123x128xf32>
      %swap3A_576 = vector.shape_cast %swap3A_575 : vector<1x123x128xf32> to vector<123x128xf32>
      %swap3A_577 = vector.shape_cast %add3A_571 : vector<123x128xf32> to vector<1x123x128xf32>
      tpu.vector_store %arg3[%swap3A_572, %swap3A_573, %swap3A_574], %swap3A_577 {strides = array<i32>} : memref<3x128x128xf32, #tpu.memory_space<vmem>>, vector<1x123x128xf32>,
      %get3A_578 = arith.constant 2 : index
      %get3A_579 = arith.constant 0 : index
      %get3A_580 = arith.constant 0 : index
      %get3A_581 = vector.load %arg3[%get3A_578, %get3A_579, %get3A_580] : memref<3x128x128xf32, #tpu.memory_space<vmem>>, vector<1x124x128xf32>
      %get3A_582 = vector.shape_cast %get3A_581 : vector<1x124x128xf32> to vector<124x128xf32>
      %get3A_583 = arith.constant 9 : index
      %get3A_584 = arith.constant 33 : index
      %get3A_585 = arith.constant 10 : index
      %get3A_586 = vector.load %arg4[%get3A_583, %get3A_584, %get3A_585] : memref<133x48x148xf32, #tpu.memory_space<vmem>>, vector<124x1x128xf32>
      %get3A_587 = vector.shape_cast %get3A_586 : vector<124x1x128xf32> to vector<124x128xf32>
      %add3A_588 = arith.addf %get3A_582, %get3A_587 : vector<124x128xf32>
      %swap3A_589 = arith.constant 2 : index
      %swap3A_590 = arith.constant 0 : index
      %swap3A_591 = arith.constant 0 : index
      %swap3A_592 = vector.load %arg3[%swap3A_589, %swap3A_590, %swap3A_591] : memref<3x128x128xf32, #tpu.memory_space<vmem>>, vector<1x124x128xf32>
      %swap3A_593 = vector.shape_cast %swap3A_592 : vector<1x124x128xf32> to vector<124x128xf32>
      %swap3A_594 = vector.shape_cast %add3A_588 : vector<124x128xf32> to vector<1x124x128xf32>
      tpu.vector_store %arg3[%swap3A_589, %swap3A_590, %swap3A_591], %swap3A_594 {strides = array<i32>} : memref<3x128x128xf32, #tpu.memory_space<vmem>>, vector<1x124x128xf32>,
      %get3A_595 = arith.constant 2 : index
      %get3A_596 = arith.constant 0 : index
      %get3A_597 = arith.constant 0 : index
      %get3A_598 = vector.load %arg3[%get3A_595, %get3A_596, %get3A_597] : memref<3x128x128xf32, #tpu.memory_space<vmem>>, vector<1x125x128xf32>
      %get3A_599 = vector.shape_cast %get3A_598 : vector<1x125x128xf32> to vector<125x128xf32>
      %get3A_600 = arith.constant 8 : index
      %get3A_601 = arith.constant 34 : index
      %get3A_602 = arith.constant 10 : index
      %get3A_603 = vector.load %arg4[%get3A_600, %get3A_601, %get3A_602] : memref<133x48x148xf32, #tpu.memory_space<vmem>>, vector<125x1x128xf32>
      %get3A_604 = vector.shape_cast %get3A_603 : vector<125x1x128xf32> to vector<125x128xf32>
      %add3A_605 = arith.addf %get3A_599, %get3A_604 : vector<125x128xf32>
      %swap3A_606 = arith.constant 2 : index
      %swap3A_607 = arith.constant 0 : index
      %swap3A_608 = arith.constant 0 : index
      %swap3A_609 = vector.load %arg3[%swap3A_606, %swap3A_607, %swap3A_608] : memref<3x128x128xf32, #tpu.memory_space<vmem>>, vector<1x125x128xf32>
      %swap3A_610 = vector.shape_cast %swap3A_609 : vector<1x125x128xf32> to vector<125x128xf32>
      %swap3A_611 = vector.shape_cast %add3A_605 : vector<125x128xf32> to vector<1x125x128xf32>
      tpu.vector_store %arg3[%swap3A_606, %swap3A_607, %swap3A_608], %swap3A_611 {strides = array<i32>} : memref<3x128x128xf32, #tpu.memory_space<vmem>>, vector<1x125x128xf32>,
      %get3A_612 = arith.constant 2 : index
      %get3A_613 = arith.constant 0 : index
      %get3A_614 = arith.constant 0 : index
      %get3A_615 = vector.load %arg3[%get3A_612, %get3A_613, %get3A_614] : memref<3x128x128xf32, #tpu.memory_space<vmem>>, vector<1x126x128xf32>
      %get3A_616 = vector.shape_cast %get3A_615 : vector<1x126x128xf32> to vector<126x128xf32>
      %get3A_617 = arith.constant 7 : index
      %get3A_618 = arith.constant 35 : index
      %get3A_619 = arith.constant 10 : index
      %get3A_620 = vector.load %arg4[%get3A_617, %get3A_618, %get3A_619] : memref<133x48x148xf32, #tpu.memory_space<vmem>>, vector<126x1x128xf32>
      %get3A_621 = vector.shape_cast %get3A_620 : vector<126x1x128xf32> to vector<126x128xf32>
      %add3A_622 = arith.addf %get3A_616, %get3A_621 : vector<126x128xf32>
      %swap3A_623 = arith.constant 2 : index
      %swap3A_624 = arith.constant 0 : index
      %swap3A_625 = arith.constant 0 : index
      %swap3A_626 = vector.load %arg3[%swap3A_623, %swap3A_624, %swap3A_625] : memref<3x128x128xf32, #tpu.memory_space<vmem>>, vector<1x126x128xf32>
      %swap3A_627 = vector.shape_cast %swap3A_626 : vector<1x126x128xf32> to vector<126x128xf32>
      %swap3A_628 = vector.shape_cast %add3A_622 : vector<126x128xf32> to vector<1x126x128xf32>
      tpu.vector_store %arg3[%swap3A_623, %swap3A_624, %swap3A_625], %swap3A_628 {strides = array<i32>} : memref<3x128x128xf32, #tpu.memory_space<vmem>>, vector<1x126x128xf32>,
      %get3A_629 = arith.constant 2 : index
      %get3A_630 = arith.constant 0 : index
      %get3A_631 = arith.constant 0 : index
      %get3A_632 = vector.load %arg3[%get3A_629, %get3A_630, %get3A_631] : memref<3x128x128xf32, #tpu.memory_space<vmem>>, vector<1x127x128xf32>
      %get3A_633 = vector.shape_cast %get3A_632 : vector<1x127x128xf32> to vector<127x128xf32>
      %get3A_634 = arith.constant 6 : index
      %get3A_635 = arith.constant 36 : index
      %get3A_636 = arith.constant 10 : index
      %get3A_637 = vector.load %arg4[%get3A_634, %get3A_635, %get3A_636] : memref<133x48x148xf32, #tpu.memory_space<vmem>>, vector<127x1x128xf32>
      %get3A_638 = vector.shape_cast %get3A_637 : vector<127x1x128xf32> to vector<127x128xf32>
      %add3A_639 = arith.addf %get3A_633, %get3A_638 : vector<127x128xf32>
      %swap3A_640 = arith.constant 2 : index
      %swap3A_641 = arith.constant 0 : index
      %swap3A_642 = arith.constant 0 : index
      %swap3A_643 = vector.load %arg3[%swap3A_640, %swap3A_641, %swap3A_642] : memref<3x128x128xf32, #tpu.memory_space<vmem>>, vector<1x127x128xf32>
      %swap3A_644 = vector.shape_cast %swap3A_643 : vector<1x127x128xf32> to vector<127x128xf32>
      %swap3A_645 = vector.shape_cast %add3A_639 : vector<127x128xf32> to vector<1x127x128xf32>
      tpu.vector_store %arg3[%swap3A_640, %swap3A_641, %swap3A_642], %swap3A_645 {strides = array<i32>} : memref<3x128x128xf32, #tpu.memory_space<vmem>>, vector<1x127x128xf32>,
      %get3A_646 = arith.constant 2 : index
      %get3A_647 = arith.constant 0 : index
      %get3A_648 = arith.constant 0 : index
      %get3A_649 = vector.load %arg3[%get3A_646, %get3A_647, %get3A_648] : memref<3x128x128xf32, #tpu.memory_space<vmem>>, vector<1x128x128xf32>
      %get3A_650 = vector.shape_cast %get3A_649 : vector<1x128x128xf32> to vector<128x128xf32>
      %get3A_651 = arith.constant 5 : index
      %get3A_652 = arith.constant 37 : index
      %get3A_653 = arith.constant 10 : index
      %get3A_654 = vector.load %arg4[%get3A_651, %get3A_652, %get3A_653] : memref<133x48x148xf32, #tpu.memory_space<vmem>>, vector<128x1x128xf32>
      %get3A_655 = vector.shape_cast %get3A_654 : vector<128x1x128xf32> to vector<128x128xf32>
      %add3A_656 = arith.addf %get3A_650, %get3A_655 : vector<128x128xf32>
      %swap3A_657 = arith.constant 2 : index
      %swap3A_658 = arith.constant 0 : index
      %swap3A_659 = arith.constant 0 : index
      %swap3A_660 = vector.load %arg3[%swap3A_657, %swap3A_658, %swap3A_659] : memref<3x128x128xf32, #tpu.memory_space<vmem>>, vector<1x128x128xf32>
      %swap3A_661 = vector.shape_cast %swap3A_660 : vector<1x128x128xf32> to vector<128x128xf32>
      %swap3A_662 = vector.shape_cast %add3A_656 : vector<128x128xf32> to vector<1x128x128xf32>
      tpu.vector_store %arg3[%swap3A_657, %swap3A_658, %swap3A_659], %swap3A_662 {strides = array<i32>} : memref<3x128x128xf32, #tpu.memory_space<vmem>>, vector<1x128x128xf32>,
      %get3A_663 = arith.constant 2 : index
      %get3A_664 = arith.constant 0 : index
      %get3A_665 = arith.constant 0 : index
      %get3A_666 = vector.load %arg3[%get3A_663, %get3A_664, %get3A_665] : memref<3x128x128xf32, #tpu.memory_space<vmem>>, vector<1x128x128xf32>
      %get3A_667 = vector.shape_cast %get3A_666 : vector<1x128x128xf32> to vector<128x128xf32>
      %get3A_668 = arith.constant 4 : index
      %get3A_669 = arith.constant 38 : index
      %get3A_670 = arith.constant 10 : index
      %get3A_671 = vector.load %arg4[%get3A_668, %get3A_669, %get3A_670] : memref<133x48x148xf32, #tpu.memory_space<vmem>>, vector<128x1x128xf32>
      %get3A_672 = vector.shape_cast %get3A_671 : vector<128x1x128xf32> to vector<128x128xf32>
      %add3A_673 = arith.addf %get3A_667, %get3A_672 : vector<128x128xf32>
      %swap3A_674 = arith.constant 2 : index
      %swap3A_675 = arith.constant 0 : index
      %swap3A_676 = arith.constant 0 : index
      %swap3A_677 = vector.load %arg3[%swap3A_674, %swap3A_675, %swap3A_676] : memref<3x128x128xf32, #tpu.memory_space<vmem>>, vector<1x128x128xf32>
      %swap3A_678 = vector.shape_cast %swap3A_677 : vector<1x128x128xf32> to vector<128x128xf32>
      %swap3A_679 = vector.shape_cast %add3A_673 : vector<128x128xf32> to vector<1x128x128xf32>
      tpu.vector_store %arg3[%swap3A_674, %swap3A_675, %swap3A_676], %swap3A_679 {strides = array<i32>} : memref<3x128x128xf32, #tpu.memory_space<vmem>>, vector<1x128x128xf32>,
      %get3A_680 = arith.constant 2 : index
      %get3A_681 = arith.constant 0 : index
      %get3A_682 = arith.constant 0 : index
      %get3A_683 = vector.load %arg3[%get3A_680, %get3A_681, %get3A_682] : memref<3x128x128xf32, #tpu.memory_space<vmem>>, vector<1x128x128xf32>
      %get3A_684 = vector.shape_cast %get3A_683 : vector<1x128x128xf32> to vector<128x128xf32>
      %get3A_685 = arith.constant 3 : index
      %get3A_686 = arith.constant 39 : index
      %get3A_687 = arith.constant 10 : index
      %get3A_688 = vector.load %arg4[%get3A_685, %get3A_686, %get3A_687] : memref<133x48x148xf32, #tpu.memory_space<vmem>>, vector<128x1x128xf32>
      %get3A_689 = vector.shape_cast %get3A_688 : vector<128x1x128xf32> to vector<128x128xf32>
      %add3A_690 = arith.addf %get3A_684, %get3A_689 : vector<128x128xf32>
      %swap3A_691 = arith.constant 2 : index
      %swap3A_692 = arith.constant 0 : index
      %swap3A_693 = arith.constant 0 : index
      %swap3A_694 = vector.load %arg3[%swap3A_691, %swap3A_692, %swap3A_693] : memref<3x128x128xf32, #tpu.memory_space<vmem>>, vector<1x128x128xf32>
      %swap3A_695 = vector.shape_cast %swap3A_694 : vector<1x128x128xf32> to vector<128x128xf32>
      %swap3A_696 = vector.shape_cast %add3A_690 : vector<128x128xf32> to vector<1x128x128xf32>
      tpu.vector_store %arg3[%swap3A_691, %swap3A_692, %swap3A_693], %swap3A_696 {strides = array<i32>} : memref<3x128x128xf32, #tpu.memory_space<vmem>>, vector<1x128x128xf32>,
      %get3A_697 = arith.constant 2 : index
      %get3A_698 = arith.constant 0 : index
      %get3A_699 = arith.constant 0 : index
      %get3A_700 = vector.load %arg3[%get3A_697, %get3A_698, %get3A_699] : memref<3x128x128xf32, #tpu.memory_space<vmem>>, vector<1x128x128xf32>
      %get3A_701 = vector.shape_cast %get3A_700 : vector<1x128x128xf32> to vector<128x128xf32>
      %get3A_702 = arith.constant 2 : index
      %get3A_703 = arith.constant 40 : index
      %get3A_704 = arith.constant 10 : index
      %get3A_705 = vector.load %arg4[%get3A_702, %get3A_703, %get3A_704] : memref<133x48x148xf32, #tpu.memory_space<vmem>>, vector<128x1x128xf32>
      %get3A_706 = vector.shape_cast %get3A_705 : vector<128x1x128xf32> to vector<128x128xf32>
      %add3A_707 = arith.addf %get3A_701, %get3A_706 : vector<128x128xf32>
      %swap3A_708 = arith.constant 2 : index
      %swap3A_709 = arith.constant 0 : index
      %swap3A_710 = arith.constant 0 : index
      %swap3A_711 = vector.load %arg3[%swap3A_708, %swap3A_709, %swap3A_710] : memref<3x128x128xf32, #tpu.memory_space<vmem>>, vector<1x128x128xf32>
      %swap3A_712 = vector.shape_cast %swap3A_711 : vector<1x128x128xf32> to vector<128x128xf32>
      %swap3A_713 = vector.shape_cast %add3A_707 : vector<128x128xf32> to vector<1x128x128xf32>
      tpu.vector_store %arg3[%swap3A_708, %swap3A_709, %swap3A_710], %swap3A_713 {strides = array<i32>} : memref<3x128x128xf32, #tpu.memory_space<vmem>>, vector<1x128x128xf32>,
      %get3A_714 = arith.constant 2 : index
      %get3A_715 = arith.constant 0 : index
      %get3A_716 = arith.constant 0 : index
      %get3A_717 = vector.load %arg3[%get3A_714, %get3A_715, %get3A_716] : memref<3x128x128xf32, #tpu.memory_space<vmem>>, vector<1x128x128xf32>
      %get3A_718 = vector.shape_cast %get3A_717 : vector<1x128x128xf32> to vector<128x128xf32>
      %get3A_719 = arith.constant 1 : index
      %get3A_720 = arith.constant 41 : index
      %get3A_721 = arith.constant 10 : index
      %get3A_722 = vector.load %arg4[%get3A_719, %get3A_720, %get3A_721] : memref<133x48x148xf32, #tpu.memory_space<vmem>>, vector<128x1x128xf32>
      %get3A_723 = vector.shape_cast %get3A_722 : vector<128x1x128xf32> to vector<128x128xf32>
      %add3A_724 = arith.addf %get3A_718, %get3A_723 : vector<128x128xf32>
      %swap3A_725 = arith.constant 2 : index
      %swap3A_726 = arith.constant 0 : index
      %swap3A_727 = arith.constant 0 : index
      %swap3A_728 = vector.load %arg3[%swap3A_725, %swap3A_726, %swap3A_727] : memref<3x128x128xf32, #tpu.memory_space<vmem>>, vector<1x128x128xf32>
      %swap3A_729 = vector.shape_cast %swap3A_728 : vector<1x128x128xf32> to vector<128x128xf32>
      %swap3A_730 = vector.shape_cast %add3A_724 : vector<128x128xf32> to vector<1x128x128xf32>
      tpu.vector_store %arg3[%swap3A_725, %swap3A_726, %swap3A_727], %swap3A_730 {strides = array<i32>} : memref<3x128x128xf32, #tpu.memory_space<vmem>>, vector<1x128x128xf32>,
      %get3A_731 = arith.constant 2 : index
      %get3A_732 = arith.constant 0 : index
      %get3A_733 = arith.constant 0 : index
      %get3A_734 = vector.load %arg3[%get3A_731, %get3A_732, %get3A_733] : memref<3x128x128xf32, #tpu.memory_space<vmem>>, vector<1x128x128xf32>
      %get3A_735 = vector.shape_cast %get3A_734 : vector<1x128x128xf32> to vector<128x128xf32>
      %get3A_736 = arith.constant 0 : index
      %get3A_737 = arith.constant 42 : index
      %get3A_738 = arith.constant 10 : index
      %get3A_739 = vector.load %arg4[%get3A_736, %get3A_737, %get3A_738] : memref<133x48x148xf32, #tpu.memory_space<vmem>>, vector<128x1x128xf32>
      %get3A_740 = vector.shape_cast %get3A_739 : vector<128x1x128xf32> to vector<128x128xf32>
      %add3A_741 = arith.addf %get3A_735, %get3A_740 : vector<128x128xf32>
      %swap3A_742 = arith.constant 2 : index
      %swap3A_743 = arith.constant 0 : index
      %swap3A_744 = arith.constant 0 : index
      %swap3A_745 = vector.load %arg3[%swap3A_742, %swap3A_743, %swap3A_744] : memref<3x128x128xf32, #tpu.memory_space<vmem>>, vector<1x128x128xf32>
      %swap3A_746 = vector.shape_cast %swap3A_745 : vector<1x128x128xf32> to vector<128x128xf32>
      %swap3A_747 = vector.shape_cast %add3A_741 : vector<128x128xf32> to vector<1x128x128xf32>
      tpu.vector_store %arg3[%swap3A_742, %swap3A_743, %swap3A_744], %swap3A_747 {strides = array<i32>} : memref<3x128x128xf32, #tpu.memory_space<vmem>>, vector<1x128x128xf32>,
      %get3A_748 = arith.constant 2 : index
      %get3A_749 = arith.constant 1 : index
      %get3A_750 = arith.constant 0 : index
      %get3A_751 = vector.load %arg3[%get3A_748, %get3A_749, %get3A_750] : memref<3x128x128xf32, #tpu.memory_space<vmem>>, vector<1x127x128xf32>
      %get3A_752 = vector.shape_cast %get3A_751 : vector<1x127x128xf32> to vector<127x128xf32>
      %get3A_753 = arith.constant 0 : index
      %get3A_754 = arith.constant 43 : index
      %get3A_755 = arith.constant 10 : index
      %get3A_756 = vector.load %arg4[%get3A_753, %get3A_754, %get3A_755] : memref<133x48x148xf32, #tpu.memory_space<vmem>>, vector<127x1x128xf32>
      %get3A_757 = vector.shape_cast %get3A_756 : vector<127x1x128xf32> to vector<127x128xf32>
      %add3A_758 = arith.addf %get3A_752, %get3A_757 : vector<127x128xf32>
      %swap3A_759 = arith.constant 2 : index
      %swap3A_760 = arith.constant 1 : index
      %swap3A_761 = arith.constant 0 : index
      %swap3A_762 = vector.load %arg3[%swap3A_759, %swap3A_760, %swap3A_761] : memref<3x128x128xf32, #tpu.memory_space<vmem>>, vector<1x127x128xf32>
      %swap3A_763 = vector.shape_cast %swap3A_762 : vector<1x127x128xf32> to vector<127x128xf32>
      %swap3A_764 = vector.shape_cast %add3A_758 : vector<127x128xf32> to vector<1x127x128xf32>
      tpu.vector_store %arg3[%swap3A_759, %swap3A_760, %swap3A_761], %swap3A_764 {strides = array<i32>} : memref<3x128x128xf32, #tpu.memory_space<vmem>>, vector<1x127x128xf32>,
      %get3A_765 = arith.constant 2 : index
      %get3A_766 = arith.constant 2 : index
      %get3A_767 = arith.constant 0 : index
      %get3A_768 = vector.load %arg3[%get3A_765, %get3A_766, %get3A_767] : memref<3x128x128xf32, #tpu.memory_space<vmem>>, vector<1x126x128xf32>
      %get3A_769 = vector.shape_cast %get3A_768 : vector<1x126x128xf32> to vector<126x128xf32>
      %get3A_770 = arith.constant 0 : index
      %get3A_771 = arith.constant 44 : index
      %get3A_772 = arith.constant 10 : index
      %get3A_773 = vector.load %arg4[%get3A_770, %get3A_771, %get3A_772] : memref<133x48x148xf32, #tpu.memory_space<vmem>>, vector<126x1x128xf32>
      %get3A_774 = vector.shape_cast %get3A_773 : vector<126x1x128xf32> to vector<126x128xf32>
      %add3A_775 = arith.addf %get3A_769, %get3A_774 : vector<126x128xf32>
      %swap3A_776 = arith.constant 2 : index
      %swap3A_777 = arith.constant 2 : index
      %swap3A_778 = arith.constant 0 : index
      %swap3A_779 = vector.load %arg3[%swap3A_776, %swap3A_777, %swap3A_778] : memref<3x128x128xf32, #tpu.memory_space<vmem>>, vector<1x126x128xf32>
      %swap3A_780 = vector.shape_cast %swap3A_779 : vector<1x126x128xf32> to vector<126x128xf32>
      %swap3A_781 = vector.shape_cast %add3A_775 : vector<126x128xf32> to vector<1x126x128xf32>
      tpu.vector_store %arg3[%swap3A_776, %swap3A_777, %swap3A_778], %swap3A_781 {strides = array<i32>} : memref<3x128x128xf32, #tpu.memory_space<vmem>>, vector<1x126x128xf32>,
      %get3A_782 = arith.constant 2 : index
      %get3A_783 = arith.constant 3 : index
      %get3A_784 = arith.constant 0 : index
      %get3A_785 = vector.load %arg3[%get3A_782, %get3A_783, %get3A_784] : memref<3x128x128xf32, #tpu.memory_space<vmem>>, vector<1x125x128xf32>
      %get3A_786 = vector.shape_cast %get3A_785 : vector<1x125x128xf32> to vector<125x128xf32>
      %get3A_787 = arith.constant 0 : index
      %get3A_788 = arith.constant 45 : index
      %get3A_789 = arith.constant 10 : index
      %get3A_790 = vector.load %arg4[%get3A_787, %get3A_788, %get3A_789] : memref<133x48x148xf32, #tpu.memory_space<vmem>>, vector<125x1x128xf32>
      %get3A_791 = vector.shape_cast %get3A_790 : vector<125x1x128xf32> to vector<125x128xf32>
      %add3A_792 = arith.addf %get3A_786, %get3A_791 : vector<125x128xf32>
      %swap3A_793 = arith.constant 2 : index
      %swap3A_794 = arith.constant 3 : index
      %swap3A_795 = arith.constant 0 : index
      %swap3A_796 = vector.load %arg3[%swap3A_793, %swap3A_794, %swap3A_795] : memref<3x128x128xf32, #tpu.memory_space<vmem>>, vector<1x125x128xf32>
      %swap3A_797 = vector.shape_cast %swap3A_796 : vector<1x125x128xf32> to vector<125x128xf32>
      %swap3A_798 = vector.shape_cast %add3A_792 : vector<125x128xf32> to vector<1x125x128xf32>
      tpu.vector_store %arg3[%swap3A_793, %swap3A_794, %swap3A_795], %swap3A_798 {strides = array<i32>} : memref<3x128x128xf32, #tpu.memory_space<vmem>>, vector<1x125x128xf32>,
      %get3A_799 = arith.constant 2 : index
      %get3A_800 = arith.constant 4 : index
      %get3A_801 = arith.constant 0 : index
      %get3A_802 = vector.load %arg3[%get3A_799, %get3A_800, %get3A_801] : memref<3x128x128xf32, #tpu.memory_space<vmem>>, vector<1x124x128xf32>
      %get3A_803 = vector.shape_cast %get3A_802 : vector<1x124x128xf32> to vector<124x128xf32>
      %get3A_804 = arith.constant 0 : index
      %get3A_805 = arith.constant 46 : index
      %get3A_806 = arith.constant 10 : index
      %get3A_807 = vector.load %arg4[%get3A_804, %get3A_805, %get3A_806] : memref<133x48x148xf32, #tpu.memory_space<vmem>>, vector<124x1x128xf32>
      %get3A_808 = vector.shape_cast %get3A_807 : vector<124x1x128xf32> to vector<124x128xf32>
      %add3A_809 = arith.addf %get3A_803, %get3A_808 : vector<124x128xf32>
      %swap3A_810 = arith.constant 2 : index
      %swap3A_811 = arith.constant 4 : index
      %swap3A_812 = arith.constant 0 : index
      %swap3A_813 = vector.load %arg3[%swap3A_810, %swap3A_811, %swap3A_812] : memref<3x128x128xf32, #tpu.memory_space<vmem>>, vector<1x124x128xf32>
      %swap3A_814 = vector.shape_cast %swap3A_813 : vector<1x124x128xf32> to vector<124x128xf32>
      %swap3A_815 = vector.shape_cast %add3A_809 : vector<124x128xf32> to vector<1x124x128xf32>
      tpu.vector_store %arg3[%swap3A_810, %swap3A_811, %swap3A_812], %swap3A_815 {strides = array<i32>} : memref<3x128x128xf32, #tpu.memory_space<vmem>>, vector<1x124x128xf32>,
      %get3A_816 = arith.constant 2 : index
      %get3A_817 = arith.constant 5 : index
      %get3A_818 = arith.constant 0 : index
      %get3A_819 = vector.load %arg3[%get3A_816, %get3A_817, %get3A_818] : memref<3x128x128xf32, #tpu.memory_space<vmem>>, vector<1x123x128xf32>
      %get3A_820 = vector.shape_cast %get3A_819 : vector<1x123x128xf32> to vector<123x128xf32>
      %get3A_821 = arith.constant 0 : index
      %get3A_822 = arith.constant 47 : index
      %get3A_823 = arith.constant 10 : index
      %get3A_824 = vector.load %arg4[%get3A_821, %get3A_822, %get3A_823] : memref<133x48x148xf32, #tpu.memory_space<vmem>>, vector<123x1x128xf32>
      %get3A_825 = vector.shape_cast %get3A_824 : vector<123x1x128xf32> to vector<123x128xf32>
      %add3A_826 = arith.addf %get3A_820, %get3A_825 : vector<123x128xf32>
      %swap3A_827 = arith.constant 2 : index
      %swap3A_828 = arith.constant 5 : index
      %swap3A_829 = arith.constant 0 : index
      %swap3A_830 = vector.load %arg3[%swap3A_827, %swap3A_828, %swap3A_829] : memref<3x128x128xf32, #tpu.memory_space<vmem>>, vector<1x123x128xf32>
      %swap3A_831 = vector.shape_cast %swap3A_830 : vector<1x123x128xf32> to vector<123x128xf32>
      %swap3A_832 = vector.shape_cast %add3A_826 : vector<123x128xf32> to vector<1x123x128xf32>
      tpu.vector_store %arg3[%swap3A_827, %swap3A_828, %swap3A_829], %swap3A_832 {strides = array<i32>} : memref<3x128x128xf32, #tpu.memory_space<vmem>>, vector<1x123x128xf32>,
      %get3A_833 = arith.constant 0 : index
      %get3A_834 = arith.constant 0 : index
      %get3A_835 = arith.constant 0 : index
      %get3A_836 = vector.load %arg3[%get3A_833, %get3A_834, %get3A_835] : memref<3x128x128xf32, #tpu.memory_space<vmem>>, vector<3x128x128xf32>
      %reduce_max3A = vector.shape_cast %get3A_836 : vector<3x128x128xf32> to vector<1x3x128x128xf32>
      %reduce_max3A_837 = arith.constant dense<0xFF800000> : vector<1xf32>
      %reduce_max3A_838 = vector.multi_reduction <maximumf>, %reduce_max3A, %reduce_max3A_837 [1, 2, 3] : vector<1x3x128x128xf32> to vector<1xf32>
      %reduce_max3A_839 = vector.shape_cast %reduce_max3A_838 : vector<1xf32> to vector<1x1x1x1xf32>
      %reduce_max3A_840 = vector.extract %reduce_max3A_839[0, 0, 0, 0] : f32 from vector<1x1x1x1xf32>
      %get3A_841 = arith.constant 0 : index
      %get3A_842 = arith.constant 0 : index
      %get3A_843 = arith.constant 0 : index
      %get3A_844 = vector.load %arg3[%get3A_841, %get3A_842, %get3A_843] : memref<3x128x128xf32, #tpu.memory_space<vmem>>, vector<3x128x128xf32>
      %div3A = vector.broadcast %reduce_max3A_840 : f32 to vector<3x128x128xf32>
      %div3A_845 = arith.divf %get3A_844, %div3A : vector<3x128x128xf32>
      %swap3A_846 = arith.constant 0 : index
      %swap3A_847 = arith.constant 0 : index
      %swap3A_848 = arith.constant 0 : index
      %swap3A_849 = vector.load %arg3[%swap3A_846, %swap3A_847, %swap3A_848] : memref<3x128x128xf32, #tpu.memory_space<vmem>>, vector<3x128x128xf32>
      tpu.vector_store %arg3[%swap3A_846, %swap3A_847, %swap3A_848], %div3A_845 {strides = array<i32>} : memref<3x128x128xf32, #tpu.memory_space<vmem>>, vector<3x128x128xf32>,
    } else {
    }
    return
  }
  func.func @transform_0(%arg0: i32) -> (i32, i32) {
    %c0_i32 = arith.constant 0 : i32
    %c0_i32_0 = arith.constant 0 : i32
    return %arg0, %c0_i32 : i32, i32
  }
  func.func @transform_1(%arg0: i32) -> (i32, i32) {
    %c0_i32 = arith.constant 0 : i32
    %c0_i32_0 = arith.constant 0 : i32
    %c0_i32_1 = arith.constant 0 : i32
    return %c0_i32, %c0_i32_0 : i32, i32
  }
  func.func @transform_2(%arg0: i32) -> (i32, i32, i32) {
    %c0_i32 = arith.constant 0 : i32
    %c0_i32_0 = arith.constant 0 : i32
    %c0_i32_1 = arith.constant 0 : i32
    %c0_i32_2 = arith.constant 0 : i32
    return %c0_i32, %c0_i32_0, %c0_i32_1 : i32, i32, i32
  }
}

</mosaic_0001>

<sc_bundles>
// kernel: kernel.5.cloned.1.call-start
scs
__scs_entry_jumppad:
0x0: {  	(pc) =	sbr.rel $0x88, $3  }
0x1: {  	(tag) =	ssettag $0x0;
	lr =	simm.s32 $0x1  }
0x2: {  	[smem:$0x3F9D] =	sst lr;
	_ =	strace $0xD0000000  }
0x3: {  	_ = 	snop  }
0x4: {  	_ = 	snop  }
0x5: {  	_ = 	snop  }
0x6: {  	_ = 	snop  }
0x7: {  	_ = 	snop  }
__scs_overlays_trampoline_lowered:
0x8: {  	[smem:$0x3FAC] =	sst s0  }
0x9: {  	[smem:$0x3FAD] =	sst s1  }
0xa: {  	[smem:$0x3FAE] =	sst s2  }
0xb: {  	[smem:$0x3FAF] =	sst s3  }
0xc: {  	[smem:$0x3FB0] =	sst s4  }
0xd: {  	[smem:$0x3FB1] =	sst s5  }
0xe: {  	[smem:$0x3FB2] =	sst s6  }
0xf: {  	[smem:$0x3FB3] =	sst s7  }
0x10: {  	[smem:$0x3FB4] =	sst s8  }
0x11: {  	[smem:$0x3FB5] =	sst s9;
	s0 =	simm.s32 @!p0 $0x0  }
0x12: {  	s1 =	sld [smem:$0x3F9B];
	s0 =	simm.s32 @p0 $0x1  }
0x13: {  	[smem:$0x3FB6] =	sst s0;
	s0 =	simm.s32 @!p1 $0x0  }
0x14: {  	s2 =	sld [smem:$0x3F9A];
	s0 =	simm.s32 @p1 $0x1  }
0x15: {  	[smem:$0x3FB7] =	sst s0;
	s0 =	simm.s32 @!p2 $0x0  }
0x16: {  	s3 =	sld [smem:$0x3FDB];
	s0 =	simm.s32 @p2 $0x1  }
0x17: {  	s4 =	simm.s32 $0x1BF5;
	[smem:$0x3FB9] =	sst s0  }
0x18: {  	s0 =	sld [smem:$0x3F9C];
	_ =	swait.ge [sflag:s4], $0x0  }
0x19: {  	s7 =	sld [smem:$0x3F9D]  }
0x1a: {  	s8 =	sadd.s32 $0xFFFFE003, lr  }
0x1b: {  	s9 =	sadd.s32 $0xFFFFFEF7, lr;
	s5 =	simm.s32 $0xFFFFFFFF;
	p2 =	slt.u32 s8, $0xFFFFF086  }
0x1c: {  	p1 =	slt.u32 s9, $0xF7A;
	s5 =	simm.s32 @!p2 $0x0  }
0x1d: {  	s5 =	simm.s32 @p1 $0x1;
	p0 =	seq.s32 s7, s2  }
0x1e: {  	s7 =	smul.u32 @!p0 $0xF7A, s2;
	p2 =	seq.s32 @!p0 s5, $0x0  }
0x1f: {  	s9 =	smul.u32 $0xF7A, s1;
	s8 =	simm.s32 @!p0 $0x1BF5;
	p2 =	por !p2, p0  }
0x20: {  	[sflag:s8] =	ssyncset.s32 @!p0 $0xFFFFF086;
	s6 =	sadd.s32 @!p0 s3, s7;
	s7 =	simm.s32 @!p0 $0x108  }
0x21: {  	s3 =	sadd.s32 s3, s9;
	s6 =	sadd.s32 @!p0 $0x88, s6;
	s7 =	simm.s32 @p2 $0x1082  }
0x22: {  	[simem:s7], [sflag:s8] =	dma.local @!p0 [hbm:s6], $0xF7A  }
0x23: {  	s9 =	sor.u32 $0xD0000000, s2;
	s6 =	simm.s32 $0x108;
	_ =	swait.ge @!p0 [sflag:s8], $0x0  }
0x24: {  	s3 =	sadd.s32 $0x88, s3;
	s6 =	simm.s32 @!p1 $0x1082;
	[sflag:s4] =	ssyncset.s32 $0xFFFFF086  }
0x25: {  	[simem:s6], [sflag:s4] =	dma.local [hbm:s3], $0xF7A  }
0x26: {  	[smem:$0x3F9D] =	sst s1;
	(tag) =	ssettag s2;
	_ =	strace s9  }
0x27: {  	s1 =	sld [smem:$0x3FAD]  }
0x28: {  	s2 =	sld [smem:$0x3FAE]  }
0x29: {  	s4 =	sld [smem:$0x3FB0]  }
0x2a: {  	p0 =	seq.s32 s5, $0x0;
	s5 =	sld [smem:$0x3FB1]  }
0x2b: {  	s6 =	sld [smem:$0x3FB2]  }
0x2c: {  	s7 =	sld [smem:$0x3FB3]  }
0x2d: {  	s3 =	simm.s32 $0x108;
	s8 =	sld [smem:$0x3FB4]  }
0x2e: {  	s3 =	simm.s32 @!p0 $0x1082;
	s9 =	sld [smem:$0x3FB5]  }
0x2f: {  	lr =	sadd.s32 s0, s3;
	s0 =	sld [smem:$0x3FAC]  }
0x30: {  	s3 =	sld [smem:$0x3FAF]  }
0x31: {  	[smem:$0x3FB8] =	sst s10  }
0x32: {  	s10 =	sld [smem:$0x3FB6];
	_ =	sdelay $0x3  }
0x33: {  	p0 =	seq.s32 s10, $0x1;
	s10 =	sld [smem:$0x3FB8];
	_ =	sdelay $0x3  }
0x34: {  	[smem:$0x3FB8] =	sst s10  }
0x35: {  	s10 =	sld [smem:$0x3FB7];
	_ =	sdelay $0x3  }
0x36: {  	p1 =	seq.s32 s10, $0x1;
	s10 =	sld [smem:$0x3FB8];
	_ =	sdelay $0x3  }
0x37: {  	[smem:$0x3FB8] =	sst s10  }
0x38: {  	s10 =	sld [smem:$0x3FB9]  }
0x39: {  	_ = 	snop;
	(pc) =	sbr.ind lr, $3  }
0x3a: {  	_ = 	snop  }
0x3b: {  	_ = 	snop  }
0x3c: {  	p2 =	seq.s32 s10, $0x1;
	s10 =	sld [smem:$0x3FB8]  }
0x3d: {  	_ =	shalt  }
0x3e: {  	_ =	shalt  }
0x3f: {  	_ =	shalt  }
0x40: {  	_ =	shalt  }
0x41: {  	_ =	shalt  }
0x42: {  	_ =	shalt  }
0x43: {  	_ =	shalt  }
0x44: {  	_ =	shalt  }
0x45: {  	_ =	shalt  }
0x46: {  	_ =	shalt  }
0x47: {  	_ =	shalt  }
0x48: {  	_ =	shalt  }
0x49: {  	_ =	shalt  }
0x4a: {  	_ =	shalt  }
0x4b: {  	_ =	shalt  }
0x4c: {  	_ =	shalt  }
0x4d: {  	_ =	shalt  }
0x4e: {  	_ =	shalt  }
0x4f: {  	_ =	shalt  }
0x50: {  	_ =	shalt  }
0x51: {  	_ =	shalt  }
0x52: {  	_ =	shalt  }
0x53: {  	_ =	shalt  }
0x54: {  	_ =	shalt  }
0x55: {  	_ =	shalt  }
0x56: {  	_ =	shalt  }
0x57: {  	_ =	shalt  }
0x58: {  	_ =	shalt  }
0x59: {  	_ =	shalt  }
0x5a: {  	_ =	shalt  }
0x5b: {  	_ =	shalt  }
0x5c: {  	_ =	shalt  }
0x5d: {  	_ =	shalt  }
0x5e: {  	_ =	shalt  }
0x5f: {  	_ =	shalt  }
0x60: {  	_ =	shalt  }
0x61: {  	_ =	shalt  }
0x62: {  	_ =	shalt  }
0x63: {  	_ =	shalt  }
0x64: {  	_ =	shalt  }
0x65: {  	_ =	shalt  }
0x66: {  	_ =	shalt  }
0x67: {  	_ =	shalt  }
0x68: {  	_ =	shalt  }
0x69: {  	_ =	shalt  }
0x6a: {  	_ =	shalt  }
0x6b: {  	_ =	shalt  }
0x6c: {  	_ =	shalt  }
0x6d: {  	_ =	shalt  }
0x6e: {  	_ =	shalt  }
0x6f: {  	_ =	shalt  }
0x70: {  	_ =	shalt  }
0x71: {  	_ =	shalt  }
0x72: {  	_ =	shalt  }
0x73: {  	_ =	shalt  }
0x74: {  	_ =	shalt  }
0x75: {  	_ =	shalt  }
0x76: {  	_ =	shalt  }
0x77: {  	_ =	shalt  }
0x78: {  	_ =	shalt  }
0x79: {  	_ =	shalt  }
0x7a: {  	_ =	shalt  }
0x7b: {  	_ =	shalt  }
0x7c: {  	_ =	shalt  }
0x7d: {  	_ =	shalt  }
0x7e: {  	_ =	shalt  }
0x7f: {  	_ =	shalt  }
0x80: {  	_ =	shalt  }
0x81: {  	_ =	shalt  }
0x82: {  	_ =	shalt  }
0x83: {  	_ =	shalt  }
0x84: {  	_ =	shalt  }
0x85: {  	_ =	shalt  }
0x86: {  	_ =	shalt  }
0x87: {  	_ =	shalt  }
.Lfunc_end0:
.L_simem_size_0:
called_computation.1_lowered:
.L_overlay_start_0:
0x88: {  	s2 =	sld [smem:$0x3FD9]  }
0x89: {  	s3 =	sld [smem:$0x3FFE];
	_ =	sdelay $0x1  }
0x8a: {  	s1 =	srdreg.scid  }
0x8b: {  	s0 =	sand.u32 $0x1, s1  }
0x8c: {  	s16 =	sshll.u32 s0, $0xA;
	s2 =	sadd.s32 s3, s2  }
0x8d: {  	s2 =	sadd.s32 s2, s16  }
0x8e: {  	[smem:$0x3FC4] =	sst s2  }
0x8f: {  	_ = 	snop  }
0x90: {  	(tm) =	ssettm $0x1  }
0x91: {  	s17 =	sld [smem:$0x3FFB];
	_ =	sdelay $0x3  }
0x92: {  	_ =	strace s17  }
0x93: {  	s2 =	sld [smem:$0x3FFC];
	_ =	sdelay $0x3  }
0x94: {  	_ =	strace s2  }
0x95: {  	s2 =	sld [smem:$0x3FFD];
	_ =	sdelay $0x3  }
0x96: {  	_ =	strace s2  }
0x97: {  	_ =	strace $0x8FFFFFFF  }
0x98: {  	s18 =	sld [smem:$0x3FDB];
	_ =	sdelay $0x1  }
0x99: {  	s19 =	simm.s32 $_scs_section_size  }
0x9a: {  	s4 =	simm.s32 $_size__tile_overlayer_lowered;
	s5 =	simm.s32 $_tile_overlayer_lowered  }
0x9b: {  	s22 =	simm.s32 $0x1BFF;
	s21 =	sshll.u32 s5, $0x1;
	s2 =	sadd.s32 s19, s18  }
0x9c: {  	s6 =	simm.s32 $0x0;
	s20 =	sshll.u32 s4, $0x1;
	s4 =	sadd.s32 s21, s2  }
0x9d: {  	[timem:s6], [sflag:s22] =	dma.local [hbm:s4], s20  }
0x9e: {  	_ =	swait.ge [sflag:s22], s20  }
0x9f: {  	s3 =	ssub.s32 $0x0, s20;
	[sflag:s22] =	ssyncset.done $0x0  }
0xa0: {  	[sflag:s22] =	ssyncadd.s32 s3;
	_ =	sdelay $0x1  }
0xa1: {  	s23 =	simm.s32 $0x1B8B  }
0xa2: {  	_ =	swait.ge [sflag:s23], $0x1  }
0xa3: {  	[sflag:s23] =	ssyncset.done $0x0  }
0xa4: {  	s25 =	simm.s32 $0x1B8E;
	s24 =	sld [smem:$0x3FFE];
	[sflag:s23] =	ssyncadd.s32 $0xFFFFFFFF  }
0xa5: {  	s26 =	simm.s32 $execute0_lowered;
	[smem:$0x3FD2] =	sst s25  }
0xa6: {  	s4 =	sshll.u32 s26, $0x1;
	_ =	strace $0x80000049;
	[dreg:$0x1] =	wrdreg $0xFFFFFFFF  }
0xa7: {  	s28 =	simm.s32 $_size_execute0_lowered;
	s2 =	sadd.s32 s2, s4;
	[dreg:$0x0] =	wrdreg $0x0  }
0xa8: {  	s4 =	sshll.u32 s28, $0x1;
	[dreg:$0x2] =	wrdreg s2  }
0xa9: {  	[dreg:$0x3] =	wrdreg s4  }
0xaa: {  	[dreg:$0x4] =	wrdreg $0xC0  }
0xab: {  	_ =	task [dreg:s6], $0x5FFFF  }
0xac: {  	[dreg:$0x1] =	wrdreg $0xFFFFFFFF  }
0xad: {  	[dreg:$0x0] =	wrdreg $0x60  }
0xae: {  	[dreg:$0x2] =	wrdreg s24  }
0xaf: {  	[dreg:$0x3] =	wrdreg $0x9  }
0xb0: {  	_ =	task.clear_ibuf [dreg:s6], $0x4FFFF;
	_ =	strace $0x90000049  }
0xb1: {  	s29 =	simm.s32 $0x9;
	_ =	strace $0x8000004B  }
0xb2: {  	_ =	swait.ge [sflag:s29], $0x1  }
0xb3: {  	[sflag:s29] =	ssyncadd.s32 $0xFFFFFFFF  }
0xb4: {  	_ =	strace $0x9000004B  }
0xb5: {  	_ =	sfence  }
0xb6: {  	s30 =	sld [smem:$0x0];
	_ =	sdelay $0x2  }
0xb7: {  	s31 =	sshll.u32 s1, $0xD;
	s1 =	sshrl.u32 s1, $0x2  }
0xb8: {  	s3 =	sand.u32 $0x4000, s31;
	s1 =	sadd.s32 s1, s30  }
0xb9: {  	s0 =	sor.u32 s3, s0;
	s1 =	sshll.u32 s1, $0x11  }
0xba: {  	s0 =	sor.u32 s1, s0  }
0xbb: {  	s0 =	sadd.s32 $0x8F2B, s0  }
0xbc: {  	[sflag:s0] =	ssyncadd.remote.s32 $0x1  }
0xbd: {  	_ =	sfence.sel $0xFFFF  }
0xbe: {  	[dreg:$0x0] =	wrdreg $0xFFFFFFFF;
	(pc) =	sbr.abs _section_cstart, $3  }
0xbf: {  	[dreg:$0x1] =	wrdreg $0xFFFFFFFF  }
0xc0: {  	_ =	task.clear_ibuf [dreg:s6], $0x2FFFF;
	_ =	strace $0x9FFFFFFF  }
0xc1: {  	(tm) =	ssettm $0x7FFFFFFF  }
tec
execute0_lowered:
.L_overlay_start_1:
0x0: {  	(tag) =	ssettag $0x1  }
0x1: {  	s0 =	srdreg.scid;
	s1 =	stileid.u32  }
0x2: {  	s0 =	sand.u32 $0x1, s0;
	s1 =	sshll.u32 s1, $0x1  }
0x3: {  	s1 =	sor.u32 s0, s1  }
0x4: {  	s3 =	smul.u32 $0x69000, s1  }
0x5: {  	s5 =	rddreg [dreg:$0x0];
	s2 =	simm.s32 $0x0;
	s1 =	sshll.u32 s1, $0x8  }
0x6: {  	s7 =	simm.s32 $0x3;
	s1 =	sadd.s32 s1, s5;
	s3 =	sshrl.u32 s3, $0x3  }
0x7: {  	[smem:$0x7FF] =	sst s2;
	s1 =	sadd.s32 $0xE00, s1;
	s6 =	sadd.s32 s3, s5  }
0x8: {  	_ =	strace $0x8000004A;
	[dreg:$0x2] =	wrdreg s1;
	s18 =	sadd.s32 $0x2E00, s6  }
0x9: {  	s31 =	simm.s32 $0x800;
	s19 =	sadd.s32 $0x4300, s6;
	[dreg:$0x3] =	wrdreg s18  }
0xa: {  	s30 =	simm.s32 $0xB000;
	s20 =	sadd.s32 $0x5800, s6;
	[dreg:$0x4] =	wrdreg s19  }
0xb: {  	s28 =	simm.s32 $0x2;
	s21 =	sadd.s32 $0x6D00, s6;
	[dreg:$0x5] =	wrdreg s20  }
0xc: {  	s0 =	ssub.s32 $0x2, s0;
	s22 =	sadd.s32 $0x8200, s6;
	[dreg:$0x6] =	wrdreg s21  }
0xd: {  	s4 =	sshrl.u32 s0, $0x1;
	s23 =	sadd.s32 $0x9700, s6;
	[dreg:$0x7] =	wrdreg s22  }
0xe: {  	s0 =	ssub.s32 s0, s4;
	s24 =	sadd.s32 $0xAC00, s6;
	[dreg:$0x8] =	wrdreg s23  }
0xf: {  	s4 =	sadd.s32 $0x64EF00, s5;
	s25 =	sadd.s32 $0xC100, s6;
	[dreg:$0x9] =	wrdreg s24  }
0x10: {  	v2 =	vlaneseq.u32;
	s3 =	sadd.s32 $0x64EE00, s5;
	s26 =	sadd.s32 $0xD600, s6;
	[dreg:$0xa] =	wrdreg s25  }
0x11: {  	vm0 =	vmmov $0xffff;
	v1 =	vshrl.u32 v2, $0x3;
	s5 =	sadd.s32 $0x64F000, s5;
	s29 =	sadd.s32 $0xEB00, s6;
	[dreg:$0xb] =	wrdreg s26  }
0x12: {  	v0 =	vand.u32 $0x7, v2;
	v2 =	vor.u32 $0x8, v2;
	v1 =	vmul.u32 $0x8, v1;
	s6 =	smax.u32 s0, $0x1;
	[dreg:$0xc] =	wrdreg s29;
	s26 =	simm.s32 $0x1  }
.LBB2_1:
0x13: {  	s29 =	rddreg [dreg:$0x2]  }
0x14: {  	[tilespmem:s2], [sflag:$0x3] =	stream.linear.gather [hbm4b:s29+s2], $0x500, $0x38;
	[tilespmem:$0x15800] =	vst v63  }
0x15: {  	_ =	swait.ge [sflag:s7], $0x500  }
0x16: {  	[sflag:s7] =	ssyncset.done $0x0  }
0x17: {  	[sflag:s7] =	ssyncadd.s32 $0xFFFFFB00  }
0x18: {  	v3 =	vld [tilespmem:$0x0];
	_ =	sdelay $0x4  }
0x19: {  	v4 =	vshrl.u32 v3, $0x3  }
0x1a: {  	v4 =	vmul.u32 $0x30, v4  }
0x1b: {  	v3 =	vand.u32 $0x7, v3  }
0x1c: {  	v3 =	vor.u32 v3, v4  }
0x1d: {  	v4 =	vperm.xlane v3, v0;
	_ =	sdelay $0x1  }
0x1e: {  	v4 =	vadd.s32 v1, v4;
	_ =	sdelay $0x3  }
0x1f: {  	v3 =	vperm.xlane v3, v2  }
0x20: {  	[tilespmem:s31], [sflag:$0x1] =	stream.indirect_vreg.gather [hbm4b:s3+s2], $0x80, v4, vm0, $0xb8;
	[tilespmem:$0x15800] =	vst v63  }
0x21: {  	s0 =	simm.s32 $0x1000;
	v3 =	vadd.s32 v1, v3  }
0x22: {  	[tilespmem:s0], [sflag:$0x1] =	stream.indirect_vreg.gather [hbm4b:s4+s2], $0x80, v4, vm0, $0xb8;
	[tilespmem:$0x15800] =	vst v63  }
0x23: {  	s16 =	simm.s32 $0x1800  }
0x24: {  	[tilespmem:s16], [sflag:$0x1] =	stream.indirect_vreg.gather [hbm4b:s5+s2], $0x80, v4, vm0, $0xb8;
	[tilespmem:$0x15800] =	vst v63  }
0x25: {  	s17 =	simm.s32 $0x2000  }
0x26: {  	[tilespmem:s17], [sflag:$0x1] =	stream.indirect_vreg.gather [hbm4b:s3+s2], $0x80, v3, vm0, $0xb8;
	[tilespmem:$0x15800] =	vst v63  }
0x27: {  	s18 =	simm.s32 $0x2800  }
0x28: {  	[tilespmem:s18], [sflag:$0x1] =	stream.indirect_vreg.gather [hbm4b:s4+s2], $0x80, v3, vm0, $0xb8;
	[tilespmem:$0x15800] =	vst v63  }
0x29: {  	s19 =	simm.s32 $0x3000  }
0x2a: {  	[tilespmem:s19], [sflag:$0x1] =	stream.indirect_vreg.gather [hbm4b:s5+s2], $0x80, v3, vm0, $0xb8;
	[tilespmem:$0x15800] =	vst v63  }
0x2b: {  	v3 =	vld [tilespmem:$0x10];
	_ =	sdelay $0x4  }
0x2c: {  	v25 =	vshrl.u32 v3, $0x3  }
0x2d: {  	v4 =	vmul.u32 $0x30, v25  }
0x2e: {  	v3 =	vand.u32 $0x7, v3  }
0x2f: {  	v3 =	vor.u32 v3, v4  }
0x30: {  	v4 =	vperm.xlane v3, v0;
	_ =	sdelay $0x1  }
0x31: {  	v4 =	vadd.s32 v1, v4;
	_ =	sdelay $0x3  }
0x32: {  	s20 =	simm.s32 $0x3800;
	v3 =	vperm.xlane v3, v2  }
0x33: {  	[tilespmem:s20], [sflag:$0x1] =	stream.indirect_vreg.gather [hbm4b:s3+s2], $0x80, v4, vm0, $0xb8;
	[tilespmem:$0x15800] =	vst v63  }
0x34: {  	s21 =	simm.s32 $0x4000;
	v3 =	vadd.s32 v1, v3  }
0x35: {  	[tilespmem:s21], [sflag:$0x1] =	stream.indirect_vreg.gather [hbm4b:s4+s2], $0x80, v4, vm0, $0xb8;
	[tilespmem:$0x15800] =	vst v63  }
0x36: {  	s22 =	simm.s32 $0x4800  }
0x37: {  	[tilespmem:s22], [sflag:$0x1] =	stream.indirect_vreg.gather [hbm4b:s5+s2], $0x80, v4, vm0, $0xb8;
	[tilespmem:$0x15800] =	vst v63  }
0x38: {  	s23 =	simm.s32 $0x5000  }
0x39: {  	[tilespmem:s23], [sflag:$0x1] =	stream.indirect_vreg.gather [hbm4b:s3+s2], $0x80, v3, vm0, $0xb8;
	[tilespmem:$0x15800] =	vst v63  }
0x3a: {  	s24 =	simm.s32 $0x5800  }
0x3b: {  	[tilespmem:s24], [sflag:$0x1] =	stream.indirect_vreg.gather [hbm4b:s4+s2], $0x80, v3, vm0, $0xb8;
	[tilespmem:$0x15800] =	vst v63  }
0x3c: {  	s25 =	simm.s32 $0x6000  }
0x3d: {  	[tilespmem:s25], [sflag:$0x1] =	stream.indirect_vreg.gather [hbm4b:s5+s2], $0x80, v3, vm0, $0xb8;
	[tilespmem:$0x15800] =	vst v63  }
0x3e: {  	v3 =	vld [tilespmem:$0x20];
	_ =	sdelay $0x4  }
0x3f: {  	v26 =	vshrl.u32 v3, $0x3  }
0x40: {  	v4 =	vmul.u32 $0x30, v26  }
0x41: {  	v3 =	vand.u32 $0x7, v3  }
0x42: {  	v3 =	vor.u32 v3, v4  }
0x43: {  	v4 =	vperm.xlane v3, v0;
	_ =	sdelay $0x1  }
0x44: {  	v4 =	vadd.s32 v1, v4;
	_ =	sdelay $0x3  }
0x45: {  	s29 =	simm.s32 $0x6800;
	v3 =	vperm.xlane v3, v2  }
0x46: {  	[tilespmem:s29], [sflag:$0x1] =	stream.indirect_vreg.gather [hbm4b:s3+s2], $0x80, v4, vm0, $0xb8;
	[tilespmem:$0x15800] =	vst v63  }
0x47: {  	s1 =	simm.s32 $0x7000;
	v3 =	vadd.s32 v1, v3  }
0x48: {  	[tilespmem:s1], [sflag:$0x1] =	stream.indirect_vreg.gather [hbm4b:s4+s2], $0x80, v4, vm0, $0xb8;
	[tilespmem:$0x15800] =	vst v63  }
0x49: {  	s8 =	simm.s32 $0x7800  }
0x4a: {  	[tilespmem:s8], [sflag:$0x1] =	stream.indirect_vreg.gather [hbm4b:s5+s2], $0x80, v4, vm0, $0xb8;
	[tilespmem:$0x15800] =	vst v63  }
0x4b: {  	s9 =	simm.s32 $0x8000  }
0x4c: {  	[tilespmem:s9], [sflag:$0x1] =	stream.indirect_vreg.gather [hbm4b:s3+s2], $0x80, v3, vm0, $0xb8;
	[tilespmem:$0x15800] =	vst v63  }
0x4d: {  	s10 =	simm.s32 $0x8800  }
0x4e: {  	[tilespmem:s10], [sflag:$0x1] =	stream.indirect_vreg.gather [hbm4b:s4+s2], $0x80, v3, vm0, $0xb8;
	[tilespmem:$0x15800] =	vst v63  }
0x4f: {  	s11 =	simm.s32 $0x9000  }
0x50: {  	[tilespmem:s11], [sflag:$0x1] =	stream.indirect_vreg.gather [hbm4b:s5+s2], $0x80, v3, vm0, $0xb8;
	[tilespmem:$0x15800] =	vst v63  }
0x51: {  	v3 =	vld.msk [tilespmem:$0x30], $0xff;
	_ =	sdelay $0x4  }
0x52: {  	v27 =	vshrl.u32 v3, $0x3  }
0x53: {  	v4 =	vmul.u32 $0x30, v27  }
0x54: {  	v3 =	vand.u32 $0x7, v3  }
0x55: {  	v3 =	vor.u32 v3, v4  }
0x56: {  	v3 =	vperm.xlane v3, v0;
	_ =	sdelay $0x1  }
0x57: {  	v3 =	vadd.s32 v1, v3;
	_ =	sdelay $0x3  }
0x58: {  	s12 =	simm.s32 $0x9800  }
0x59: {  	[tilespmem:s12], [sflag:$0x1] =	stream.indirect_vreg.gather [hbm4b:s3+s2], $0x80, v3, vm0, $0xb8;
	[tilespmem:$0x15800] =	vst v63  }
0x5a: {  	s13 =	simm.s32 $0xA000  }
0x5b: {  	[tilespmem:s13], [sflag:$0x1] =	stream.indirect_vreg.gather [hbm4b:s4+s2], $0x80, v3, vm0, $0xb8;
	[tilespmem:$0x15800] =	vst v63  }
0x5c: {  	s14 =	simm.s32 $0xA800  }
0x5d: {  	[tilespmem:s14], [sflag:$0x1] =	stream.indirect_vreg.gather [hbm4b:s5+s2], $0x80, v3, vm0, $0xb8;
	[tilespmem:$0x15800] =	vst v63  }
0x5e: {  	v3 =	vld [tilespmem:$0x80];
	_ =	sdelay $0x4  }
0x5f: {  	v28 =	vshrl.u32 v3, $0x3  }
0x60: {  	v4 =	vmul.u32 $0x30, v28  }
0x61: {  	v3 =	vand.u32 $0x7, v3  }
0x62: {  	v3 =	vor.u32 v3, v4  }
0x63: {  	v4 =	vperm.xlane v3, v0;
	_ =	sdelay $0x1  }
0x64: {  	v4 =	vadd.s32 v1, v4;
	_ =	sdelay $0x3  }
0x65: {  	v3 =	vperm.xlane v3, v2  }
0x66: {  	[tilespmem:s30], [sflag:$0x2] =	stream.indirect_vreg.gather [hbm4b:s3+s2], $0x80, v4, vm0, $0xb8;
	[tilespmem:$0x15800] =	vst v63  }
0x67: {  	s15 =	simm.s32 $0xB800;
	v3 =	vadd.s32 v1, v3  }
0x68: {  	[tilespmem:s15], [sflag:$0x2] =	stream.indirect_vreg.gather [hbm4b:s4+s2], $0x80, v4, vm0, $0xb8;
	[tilespmem:$0x15800] =	vst v63  }
0x69: {  	s18 =	simm.s32 $0xC000  }
0x6a: {  	[tilespmem:s18], [sflag:$0x2] =	stream.indirect_vreg.gather [hbm4b:s5+s2], $0x80, v4, vm0, $0xb8;
	[tilespmem:$0x15800] =	vst v63  }
0x6b: {  	s19 =	simm.s32 $0xC800  }
0x6c: {  	[tilespmem:s19], [sflag:$0x2] =	stream.indirect_vreg.gather [hbm4b:s3+s2], $0x80, v3, vm0, $0xb8;
	[tilespmem:$0x15800] =	vst v63  }
0x6d: {  	s22 =	simm.s32 $0xD000  }
0x6e: {  	[tilespmem:s22], [sflag:$0x2] =	stream.indirect_vreg.gather [hbm4b:s4+s2], $0x80, v3, vm0, $0xb8;
	[tilespmem:$0x15800] =	vst v63  }
0x6f: {  	s23 =	simm.s32 $0xD800  }
0x70: {  	[tilespmem:s23], [sflag:$0x2] =	stream.indirect_vreg.gather [hbm4b:s5+s2], $0x80, v3, vm0, $0xb8;
	[tilespmem:$0x15800] =	vst v63  }
0x71: {  	v3 =	vld [tilespmem:$0x90];
	_ =	sdelay $0x4  }
0x72: {  	v29 =	vshrl.u32 v3, $0x3  }
0x73: {  	v4 =	vmul.u32 $0x30, v29  }
0x74: {  	v3 =	vand.u32 $0x7, v3  }
0x75: {  	v3 =	vor.u32 v3, v4  }
0x76: {  	v4 =	vperm.xlane v3, v0;
	_ =	sdelay $0x1  }
0x77: {  	v4 =	vadd.s32 v1, v4;
	_ =	sdelay $0x3  }
0x78: {  	s25 =	simm.s32 $0xE000;
	v3 =	vperm.xlane v3, v2  }
0x79: {  	[tilespmem:s25], [sflag:$0x2] =	stream.indirect_vreg.gather [hbm4b:s3+s2], $0x80, v4, vm0, $0xb8;
	[tilespmem:$0x15800] =	vst v63  }
0x7a: {  	s0 =	simm.s32 $0xE800;
	v3 =	vadd.s32 v1, v3  }
0x7b: {  	[tilespmem:s0], [sflag:$0x2] =	stream.indirect_vreg.gather [hbm4b:s4+s2], $0x80, v4, vm0, $0xb8;
	[tilespmem:$0x15800] =	vst v63  }
0x7c: {  	s1 =	simm.s32 $0xF000  }
0x7d: {  	[tilespmem:s1], [sflag:$0x2] =	stream.indirect_vreg.gather [hbm4b:s5+s2], $0x80, v4, vm0, $0xb8;
	[tilespmem:$0x15800] =	vst v63  }
0x7e: {  	s8 =	simm.s32 $0xF800  }
0x7f: {  	[tilespmem:s8], [sflag:$0x2] =	stream.indirect_vreg.gather [hbm4b:s3+s2], $0x80, v3, vm0, $0xb8;
	[tilespmem:$0x15800] =	vst v63  }
0x80: {  	s10 =	simm.s32 $0x10000  }
0x81: {  	[tilespmem:s10], [sflag:$0x2] =	stream.indirect_vreg.gather [hbm4b:s4+s2], $0x80, v3, vm0, $0xb8;
	[tilespmem:$0x15800] =	vst v63  }
0x82: {  	s11 =	simm.s32 $0x10800  }
0x83: {  	[tilespmem:s11], [sflag:$0x2] =	stream.indirect_vreg.gather [hbm4b:s5+s2], $0x80, v3, vm0, $0xb8;
	[tilespmem:$0x15800] =	vst v63  }
0x84: {  	v3 =	vld [tilespmem:$0xA0];
	_ =	sdelay $0x4  }
0x85: {  	v30 =	vshrl.u32 v3, $0x3  }
0x86: {  	v4 =	vmul.u32 $0x30, v30  }
0x87: {  	v3 =	vand.u32 $0x7, v3  }
0x88: {  	v3 =	vor.u32 v3, v4  }
0x89: {  	v4 =	vperm.xlane v3, v0;
	_ =	sdelay $0x1  }
0x8a: {  	v4 =	vadd.s32 v1, v4;
	_ =	sdelay $0x3  }
0x8b: {  	s12 =	simm.s32 $0x11000;
	v3 =	vperm.xlane v3, v2  }
0x8c: {  	[tilespmem:s12], [sflag:$0x2] =	stream.indirect_vreg.gather [hbm4b:s3+s2], $0x80, v4, vm0, $0xb8;
	[tilespmem:$0x15800] =	vst v63  }
0x8d: {  	s15 =	simm.s32 $0x11800;
	v3 =	vadd.s32 v1, v3  }
0x8e: {  	[tilespmem:s15], [sflag:$0x2] =	stream.indirect_vreg.gather [hbm4b:s4+s2], $0x80, v4, vm0, $0xb8;
	[tilespmem:$0x15800] =	vst v63  }
0x8f: {  	s18 =	simm.s32 $0x12000  }
0x90: {  	[tilespmem:s18], [sflag:$0x2] =	stream.indirect_vreg.gather [hbm4b:s5+s2], $0x80, v4, vm0, $0xb8;
	[tilespmem:$0x15800] =	vst v63  }
0x91: {  	s19 =	simm.s32 $0x12800  }
0x92: {  	[tilespmem:s19], [sflag:$0x2] =	stream.indirect_vreg.gather [hbm4b:s3+s2], $0x80, v3, vm0, $0xb8;
	[tilespmem:$0x15800] =	vst v63  }
0x93: {  	s22 =	simm.s32 $0x13000  }
0x94: {  	[tilespmem:s22], [sflag:$0x2] =	stream.indirect_vreg.gather [hbm4b:s4+s2], $0x80, v3, vm0, $0xb8;
	[tilespmem:$0x15800] =	vst v63  }
0x95: {  	s23 =	simm.s32 $0x13800  }
0x96: {  	[tilespmem:s23], [sflag:$0x2] =	stream.indirect_vreg.gather [hbm4b:s5+s2], $0x80, v3, vm0, $0xb8;
	[tilespmem:$0x15800] =	vst v63  }
0x97: {  	v3 =	vld.msk [tilespmem:$0xB0], $0xff;
	_ =	sdelay $0x4  }
0x98: {  	v31 =	vshrl.u32 v3, $0x3  }
0x99: {  	v4 =	vmul.u32 $0x30, v31  }
0x9a: {  	v3 =	vand.u32 $0x7, v3  }
0x9b: {  	v3 =	vor.u32 v3, v4  }
0x9c: {  	v3 =	vperm.xlane v3, v0;
	_ =	sdelay $0x1  }
0x9d: {  	v3 =	vadd.s32 v1, v3;
	_ =	sdelay $0x3  }
0x9e: {  	s25 =	simm.s32 $0x14000  }
0x9f: {  	[tilespmem:s25], [sflag:$0x2] =	stream.indirect_vreg.gather [hbm4b:s3+s2], $0x80, v3, vm0, $0xb8;
	[tilespmem:$0x15800] =	vst v63  }
0xa0: {  	s0 =	simm.s32 $0x14800  }
0xa1: {  	[tilespmem:s0], [sflag:$0x2] =	stream.indirect_vreg.gather [hbm4b:s4+s2], $0x80, v3, vm0, $0xb8;
	[tilespmem:$0x15800] =	vst v63  }
0xa2: {  	s1 =	simm.s32 $0x15000  }
0xa3: {  	[tilespmem:s1], [sflag:$0x2] =	stream.indirect_vreg.gather [hbm4b:s5+s2], $0x80, v3, vm0, $0xb8;
	[tilespmem:$0x15800] =	vst v63  }
0xa4: {  	_ =	swait.ge [sflag:s26], $0xA800  }
0xa5: {  	[sflag:s26] =	ssyncset.done $0x0  }
0xa6: {  	s8 =	rddreg [dreg:$0x3];
	[sflag:s26] =	ssyncadd.s32 $0xFFFF5800  }
0xa7: {  	[hbm4b:s8+s2] =	stream.linear.scatter [tilespmem:s31], [sflag:$0x3], $0xA800, $0x38;
	[tilespmem:$0x15800] =	vst v63  }
0xa8: {  	_ =	swait.ge [sflag:s7], $0xA800  }
0xa9: {  	[sflag:s7] =	ssyncset.done $0x0  }
0xaa: {  	[sflag:s7] =	ssyncadd.s32 $0xFFFF5800  }
0xab: {  	v3 =	vld [tilespmem:$0x100];
	_ =	sdelay $0x4  }
0xac: {  	v32 =	vshrl.u32 v3, $0x3  }
0xad: {  	v4 =	vmul.u32 $0x30, v32  }
0xae: {  	v3 =	vand.u32 $0x7, v3  }
0xaf: {  	v3 =	vor.u32 v3, v4  }
0xb0: {  	v4 =	vperm.xlane v3, v0;
	_ =	sdelay $0x1  }
0xb1: {  	v4 =	vadd.s32 v1, v4;
	_ =	sdelay $0x3  }
0xb2: {  	v3 =	vperm.xlane v3, v2  }
0xb3: {  	[tilespmem:s31], [sflag:$0x1] =	stream.indirect_vreg.gather [hbm4b:s3+s2], $0x80, v4, vm0, $0xb8;
	[tilespmem:$0x15800] =	vst v63  }
0xb4: {  	s0 =	simm.s32 $0x1000;
	v3 =	vadd.s32 v1, v3  }
0xb5: {  	[tilespmem:s0], [sflag:$0x1] =	stream.indirect_vreg.gather [hbm4b:s4+s2], $0x80, v4, vm0, $0xb8;
	[tilespmem:$0x15800] =	vst v63  }
0xb6: {  	s1 =	simm.s32 $0x1800  }
0xb7: {  	[tilespmem:s1], [sflag:$0x1] =	stream.indirect_vreg.gather [hbm4b:s5+s2], $0x80, v4, vm0, $0xb8;
	[tilespmem:$0x15800] =	vst v63  }
0xb8: {  	s8 =	simm.s32 $0x2000  }
0xb9: {  	[tilespmem:s8], [sflag:$0x1] =	stream.indirect_vreg.gather [hbm4b:s3+s2], $0x80, v3, vm0, $0xb8;
	[tilespmem:$0x15800] =	vst v63  }
0xba: {  	s15 =	simm.s32 $0x2800  }
0xbb: {  	[tilespmem:s15], [sflag:$0x1] =	stream.indirect_vreg.gather [hbm4b:s4+s2], $0x80, v3, vm0, $0xb8;
	[tilespmem:$0x15800] =	vst v63  }
0xbc: {  	s16 =	simm.s32 $0x3000  }
0xbd: {  	[tilespmem:s16], [sflag:$0x1] =	stream.indirect_vreg.gather [hbm4b:s5+s2], $0x80, v3, vm0, $0xb8;
	[tilespmem:$0x15800] =	vst v63  }
0xbe: {  	v3 =	vld [tilespmem:$0x110];
	_ =	sdelay $0x4  }
0xbf: {  	v33 =	vshrl.u32 v3, $0x3  }
0xc0: {  	v4 =	vmul.u32 $0x30, v33  }
0xc1: {  	v3 =	vand.u32 $0x7, v3  }
0xc2: {  	v3 =	vor.u32 v3, v4  }
0xc3: {  	v4 =	vperm.xlane v3, v0;
	_ =	sdelay $0x1  }
0xc4: {  	v4 =	vadd.s32 v1, v4;
	_ =	sdelay $0x3  }
0xc5: {  	s17 =	simm.s32 $0x3800;
	v3 =	vperm.xlane v3, v2  }
0xc6: {  	[tilespmem:s17], [sflag:$0x1] =	stream.indirect_vreg.gather [hbm4b:s3+s2], $0x80, v4, vm0, $0xb8;
	[tilespmem:$0x15800] =	vst v63  }
0xc7: {  	s16 =	simm.s32 $0x4000;
	v3 =	vadd.s32 v1, v3  }
0xc8: {  	[tilespmem:s16], [sflag:$0x1] =	stream.indirect_vreg.gather [hbm4b:s4+s2], $0x80, v4, vm0, $0xb8;
	[tilespmem:$0x15800] =	vst v63  }
0xc9: {  	s17 =	simm.s32 $0x4800  }
0xca: {  	[tilespmem:s17], [sflag:$0x1] =	stream.indirect_vreg.gather [hbm4b:s5+s2], $0x80, v4, vm0, $0xb8;
	[tilespmem:$0x15800] =	vst v63  }
0xcb: {  	s18 =	simm.s32 $0x5000  }
0xcc: {  	[tilespmem:s18], [sflag:$0x1] =	stream.indirect_vreg.gather [hbm4b:s3+s2], $0x80, v3, vm0, $0xb8;
	[tilespmem:$0x15800] =	vst v63  }
0xcd: {  	s19 =	simm.s32 $0x5800  }
0xce: {  	[tilespmem:s19], [sflag:$0x1] =	stream.indirect_vreg.gather [hbm4b:s4+s2], $0x80, v3, vm0, $0xb8;
	[tilespmem:$0x15800] =	vst v63  }
0xcf: {  	s20 =	simm.s32 $0x6000  }
0xd0: {  	[tilespmem:s20], [sflag:$0x1] =	stream.indirect_vreg.gather [hbm4b:s5+s2], $0x80, v3, vm0, $0xb8;
	[tilespmem:$0x15800] =	vst v63  }
0xd1: {  	v3 =	vld [tilespmem:$0x120];
	_ =	sdelay $0x4  }
0xd2: {  	v34 =	vshrl.u32 v3, $0x3  }
0xd3: {  	v4 =	vmul.u32 $0x30, v34  }
0xd4: {  	v3 =	vand.u32 $0x7, v3  }
0xd5: {  	v3 =	vor.u32 v3, v4  }
0xd6: {  	v4 =	vperm.xlane v3, v0;
	_ =	sdelay $0x1  }
0xd7: {  	v4 =	vadd.s32 v1, v4;
	_ =	sdelay $0x3  }
0xd8: {  	s21 =	simm.s32 $0x6800;
	v3 =	vperm.xlane v3, v2  }
0xd9: {  	[tilespmem:s21], [sflag:$0x1] =	stream.indirect_vreg.gather [hbm4b:s3+s2], $0x80, v4, vm0, $0xb8;
	[tilespmem:$0x15800] =	vst v63  }
0xda: {  	s20 =	simm.s32 $0x7000;
	v3 =	vadd.s32 v1, v3  }
0xdb: {  	[tilespmem:s20], [sflag:$0x1] =	stream.indirect_vreg.gather [hbm4b:s4+s2], $0x80, v4, vm0, $0xb8;
	[tilespmem:$0x15800] =	vst v63  }
0xdc: {  	s21 =	simm.s32 $0x7800  }
0xdd: {  	[tilespmem:s21], [sflag:$0x1] =	stream.indirect_vreg.gather [hbm4b:s5+s2], $0x80, v4, vm0, $0xb8;
	[tilespmem:$0x15800] =	vst v63  }
0xde: {  	s22 =	simm.s32 $0x8000  }
0xdf: {  	[tilespmem:s22], [sflag:$0x1] =	stream.indirect_vreg.gather [hbm4b:s3+s2], $0x80, v3, vm0, $0xb8;
	[tilespmem:$0x15800] =	vst v63  }
0xe0: {  	s23 =	simm.s32 $0x8800  }
0xe1: {  	[tilespmem:s23], [sflag:$0x1] =	stream.indirect_vreg.gather [hbm4b:s4+s2], $0x80, v3, vm0, $0xb8;
	[tilespmem:$0x15800] =	vst v63  }
0xe2: {  	s24 =	simm.s32 $0x9000  }
0xe3: {  	[tilespmem:s24], [sflag:$0x1] =	stream.indirect_vreg.gather [hbm4b:s5+s2], $0x80, v3, vm0, $0xb8;
	[tilespmem:$0x15800] =	vst v63  }
0xe4: {  	v3 =	vld.msk [tilespmem:$0x130], $0xff;
	_ =	sdelay $0x4  }
0xe5: {  	v35 =	vshrl.u32 v3, $0x3  }
0xe6: {  	v4 =	vmul.u32 $0x30, v35  }
0xe7: {  	v3 =	vand.u32 $0x7, v3  }
0xe8: {  	v3 =	vor.u32 v3, v4  }
0xe9: {  	v3 =	vperm.xlane v3, v0;
	_ =	sdelay $0x1  }
0xea: {  	v3 =	vadd.s32 v1, v3;
	_ =	sdelay $0x3  }
0xeb: {  	s24 =	simm.s32 $0x9800  }
0xec: {  	[tilespmem:s24], [sflag:$0x1] =	stream.indirect_vreg.gather [hbm4b:s3+s2], $0x80, v3, vm0, $0xb8;
	[tilespmem:$0x15800] =	vst v63  }
0xed: {  	s25 =	simm.s32 $0xA000  }
0xee: {  	[tilespmem:s25], [sflag:$0x1] =	stream.indirect_vreg.gather [hbm4b:s4+s2], $0x80, v3, vm0, $0xb8;
	[tilespmem:$0x15800] =	vst v63  }
0xef: {  	s9 =	simm.s32 $0xA800  }
0xf0: {  	[tilespmem:s9], [sflag:$0x1] =	stream.indirect_vreg.gather [hbm4b:s5+s2], $0x80, v3, vm0, $0xb8;
	[tilespmem:$0x15800] =	vst v63  }
0xf1: {  	_ =	swait.ge [sflag:s28], $0xA800  }
0xf2: {  	[sflag:s28] =	ssyncset.done $0x0  }
0xf3: {  	s9 =	rddreg [dreg:$0x4];
	[sflag:s28] =	ssyncadd.s32 $0xFFFF5800  }
0xf4: {  	[hbm4b:s9+s2] =	stream.linear.scatter [tilespmem:s30], [sflag:$0x3], $0xA800, $0x38;
	[tilespmem:$0x15800] =	vst v63  }
0xf5: {  	_ =	swait.ge [sflag:s7], $0xA800  }
0xf6: {  	[sflag:s7] =	ssyncset.done $0x0  }
0xf7: {  	[sflag:s7] =	ssyncadd.s32 $0xFFFF5800  }
0xf8: {  	v3 =	vld [tilespmem:$0x180];
	_ =	sdelay $0x4  }
0xf9: {  	v36 =	vshrl.u32 v3, $0x3  }
0xfa: {  	v4 =	vmul.u32 $0x30, v36  }
0xfb: {  	v3 =	vand.u32 $0x7, v3  }
0xfc: {  	v3 =	vor.u32 v3, v4  }
0xfd: {  	v4 =	vperm.xlane v3, v0;
	_ =	sdelay $0x1  }
0xfe: {  	v4 =	vadd.s32 v1, v4;
	_ =	sdelay $0x3  }
0xff: {  	v3 =	vperm.xlane v3, v2  }
0x100: {  	[tilespmem:s30], [sflag:$0x2] =	stream.indirect_vreg.gather [hbm4b:s3+s2], $0x80, v4, vm0, $0xb8;
	[tilespmem:$0x15800] =	vst v63  }
0x101: {  	s29 =	simm.s32 $0xB800;
	v3 =	vadd.s32 v1, v3  }
0x102: {  	[tilespmem:s29], [sflag:$0x2] =	stream.indirect_vreg.gather [hbm4b:s4+s2], $0x80, v4, vm0, $0xb8;
	[tilespmem:$0x15800] =	vst v63  }
0x103: {  	s29 =	simm.s32 $0xC000  }
0x104: {  	[tilespmem:s29], [sflag:$0x2] =	stream.indirect_vreg.gather [hbm4b:s5+s2], $0x80, v4, vm0, $0xb8;
	[tilespmem:$0x15800] =	vst v63  }
0x105: {  	s29 =	simm.s32 $0xC800  }
0x106: {  	[tilespmem:s29], [sflag:$0x2] =	stream.indirect_vreg.gather [hbm4b:s3+s2], $0x80, v3, vm0, $0xb8;
	[tilespmem:$0x15800] =	vst v63  }
0x107: {  	s29 =	simm.s32 $0xD000  }
0x108: {  	[tilespmem:s29], [sflag:$0x2] =	stream.indirect_vreg.gather [hbm4b:s4+s2], $0x80, v3, vm0, $0xb8;
	[tilespmem:$0x15800] =	vst v63  }
0x109: {  	s13 =	simm.s32 $0xD800  }
0x10a: {  	[tilespmem:s13], [sflag:$0x2] =	stream.indirect_vreg.gather [hbm4b:s5+s2], $0x80, v3, vm0, $0xb8;
	[tilespmem:$0x15800] =	vst v63  }
0x10b: {  	v3 =	vld [tilespmem:$0x190];
	_ =	sdelay $0x4  }
0x10c: {  	v37 =	vshrl.u32 v3, $0x3  }
0x10d: {  	v4 =	vmul.u32 $0x30, v37  }
0x10e: {  	v3 =	vand.u32 $0x7, v3  }
0x10f: {  	v3 =	vor.u32 v3, v4  }
0x110: {  	v4 =	vperm.xlane v3, v0;
	_ =	sdelay $0x1  }
0x111: {  	v4 =	vadd.s32 v1, v4;
	_ =	sdelay $0x3  }
0x112: {  	s14 =	simm.s32 $0xE000;
	v3 =	vperm.xlane v3, v2  }
0x113: {  	[tilespmem:s14], [sflag:$0x2] =	stream.indirect_vreg.gather [hbm4b:s3+s2], $0x80, v4, vm0, $0xb8;
	[tilespmem:$0x15800] =	vst v63  }
0x114: {  	v3 =	vadd.s32 v1, v3;
	s14 =	simm.s32 $0xE800  }
0x115: {  	[tilespmem:s14], [sflag:$0x2] =	stream.indirect_vreg.gather [hbm4b:s4+s2], $0x80, v4, vm0, $0xb8;
	[tilespmem:$0x15800] =	vst v63  }
0x116: {  	s29 =	simm.s32 $0xF000  }
0x117: {  	[tilespmem:s29], [sflag:$0x2] =	stream.indirect_vreg.gather [hbm4b:s5+s2], $0x80, v4, vm0, $0xb8;
	[tilespmem:$0x15800] =	vst v63  }
0x118: {  	s29 =	simm.s32 $0xF800  }
0x119: {  	[tilespmem:s29], [sflag:$0x2] =	stream.indirect_vreg.gather [hbm4b:s3+s2], $0x80, v3, vm0, $0xb8;
	[tilespmem:$0x15800] =	vst v63  }
0x11a: {  	s29 =	simm.s32 $0x10000  }
0x11b: {  	[tilespmem:s29], [sflag:$0x2] =	stream.indirect_vreg.gather [hbm4b:s4+s2], $0x80, v3, vm0, $0xb8;
	[tilespmem:$0x15800] =	vst v63  }
0x11c: {  	s29 =	simm.s32 $0x10800  }
0x11d: {  	[tilespmem:s29], [sflag:$0x2] =	stream.indirect_vreg.gather [hbm4b:s5+s2], $0x80, v3, vm0, $0xb8;
	[tilespmem:$0x15800] =	vst v63  }
0x11e: {  	v3 =	vld [tilespmem:$0x1A0];
	_ =	sdelay $0x4  }
0x11f: {  	v38 =	vshrl.u32 v3, $0x3  }
0x120: {  	v4 =	vmul.u32 $0x30, v38  }
0x121: {  	v3 =	vand.u32 $0x7, v3  }
0x122: {  	v3 =	vor.u32 v3, v4  }
0x123: {  	v4 =	vperm.xlane v3, v0;
	_ =	sdelay $0x1  }
0x124: {  	v4 =	vadd.s32 v1, v4;
	_ =	sdelay $0x3  }
0x125: {  	s10 =	simm.s32 $0x11000;
	v3 =	vperm.xlane v3, v2  }
0x126: {  	[tilespmem:s10], [sflag:$0x2] =	stream.indirect_vreg.gather [hbm4b:s3+s2], $0x80, v4, vm0, $0xb8;
	[tilespmem:$0x15800] =	vst v63  }
0x127: {  	s29 =	simm.s32 $0x11800;
	v3 =	vadd.s32 v1, v3  }
0x128: {  	[tilespmem:s29], [sflag:$0x2] =	stream.indirect_vreg.gather [hbm4b:s4+s2], $0x80, v4, vm0, $0xb8;
	[tilespmem:$0x15800] =	vst v63  }
0x129: {  	s29 =	simm.s32 $0x12000  }
0x12a: {  	[tilespmem:s29], [sflag:$0x2] =	stream.indirect_vreg.gather [hbm4b:s5+s2], $0x80, v4, vm0, $0xb8;
	[tilespmem:$0x15800] =	vst v63  }
0x12b: {  	s29 =	simm.s32 $0x12800  }
0x12c: {  	[tilespmem:s29], [sflag:$0x2] =	stream.indirect_vreg.gather [hbm4b:s3+s2], $0x80, v3, vm0, $0xb8;
	[tilespmem:$0x15800] =	vst v63  }
0x12d: {  	s29 =	simm.s32 $0x13000  }
0x12e: {  	[tilespmem:s29], [sflag:$0x2] =	stream.indirect_vreg.gather [hbm4b:s4+s2], $0x80, v3, vm0, $0xb8;
	[tilespmem:$0x15800] =	vst v63  }
0x12f: {  	s11 =	simm.s32 $0x13800  }
0x130: {  	[tilespmem:s11], [sflag:$0x2] =	stream.indirect_vreg.gather [hbm4b:s5+s2], $0x80, v3, vm0, $0xb8;
	[tilespmem:$0x15800] =	vst v63  }
0x131: {  	v3 =	vld.msk [tilespmem:$0x1B0], $0xff;
	_ =	sdelay $0x4  }
0x132: {  	v39 =	vshrl.u32 v3, $0x3  }
0x133: {  	v4 =	vmul.u32 $0x30, v39  }
0x134: {  	v3 =	vand.u32 $0x7, v3  }
0x135: {  	v3 =	vor.u32 v3, v4  }
0x136: {  	v3 =	vperm.xlane v3, v0;
	_ =	sdelay $0x1  }
0x137: {  	v3 =	vadd.s32 v1, v3;
	_ =	sdelay $0x3  }
0x138: {  	s29 =	simm.s32 $0x14000  }
0x139: {  	[tilespmem:s29], [sflag:$0x2] =	stream.indirect_vreg.gather [hbm4b:s3+s2], $0x80, v3, vm0, $0xb8;
	[tilespmem:$0x15800] =	vst v63  }
0x13a: {  	s29 =	simm.s32 $0x14800  }
0x13b: {  	[tilespmem:s29], [sflag:$0x2] =	stream.indirect_vreg.gather [hbm4b:s4+s2], $0x80, v3, vm0, $0xb8;
	[tilespmem:$0x15800] =	vst v63  }
0x13c: {  	s12 =	simm.s32 $0x15000  }
0x13d: {  	[tilespmem:s12], [sflag:$0x2] =	stream.indirect_vreg.gather [hbm4b:s5+s2], $0x80, v3, vm0, $0xb8;
	[tilespmem:$0x15800] =	vst v63  }
0x13e: {  	_ =	swait.ge [sflag:s26], $0xA800  }
0x13f: {  	[sflag:s26] =	ssyncset.done $0x0  }
0x140: {  	s29 =	rddreg [dreg:$0x5];
	[sflag:s26] =	ssyncadd.s32 $0xFFFF5800  }
0x141: {  	[hbm4b:s29+s2] =	stream.linear.scatter [tilespmem:s31], [sflag:$0x3], $0xA800, $0x38;
	[tilespmem:$0x15800] =	vst v63  }
0x142: {  	_ =	swait.ge [sflag:s7], $0xA800  }
0x143: {  	[sflag:s7] =	ssyncset.done $0x0  }
0x144: {  	[sflag:s7] =	ssyncadd.s32 $0xFFFF5800  }
0x145: {  	v3 =	vld [tilespmem:$0x200];
	_ =	sdelay $0x4  }
0x146: {  	v40 =	vshrl.u32 v3, $0x3  }
0x147: {  	v4 =	vmul.u32 $0x30, v40  }
0x148: {  	v3 =	vand.u32 $0x7, v3  }
0x149: {  	v3 =	vor.u32 v3, v4  }
0x14a: {  	v4 =	vperm.xlane v3, v0;
	_ =	sdelay $0x1  }
0x14b: {  	v4 =	vadd.s32 v1, v4;
	_ =	sdelay $0x3  }
0x14c: {  	v3 =	vperm.xlane v3, v2  }
0x14d: {  	[tilespmem:s31], [sflag:$0x1] =	stream.indirect_vreg.gather [hbm4b:s3+s2], $0x80, v4, vm0, $0xb8;
	[tilespmem:$0x15800] =	vst v63  }
0x14e: {  	v3 =	vadd.s32 v1, v3  }
0x14f: {  	[tilespmem:s0], [sflag:$0x1] =	stream.indirect_vreg.gather [hbm4b:s4+s2], $0x80, v4, vm0, $0xb8;
	[tilespmem:$0x15800] =	vst v63  }
0x150: {  	_ = 	snop  }
0x151: {  	[tilespmem:s1], [sflag:$0x1] =	stream.indirect_vreg.gather [hbm4b:s5+s2], $0x80, v4, vm0, $0xb8;
	[tilespmem:$0x15800] =	vst v63  }
0x152: {  	_ = 	snop  }
0x153: {  	[tilespmem:s8], [sflag:$0x1] =	stream.indirect_vreg.gather [hbm4b:s3+s2], $0x80, v3, vm0, $0xb8;
	[tilespmem:$0x15800] =	vst v63  }
0x154: {  	_ = 	snop  }
0x155: {  	[tilespmem:s15], [sflag:$0x1] =	stream.indirect_vreg.gather [hbm4b:s4+s2], $0x80, v3, vm0, $0xb8;
	[tilespmem:$0x15800] =	vst v63  }
0x156: {  	s29 =	simm.s32 $0x3000  }
0x157: {  	[tilespmem:s29], [sflag:$0x1] =	stream.indirect_vreg.gather [hbm4b:s5+s2], $0x80, v3, vm0, $0xb8;
	[tilespmem:$0x15800] =	vst v63  }
0x158: {  	v3 =	vld [tilespmem:$0x210];
	_ =	sdelay $0x4  }
0x159: {  	v41 =	vshrl.u32 v3, $0x3  }
0x15a: {  	v4 =	vmul.u32 $0x30, v41  }
0x15b: {  	v3 =	vand.u32 $0x7, v3  }
0x15c: {  	v3 =	vor.u32 v3, v4  }
0x15d: {  	v4 =	vperm.xlane v3, v0;
	_ =	sdelay $0x1  }
0x15e: {  	v4 =	vadd.s32 v1, v4;
	_ =	sdelay $0x3  }
0x15f: {  	s29 =	simm.s32 $0x3800;
	v3 =	vperm.xlane v3, v2  }
0x160: {  	[tilespmem:s29], [sflag:$0x1] =	stream.indirect_vreg.gather [hbm4b:s3+s2], $0x80, v4, vm0, $0xb8;
	[tilespmem:$0x15800] =	vst v63  }
0x161: {  	v3 =	vadd.s32 v1, v3  }
0x162: {  	[tilespmem:s16], [sflag:$0x1] =	stream.indirect_vreg.gather [hbm4b:s4+s2], $0x80, v4, vm0, $0xb8;
	[tilespmem:$0x15800] =	vst v63  }
0x163: {  	_ = 	snop  }
0x164: {  	[tilespmem:s17], [sflag:$0x1] =	stream.indirect_vreg.gather [hbm4b:s5+s2], $0x80, v4, vm0, $0xb8;
	[tilespmem:$0x15800] =	vst v63  }
0x165: {  	_ = 	snop  }
0x166: {  	[tilespmem:s18], [sflag:$0x1] =	stream.indirect_vreg.gather [hbm4b:s3+s2], $0x80, v3, vm0, $0xb8;
	[tilespmem:$0x15800] =	vst v63  }
0x167: {  	_ = 	snop  }
0x168: {  	[tilespmem:s19], [sflag:$0x1] =	stream.indirect_vreg.gather [hbm4b:s4+s2], $0x80, v3, vm0, $0xb8;
	[tilespmem:$0x15800] =	vst v63  }
0x169: {  	s29 =	simm.s32 $0x6000  }
0x16a: {  	[tilespmem:s29], [sflag:$0x1] =	stream.indirect_vreg.gather [hbm4b:s5+s2], $0x80, v3, vm0, $0xb8;
	[tilespmem:$0x15800] =	vst v63  }
0x16b: {  	v3 =	vld [tilespmem:$0x220];
	_ =	sdelay $0x4  }
0x16c: {  	v42 =	vshrl.u32 v3, $0x3  }
0x16d: {  	v4 =	vmul.u32 $0x30, v42  }
0x16e: {  	v3 =	vand.u32 $0x7, v3  }
0x16f: {  	v3 =	vor.u32 v3, v4  }
0x170: {  	v4 =	vperm.xlane v3, v0;
	_ =	sdelay $0x1  }
0x171: {  	v4 =	vadd.s32 v1, v4;
	_ =	sdelay $0x3  }
0x172: {  	s29 =	simm.s32 $0x6800;
	v3 =	vperm.xlane v3, v2  }
0x173: {  	[tilespmem:s29], [sflag:$0x1] =	stream.indirect_vreg.gather [hbm4b:s3+s2], $0x80, v4, vm0, $0xb8;
	[tilespmem:$0x15800] =	vst v63  }
0x174: {  	v3 =	vadd.s32 v1, v3  }
0x175: {  	[tilespmem:s20], [sflag:$0x1] =	stream.indirect_vreg.gather [hbm4b:s4+s2], $0x80, v4, vm0, $0xb8;
	[tilespmem:$0x15800] =	vst v63  }
0x176: {  	_ = 	snop  }
0x177: {  	[tilespmem:s21], [sflag:$0x1] =	stream.indirect_vreg.gather [hbm4b:s5+s2], $0x80, v4, vm0, $0xb8;
	[tilespmem:$0x15800] =	vst v63  }
0x178: {  	_ = 	snop  }
0x179: {  	[tilespmem:s22], [sflag:$0x1] =	stream.indirect_vreg.gather [hbm4b:s3+s2], $0x80, v3, vm0, $0xb8;
	[tilespmem:$0x15800] =	vst v63  }
0x17a: {  	_ = 	snop  }
0x17b: {  	[tilespmem:s23], [sflag:$0x1] =	stream.indirect_vreg.gather [hbm4b:s4+s2], $0x80, v3, vm0, $0xb8;
	[tilespmem:$0x15800] =	vst v63  }
0x17c: {  	s29 =	simm.s32 $0x9000  }
0x17d: {  	[tilespmem:s29], [sflag:$0x1] =	stream.indirect_vreg.gather [hbm4b:s5+s2], $0x80, v3, vm0, $0xb8;
	[tilespmem:$0x15800] =	vst v63  }
0x17e: {  	v3 =	vld.msk [tilespmem:$0x230], $0xff;
	_ =	sdelay $0x4  }
0x17f: {  	v43 =	vshrl.u32 v3, $0x3  }
0x180: {  	v4 =	vmul.u32 $0x30, v43  }
0x181: {  	v3 =	vand.u32 $0x7, v3  }
0x182: {  	v3 =	vor.u32 v3, v4  }
0x183: {  	v3 =	vperm.xlane v3, v0;
	_ =	sdelay $0x1  }
0x184: {  	v3 =	vadd.s32 v1, v3;
	_ =	sdelay $0x4  }
0x185: {  	[tilespmem:s24], [sflag:$0x1] =	stream.indirect_vreg.gather [hbm4b:s3+s2], $0x80, v3, vm0, $0xb8;
	[tilespmem:$0x15800] =	vst v63  }
0x186: {  	_ = 	snop  }
0x187: {  	[tilespmem:s25], [sflag:$0x1] =	stream.indirect_vreg.gather [hbm4b:s4+s2], $0x80, v3, vm0, $0xb8;
	[tilespmem:$0x15800] =	vst v63  }
0x188: {  	s29 =	simm.s32 $0xA800  }
0x189: {  	[tilespmem:s29], [sflag:$0x1] =	stream.indirect_vreg.gather [hbm4b:s5+s2], $0x80, v3, vm0, $0xb8;
	[tilespmem:$0x15800] =	vst v63  }
0x18a: {  	_ =	swait.ge [sflag:s28], $0xA800  }
0x18b: {  	[sflag:s28] =	ssyncset.done $0x0  }
0x18c: {  	s29 =	rddreg [dreg:$0x6];
	[sflag:s28] =	ssyncadd.s32 $0xFFFF5800  }
0x18d: {  	[hbm4b:s29+s2] =	stream.linear.scatter [tilespmem:s30], [sflag:$0x3], $0xA800, $0x38;
	[tilespmem:$0x15800] =	vst v63  }
0x18e: {  	_ =	swait.ge [sflag:s7], $0xA800  }
0x18f: {  	[sflag:s7] =	ssyncset.done $0x0  }
0x190: {  	[sflag:s7] =	ssyncadd.s32 $0xFFFF5800  }
0x191: {  	v3 =	vld [tilespmem:$0x280];
	_ =	sdelay $0x4  }
0x192: {  	v44 =	vshrl.u32 v3, $0x3  }
0x193: {  	v4 =	vmul.u32 $0x30, v44  }
0x194: {  	v3 =	vand.u32 $0x7, v3  }
0x195: {  	v3 =	vor.u32 v3, v4  }
0x196: {  	v4 =	vperm.xlane v3, v0;
	_ =	sdelay $0x1  }
0x197: {  	v4 =	vadd.s32 v1, v4;
	_ =	sdelay $0x3  }
0x198: {  	v3 =	vperm.xlane v3, v2  }
0x199: {  	[tilespmem:s30], [sflag:$0x2] =	stream.indirect_vreg.gather [hbm4b:s3+s2], $0x80, v4, vm0, $0xb8;
	[tilespmem:$0x15800] =	vst v63  }
0x19a: {  	s9 =	simm.s32 $0xB800;
	v3 =	vadd.s32 v1, v3  }
0x19b: {  	[tilespmem:s9], [sflag:$0x2] =	stream.indirect_vreg.gather [hbm4b:s4+s2], $0x80, v4, vm0, $0xb8;
	[tilespmem:$0x15800] =	vst v63  }
0x19c: {  	s29 =	simm.s32 $0xC000  }
0x19d: {  	[tilespmem:s29], [sflag:$0x2] =	stream.indirect_vreg.gather [hbm4b:s5+s2], $0x80, v4, vm0, $0xb8;
	[tilespmem:$0x15800] =	vst v63  }
0x19e: {  	s29 =	simm.s32 $0xC800  }
0x19f: {  	[tilespmem:s29], [sflag:$0x2] =	stream.indirect_vreg.gather [hbm4b:s3+s2], $0x80, v3, vm0, $0xb8;
	[tilespmem:$0x15800] =	vst v63  }
0x1a0: {  	s29 =	simm.s32 $0xD000  }
0x1a1: {  	[tilespmem:s29], [sflag:$0x2] =	stream.indirect_vreg.gather [hbm4b:s4+s2], $0x80, v3, vm0, $0xb8;
	[tilespmem:$0x15800] =	vst v63  }
0x1a2: {  	s29 =	simm.s32 $0xD800  }
0x1a3: {  	[tilespmem:s29], [sflag:$0x2] =	stream.indirect_vreg.gather [hbm4b:s5+s2], $0x80, v3, vm0, $0xb8;
	[tilespmem:$0x15800] =	vst v63  }
0x1a4: {  	v3 =	vld [tilespmem:$0x290];
	_ =	sdelay $0x4  }
0x1a5: {  	v45 =	vshrl.u32 v3, $0x3  }
0x1a6: {  	v4 =	vmul.u32 $0x30, v45  }
0x1a7: {  	v3 =	vand.u32 $0x7, v3  }
0x1a8: {  	v3 =	vor.u32 v3, v4  }
0x1a9: {  	v4 =	vperm.xlane v3, v0;
	_ =	sdelay $0x1  }
0x1aa: {  	v4 =	vadd.s32 v1, v4;
	_ =	sdelay $0x3  }
0x1ab: {  	s29 =	simm.s32 $0xE000;
	v3 =	vperm.xlane v3, v2  }
0x1ac: {  	[tilespmem:s29], [sflag:$0x2] =	stream.indirect_vreg.gather [hbm4b:s3+s2], $0x80, v4, vm0, $0xb8;
	[tilespmem:$0x15800] =	vst v63  }
0x1ad: {  	s13 =	simm.s32 $0xE800;
	v3 =	vadd.s32 v1, v3  }
0x1ae: {  	[tilespmem:s13], [sflag:$0x2] =	stream.indirect_vreg.gather [hbm4b:s4+s2], $0x80, v4, vm0, $0xb8;
	[tilespmem:$0x15800] =	vst v63  }
0x1af: {  	s14 =	simm.s32 $0xF000  }
0x1b0: {  	[tilespmem:s14], [sflag:$0x2] =	stream.indirect_vreg.gather [hbm4b:s5+s2], $0x80, v4, vm0, $0xb8;
	[tilespmem:$0x15800] =	vst v63  }
0x1b1: {  	s14 =	simm.s32 $0xF800  }
0x1b2: {  	[tilespmem:s14], [sflag:$0x2] =	stream.indirect_vreg.gather [hbm4b:s3+s2], $0x80, v3, vm0, $0xb8;
	[tilespmem:$0x15800] =	vst v63  }
0x1b3: {  	s29 =	simm.s32 $0x10000  }
0x1b4: {  	[tilespmem:s29], [sflag:$0x2] =	stream.indirect_vreg.gather [hbm4b:s4+s2], $0x80, v3, vm0, $0xb8;
	[tilespmem:$0x15800] =	vst v63  }
0x1b5: {  	s29 =	simm.s32 $0x10800  }
0x1b6: {  	[tilespmem:s29], [sflag:$0x2] =	stream.indirect_vreg.gather [hbm4b:s5+s2], $0x80, v3, vm0, $0xb8;
	[tilespmem:$0x15800] =	vst v63  }
0x1b7: {  	v3 =	vld [tilespmem:$0x2A0];
	_ =	sdelay $0x4  }
0x1b8: {  	v46 =	vshrl.u32 v3, $0x3  }
0x1b9: {  	v4 =	vmul.u32 $0x30, v46  }
0x1ba: {  	v3 =	vand.u32 $0x7, v3  }
0x1bb: {  	v3 =	vor.u32 v3, v4  }
0x1bc: {  	v4 =	vperm.xlane v3, v0;
	_ =	sdelay $0x1  }
0x1bd: {  	v4 =	vadd.s32 v1, v4;
	_ =	sdelay $0x3  }
0x1be: {  	s29 =	simm.s32 $0x11000;
	v3 =	vperm.xlane v3, v2  }
0x1bf: {  	[tilespmem:s29], [sflag:$0x2] =	stream.indirect_vreg.gather [hbm4b:s3+s2], $0x80, v4, vm0, $0xb8;
	[tilespmem:$0x15800] =	vst v63  }
0x1c0: {  	s10 =	simm.s32 $0x11800;
	v3 =	vadd.s32 v1, v3  }
0x1c1: {  	[tilespmem:s10], [sflag:$0x2] =	stream.indirect_vreg.gather [hbm4b:s4+s2], $0x80, v4, vm0, $0xb8;
	[tilespmem:$0x15800] =	vst v63  }
0x1c2: {  	s14 =	simm.s32 $0x12000  }
0x1c3: {  	[tilespmem:s14], [sflag:$0x2] =	stream.indirect_vreg.gather [hbm4b:s5+s2], $0x80, v4, vm0, $0xb8;
	[tilespmem:$0x15800] =	vst v63  }
0x1c4: {  	s29 =	simm.s32 $0x12800  }
0x1c5: {  	[tilespmem:s29], [sflag:$0x2] =	stream.indirect_vreg.gather [hbm4b:s3+s2], $0x80, v3, vm0, $0xb8;
	[tilespmem:$0x15800] =	vst v63  }
0x1c6: {  	s14 =	simm.s32 $0x13000  }
0x1c7: {  	[tilespmem:s14], [sflag:$0x2] =	stream.indirect_vreg.gather [hbm4b:s4+s2], $0x80, v3, vm0, $0xb8;
	[tilespmem:$0x15800] =	vst v63  }
0x1c8: {  	s29 =	simm.s32 $0x13800  }
0x1c9: {  	[tilespmem:s29], [sflag:$0x2] =	stream.indirect_vreg.gather [hbm4b:s5+s2], $0x80, v3, vm0, $0xb8;
	[tilespmem:$0x15800] =	vst v63  }
0x1ca: {  	v3 =	vld.msk [tilespmem:$0x2B0], $0xff;
	_ =	sdelay $0x4  }
0x1cb: {  	v47 =	vshrl.u32 v3, $0x3  }
0x1cc: {  	v4 =	vmul.u32 $0x30, v47  }
0x1cd: {  	v3 =	vand.u32 $0x7, v3  }
0x1ce: {  	v3 =	vor.u32 v3, v4  }
0x1cf: {  	v3 =	vperm.xlane v3, v0;
	_ =	sdelay $0x1  }
0x1d0: {  	v3 =	vadd.s32 v1, v3;
	_ =	sdelay $0x3  }
0x1d1: {  	s11 =	simm.s32 $0x14000  }
0x1d2: {  	[tilespmem:s11], [sflag:$0x2] =	stream.indirect_vreg.gather [hbm4b:s3+s2], $0x80, v3, vm0, $0xb8;
	[tilespmem:$0x15800] =	vst v63  }
0x1d3: {  	s11 =	simm.s32 $0x14800  }
0x1d4: {  	[tilespmem:s11], [sflag:$0x2] =	stream.indirect_vreg.gather [hbm4b:s4+s2], $0x80, v3, vm0, $0xb8;
	[tilespmem:$0x15800] =	vst v63  }
0x1d5: {  	s12 =	simm.s32 $0x15000  }
0x1d6: {  	[tilespmem:s12], [sflag:$0x2] =	stream.indirect_vreg.gather [hbm4b:s5+s2], $0x80, v3, vm0, $0xb8;
	[tilespmem:$0x15800] =	vst v63  }
0x1d7: {  	_ =	swait.ge [sflag:s26], $0xA800  }
0x1d8: {  	[sflag:s26] =	ssyncset.done $0x0  }
0x1d9: {  	s12 =	rddreg [dreg:$0x7];
	[sflag:s26] =	ssyncadd.s32 $0xFFFF5800  }
0x1da: {  	[hbm4b:s12+s2] =	stream.linear.scatter [tilespmem:s31], [sflag:$0x3], $0xA800, $0x38;
	[tilespmem:$0x15800] =	vst v63  }
0x1db: {  	_ =	swait.ge [sflag:s7], $0xA800  }
0x1dc: {  	[sflag:s7] =	ssyncset.done $0x0  }
0x1dd: {  	[sflag:s7] =	ssyncadd.s32 $0xFFFF5800  }
0x1de: {  	v3 =	vld [tilespmem:$0x300];
	_ =	sdelay $0x4  }
0x1df: {  	v48 =	vshrl.u32 v3, $0x3  }
0x1e0: {  	v4 =	vmul.u32 $0x30, v48  }
0x1e1: {  	v3 =	vand.u32 $0x7, v3  }
0x1e2: {  	v3 =	vor.u32 v3, v4  }
0x1e3: {  	v4 =	vperm.xlane v3, v0;
	_ =	sdelay $0x1  }
0x1e4: {  	v4 =	vadd.s32 v1, v4;
	_ =	sdelay $0x3  }
0x1e5: {  	v3 =	vperm.xlane v3, v2  }
0x1e6: {  	[tilespmem:s31], [sflag:$0x1] =	stream.indirect_vreg.gather [hbm4b:s3+s2], $0x80, v4, vm0, $0xb8;
	[tilespmem:$0x15800] =	vst v63  }
0x1e7: {  	s0 =	simm.s32 $0x1000;
	v3 =	vadd.s32 v1, v3  }
0x1e8: {  	[tilespmem:s0], [sflag:$0x1] =	stream.indirect_vreg.gather [hbm4b:s4+s2], $0x80, v4, vm0, $0xb8;
	[tilespmem:$0x15800] =	vst v63  }
0x1e9: {  	s1 =	simm.s32 $0x1800  }
0x1ea: {  	[tilespmem:s1], [sflag:$0x1] =	stream.indirect_vreg.gather [hbm4b:s5+s2], $0x80, v4, vm0, $0xb8;
	[tilespmem:$0x15800] =	vst v63  }
0x1eb: {  	s8 =	simm.s32 $0x2000  }
0x1ec: {  	[tilespmem:s8], [sflag:$0x1] =	stream.indirect_vreg.gather [hbm4b:s3+s2], $0x80, v3, vm0, $0xb8;
	[tilespmem:$0x15800] =	vst v63  }
0x1ed: {  	s15 =	simm.s32 $0x2800  }
0x1ee: {  	[tilespmem:s15], [sflag:$0x1] =	stream.indirect_vreg.gather [hbm4b:s4+s2], $0x80, v3, vm0, $0xb8;
	[tilespmem:$0x15800] =	vst v63  }
0x1ef: {  	s14 =	simm.s32 $0x3000  }
0x1f0: {  	[tilespmem:s14], [sflag:$0x1] =	stream.indirect_vreg.gather [hbm4b:s5+s2], $0x80, v3, vm0, $0xb8;
	[tilespmem:$0x15800] =	vst v63  }
0x1f1: {  	v3 =	vld [tilespmem:$0x310];
	_ =	sdelay $0x4  }
0x1f2: {  	v49 =	vshrl.u32 v3, $0x3  }
0x1f3: {  	v4 =	vmul.u32 $0x30, v49  }
0x1f4: {  	v3 =	vand.u32 $0x7, v3  }
0x1f5: {  	v3 =	vor.u32 v3, v4  }
0x1f6: {  	v4 =	vperm.xlane v3, v0;
	_ =	sdelay $0x1  }
0x1f7: {  	v4 =	vadd.s32 v1, v4;
	_ =	sdelay $0x3  }
0x1f8: {  	s15 =	simm.s32 $0x3800;
	v3 =	vperm.xlane v3, v2  }
0x1f9: {  	[tilespmem:s15], [sflag:$0x1] =	stream.indirect_vreg.gather [hbm4b:s3+s2], $0x80, v4, vm0, $0xb8;
	[tilespmem:$0x15800] =	vst v63  }
0x1fa: {  	s16 =	simm.s32 $0x4000;
	v3 =	vadd.s32 v1, v3  }
0x1fb: {  	[tilespmem:s16], [sflag:$0x1] =	stream.indirect_vreg.gather [hbm4b:s4+s2], $0x80, v4, vm0, $0xb8;
	[tilespmem:$0x15800] =	vst v63  }
0x1fc: {  	s17 =	simm.s32 $0x4800  }
0x1fd: {  	[tilespmem:s17], [sflag:$0x1] =	stream.indirect_vreg.gather [hbm4b:s5+s2], $0x80, v4, vm0, $0xb8;
	[tilespmem:$0x15800] =	vst v63  }
0x1fe: {  	s18 =	simm.s32 $0x5000  }
0x1ff: {  	[tilespmem:s18], [sflag:$0x1] =	stream.indirect_vreg.gather [hbm4b:s3+s2], $0x80, v3, vm0, $0xb8;
	[tilespmem:$0x15800] =	vst v63  }
0x200: {  	s19 =	simm.s32 $0x5800  }
0x201: {  	[tilespmem:s19], [sflag:$0x1] =	stream.indirect_vreg.gather [hbm4b:s4+s2], $0x80, v3, vm0, $0xb8;
	[tilespmem:$0x15800] =	vst v63  }
0x202: {  	s19 =	simm.s32 $0x6000  }
0x203: {  	[tilespmem:s19], [sflag:$0x1] =	stream.indirect_vreg.gather [hbm4b:s5+s2], $0x80, v3, vm0, $0xb8;
	[tilespmem:$0x15800] =	vst v63  }
0x204: {  	v3 =	vld [tilespmem:$0x320];
	_ =	sdelay $0x4  }
0x205: {  	v50 =	vshrl.u32 v3, $0x3  }
0x206: {  	v4 =	vmul.u32 $0x30, v50  }
0x207: {  	v3 =	vand.u32 $0x7, v3  }
0x208: {  	v3 =	vor.u32 v3, v4  }
0x209: {  	v4 =	vperm.xlane v3, v0;
	_ =	sdelay $0x1  }
0x20a: {  	v4 =	vadd.s32 v1, v4;
	_ =	sdelay $0x3  }
0x20b: {  	s29 =	simm.s32 $0x6800;
	v3 =	vperm.xlane v3, v2  }
0x20c: {  	[tilespmem:s29], [sflag:$0x1] =	stream.indirect_vreg.gather [hbm4b:s3+s2], $0x80, v4, vm0, $0xb8;
	[tilespmem:$0x15800] =	vst v63  }
0x20d: {  	s20 =	simm.s32 $0x7000;
	v3 =	vadd.s32 v1, v3  }
0x20e: {  	[tilespmem:s20], [sflag:$0x1] =	stream.indirect_vreg.gather [hbm4b:s4+s2], $0x80, v4, vm0, $0xb8;
	[tilespmem:$0x15800] =	vst v63  }
0x20f: {  	s21 =	simm.s32 $0x7800  }
0x210: {  	[tilespmem:s21], [sflag:$0x1] =	stream.indirect_vreg.gather [hbm4b:s5+s2], $0x80, v4, vm0, $0xb8;
	[tilespmem:$0x15800] =	vst v63  }
0x211: {  	s22 =	simm.s32 $0x8000  }
0x212: {  	[tilespmem:s22], [sflag:$0x1] =	stream.indirect_vreg.gather [hbm4b:s3+s2], $0x80, v3, vm0, $0xb8;
	[tilespmem:$0x15800] =	vst v63  }
0x213: {  	s23 =	simm.s32 $0x8800  }
0x214: {  	[tilespmem:s23], [sflag:$0x1] =	stream.indirect_vreg.gather [hbm4b:s4+s2], $0x80, v3, vm0, $0xb8;
	[tilespmem:$0x15800] =	vst v63  }
0x215: {  	s11 =	simm.s32 $0x9000  }
0x216: {  	[tilespmem:s11], [sflag:$0x1] =	stream.indirect_vreg.gather [hbm4b:s5+s2], $0x80, v3, vm0, $0xb8;
	[tilespmem:$0x15800] =	vst v63  }
0x217: {  	v3 =	vld.msk [tilespmem:$0x330], $0xff;
	_ =	sdelay $0x4  }
0x218: {  	v51 =	vshrl.u32 v3, $0x3  }
0x219: {  	v4 =	vmul.u32 $0x30, v51  }
0x21a: {  	v3 =	vand.u32 $0x7, v3  }
0x21b: {  	v3 =	vor.u32 v3, v4  }
0x21c: {  	v3 =	vperm.xlane v3, v0;
	_ =	sdelay $0x1  }
0x21d: {  	v3 =	vadd.s32 v1, v3;
	_ =	sdelay $0x3  }
0x21e: {  	s24 =	simm.s32 $0x9800  }
0x21f: {  	[tilespmem:s24], [sflag:$0x1] =	stream.indirect_vreg.gather [hbm4b:s3+s2], $0x80, v3, vm0, $0xb8;
	[tilespmem:$0x15800] =	vst v63  }
0x220: {  	s25 =	simm.s32 $0xA000  }
0x221: {  	[tilespmem:s25], [sflag:$0x1] =	stream.indirect_vreg.gather [hbm4b:s4+s2], $0x80, v3, vm0, $0xb8;
	[tilespmem:$0x15800] =	vst v63  }
0x222: {  	s14 =	simm.s32 $0xA800  }
0x223: {  	[tilespmem:s14], [sflag:$0x1] =	stream.indirect_vreg.gather [hbm4b:s5+s2], $0x80, v3, vm0, $0xb8;
	[tilespmem:$0x15800] =	vst v63  }
0x224: {  	_ =	swait.ge [sflag:s28], $0xA800  }
0x225: {  	[sflag:s28] =	ssyncset.done $0x0  }
0x226: {  	s25 =	rddreg [dreg:$0x8];
	[sflag:s28] =	ssyncadd.s32 $0xFFFF5800  }
0x227: {  	[hbm4b:s25+s2] =	stream.linear.scatter [tilespmem:s30], [sflag:$0x3], $0xA800, $0x38;
	[tilespmem:$0x15800] =	vst v63  }
0x228: {  	_ =	swait.ge [sflag:s7], $0xA800  }
0x229: {  	[sflag:s7] =	ssyncset.done $0x0  }
0x22a: {  	[sflag:s7] =	ssyncadd.s32 $0xFFFF5800  }
0x22b: {  	v3 =	vld [tilespmem:$0x380];
	_ =	sdelay $0x4  }
0x22c: {  	v52 =	vshrl.u32 v3, $0x3  }
0x22d: {  	v4 =	vmul.u32 $0x30, v52  }
0x22e: {  	v3 =	vand.u32 $0x7, v3  }
0x22f: {  	v3 =	vor.u32 v3, v4  }
0x230: {  	v4 =	vperm.xlane v3, v0;
	_ =	sdelay $0x1  }
0x231: {  	v4 =	vadd.s32 v1, v4;
	_ =	sdelay $0x3  }
0x232: {  	v3 =	vperm.xlane v3, v2  }
0x233: {  	[tilespmem:s30], [sflag:$0x2] =	stream.indirect_vreg.gather [hbm4b:s3+s2], $0x80, v4, vm0, $0xb8;
	[tilespmem:$0x15800] =	vst v63  }
0x234: {  	s9 =	simm.s32 $0xB800;
	v3 =	vadd.s32 v1, v3  }
0x235: {  	[tilespmem:s9], [sflag:$0x2] =	stream.indirect_vreg.gather [hbm4b:s4+s2], $0x80, v4, vm0, $0xb8;
	[tilespmem:$0x15800] =	vst v63  }
0x236: {  	s10 =	simm.s32 $0xC000  }
0x237: {  	[tilespmem:s10], [sflag:$0x2] =	stream.indirect_vreg.gather [hbm4b:s5+s2], $0x80, v4, vm0, $0xb8;
	[tilespmem:$0x15800] =	vst v63  }
0x238: {  	s11 =	simm.s32 $0xC800  }
0x239: {  	[tilespmem:s11], [sflag:$0x2] =	stream.indirect_vreg.gather [hbm4b:s3+s2], $0x80, v3, vm0, $0xb8;
	[tilespmem:$0x15800] =	vst v63  }
0x23a: {  	s14 =	simm.s32 $0xD000  }
0x23b: {  	[tilespmem:s14], [sflag:$0x2] =	stream.indirect_vreg.gather [hbm4b:s4+s2], $0x80, v3, vm0, $0xb8;
	[tilespmem:$0x15800] =	vst v63  }
0x23c: {  	s29 =	simm.s32 $0xD800  }
0x23d: {  	[tilespmem:s29], [sflag:$0x2] =	stream.indirect_vreg.gather [hbm4b:s5+s2], $0x80, v3, vm0, $0xb8;
	[tilespmem:$0x15800] =	vst v63  }
0x23e: {  	v3 =	vld [tilespmem:$0x390];
	_ =	sdelay $0x4  }
0x23f: {  	v53 =	vshrl.u32 v3, $0x3  }
0x240: {  	v4 =	vmul.u32 $0x30, v53  }
0x241: {  	v3 =	vand.u32 $0x7, v3  }
0x242: {  	v3 =	vor.u32 v3, v4  }
0x243: {  	v4 =	vperm.xlane v3, v0;
	_ =	sdelay $0x1  }
0x244: {  	v4 =	vadd.s32 v1, v4;
	_ =	sdelay $0x3  }
0x245: {  	s29 =	simm.s32 $0xE000;
	v3 =	vperm.xlane v3, v2  }
0x246: {  	[tilespmem:s29], [sflag:$0x2] =	stream.indirect_vreg.gather [hbm4b:s3+s2], $0x80, v4, vm0, $0xb8;
	[tilespmem:$0x15800] =	vst v63  }
0x247: {  	v3 =	vadd.s32 v1, v3;
	s29 =	simm.s32 $0xE800  }
0x248: {  	[tilespmem:s29], [sflag:$0x2] =	stream.indirect_vreg.gather [hbm4b:s4+s2], $0x80, v4, vm0, $0xb8;
	[tilespmem:$0x15800] =	vst v63  }
0x249: {  	s29 =	simm.s32 $0xF000  }
0x24a: {  	[tilespmem:s29], [sflag:$0x2] =	stream.indirect_vreg.gather [hbm4b:s5+s2], $0x80, v4, vm0, $0xb8;
	[tilespmem:$0x15800] =	vst v63  }
0x24b: {  	s13 =	simm.s32 $0xF800  }
0x24c: {  	[tilespmem:s13], [sflag:$0x2] =	stream.indirect_vreg.gather [hbm4b:s3+s2], $0x80, v3, vm0, $0xb8;
	[tilespmem:$0x15800] =	vst v63  }
0x24d: {  	s29 =	simm.s32 $0x10000  }
0x24e: {  	[tilespmem:s29], [sflag:$0x2] =	stream.indirect_vreg.gather [hbm4b:s4+s2], $0x80, v3, vm0, $0xb8;
	[tilespmem:$0x15800] =	vst v63  }
0x24f: {  	s29 =	simm.s32 $0x10800  }
0x250: {  	[tilespmem:s29], [sflag:$0x2] =	stream.indirect_vreg.gather [hbm4b:s5+s2], $0x80, v3, vm0, $0xb8;
	[tilespmem:$0x15800] =	vst v63  }
0x251: {  	v3 =	vld [tilespmem:$0x3A0];
	_ =	sdelay $0x4  }
0x252: {  	v54 =	vshrl.u32 v3, $0x3  }
0x253: {  	v4 =	vmul.u32 $0x30, v54  }
0x254: {  	v3 =	vand.u32 $0x7, v3  }
0x255: {  	v3 =	vor.u32 v3, v4  }
0x256: {  	v4 =	vperm.xlane v3, v0;
	_ =	sdelay $0x1  }
0x257: {  	v4 =	vadd.s32 v1, v4;
	_ =	sdelay $0x3  }
0x258: {  	s29 =	simm.s32 $0x11000;
	v3 =	vperm.xlane v3, v2  }
0x259: {  	[tilespmem:s29], [sflag:$0x2] =	stream.indirect_vreg.gather [hbm4b:s3+s2], $0x80, v4, vm0, $0xb8;
	[tilespmem:$0x15800] =	vst v63  }
0x25a: {  	v3 =	vadd.s32 v1, v3;
	s29 =	simm.s32 $0x11800  }
0x25b: {  	[tilespmem:s29], [sflag:$0x2] =	stream.indirect_vreg.gather [hbm4b:s4+s2], $0x80, v4, vm0, $0xb8;
	[tilespmem:$0x15800] =	vst v63  }
0x25c: {  	s29 =	simm.s32 $0x12000  }
0x25d: {  	[tilespmem:s29], [sflag:$0x2] =	stream.indirect_vreg.gather [hbm4b:s5+s2], $0x80, v4, vm0, $0xb8;
	[tilespmem:$0x15800] =	vst v63  }
0x25e: {  	s29 =	simm.s32 $0x12800  }
0x25f: {  	[tilespmem:s29], [sflag:$0x2] =	stream.indirect_vreg.gather [hbm4b:s3+s2], $0x80, v3, vm0, $0xb8;
	[tilespmem:$0x15800] =	vst v63  }
0x260: {  	s29 =	simm.s32 $0x13000  }
0x261: {  	[tilespmem:s29], [sflag:$0x2] =	stream.indirect_vreg.gather [hbm4b:s4+s2], $0x80, v3, vm0, $0xb8;
	[tilespmem:$0x15800] =	vst v63  }
0x262: {  	s29 =	simm.s32 $0x13800  }
0x263: {  	[tilespmem:s29], [sflag:$0x2] =	stream.indirect_vreg.gather [hbm4b:s5+s2], $0x80, v3, vm0, $0xb8;
	[tilespmem:$0x15800] =	vst v63  }
0x264: {  	v3 =	vld.msk [tilespmem:$0x3B0], $0xff;
	_ =	sdelay $0x4  }
0x265: {  	v55 =	vshrl.u32 v3, $0x3  }
0x266: {  	v4 =	vmul.u32 $0x30, v55  }
0x267: {  	v3 =	vand.u32 $0x7, v3  }
0x268: {  	v3 =	vor.u32 v3, v4  }
0x269: {  	v3 =	vperm.xlane v3, v0;
	_ =	sdelay $0x1  }
0x26a: {  	v3 =	vadd.s32 v1, v3;
	_ =	sdelay $0x3  }
0x26b: {  	s29 =	simm.s32 $0x14000  }
0x26c: {  	[tilespmem:s29], [sflag:$0x2] =	stream.indirect_vreg.gather [hbm4b:s3+s2], $0x80, v3, vm0, $0xb8;
	[tilespmem:$0x15800] =	vst v63  }
0x26d: {  	s29 =	simm.s32 $0x14800  }
0x26e: {  	[tilespmem:s29], [sflag:$0x2] =	stream.indirect_vreg.gather [hbm4b:s4+s2], $0x80, v3, vm0, $0xb8;
	[tilespmem:$0x15800] =	vst v63  }
0x26f: {  	s29 =	simm.s32 $0x15000  }
0x270: {  	[tilespmem:s29], [sflag:$0x2] =	stream.indirect_vreg.gather [hbm4b:s5+s2], $0x80, v3, vm0, $0xb8;
	[tilespmem:$0x15800] =	vst v63  }
0x271: {  	_ =	swait.ge [sflag:s26], $0xA800  }
0x272: {  	[sflag:s26] =	ssyncset.done $0x0  }
0x273: {  	s29 =	rddreg [dreg:$0x9];
	[sflag:s26] =	ssyncadd.s32 $0xFFFF5800  }
0x274: {  	[hbm4b:s29+s2] =	stream.linear.scatter [tilespmem:s31], [sflag:$0x3], $0xA800, $0x38;
	[tilespmem:$0x15800] =	vst v63  }
0x275: {  	_ =	swait.ge [sflag:s7], $0xA800  }
0x276: {  	[sflag:s7] =	ssyncset.done $0x0  }
0x277: {  	[sflag:s7] =	ssyncadd.s32 $0xFFFF5800  }
0x278: {  	v3 =	vld [tilespmem:$0x400];
	_ =	sdelay $0x4  }
0x279: {  	v56 =	vshrl.u32 v3, $0x3  }
0x27a: {  	v4 =	vmul.u32 $0x30, v56  }
0x27b: {  	v3 =	vand.u32 $0x7, v3  }
0x27c: {  	v3 =	vor.u32 v3, v4  }
0x27d: {  	v4 =	vperm.xlane v3, v0;
	_ =	sdelay $0x1  }
0x27e: {  	v4 =	vadd.s32 v1, v4;
	_ =	sdelay $0x3  }
0x27f: {  	v3 =	vperm.xlane v3, v2  }
0x280: {  	[tilespmem:s31], [sflag:$0x1] =	stream.indirect_vreg.gather [hbm4b:s3+s2], $0x80, v4, vm0, $0xb8;
	[tilespmem:$0x15800] =	vst v63  }
0x281: {  	s12 =	simm.s32 $0x1000;
	v3 =	vadd.s32 v1, v3  }
0x282: {  	[tilespmem:s12], [sflag:$0x1] =	stream.indirect_vreg.gather [hbm4b:s4+s2], $0x80, v4, vm0, $0xb8;
	[tilespmem:$0x15800] =	vst v63  }
0x283: {  	s0 =	simm.s32 $0x1800  }
0x284: {  	[tilespmem:s0], [sflag:$0x1] =	stream.indirect_vreg.gather [hbm4b:s5+s2], $0x80, v4, vm0, $0xb8;
	[tilespmem:$0x15800] =	vst v63  }
0x285: {  	s1 =	simm.s32 $0x2000  }
0x286: {  	[tilespmem:s1], [sflag:$0x1] =	stream.indirect_vreg.gather [hbm4b:s3+s2], $0x80, v3, vm0, $0xb8;
	[tilespmem:$0x15800] =	vst v63  }
0x287: {  	s8 =	simm.s32 $0x2800  }
0x288: {  	[tilespmem:s8], [sflag:$0x1] =	stream.indirect_vreg.gather [hbm4b:s4+s2], $0x80, v3, vm0, $0xb8;
	[tilespmem:$0x15800] =	vst v63  }
0x289: {  	s8 =	simm.s32 $0x3000  }
0x28a: {  	[tilespmem:s8], [sflag:$0x1] =	stream.indirect_vreg.gather [hbm4b:s5+s2], $0x80, v3, vm0, $0xb8;
	[tilespmem:$0x15800] =	vst v63  }
0x28b: {  	v3 =	vld [tilespmem:$0x410];
	_ =	sdelay $0x4  }
0x28c: {  	v57 =	vshrl.u32 v3, $0x3  }
0x28d: {  	v4 =	vmul.u32 $0x30, v57  }
0x28e: {  	v3 =	vand.u32 $0x7, v3  }
0x28f: {  	v3 =	vor.u32 v3, v4  }
0x290: {  	v4 =	vperm.xlane v3, v0;
	_ =	sdelay $0x1  }
0x291: {  	v4 =	vadd.s32 v1, v4;
	_ =	sdelay $0x3  }
0x292: {  	s12 =	simm.s32 $0x3800;
	v3 =	vperm.xlane v3, v2  }
0x293: {  	[tilespmem:s12], [sflag:$0x1] =	stream.indirect_vreg.gather [hbm4b:s3+s2], $0x80, v4, vm0, $0xb8;
	[tilespmem:$0x15800] =	vst v63  }
0x294: {  	s15 =	simm.s32 $0x4000;
	v3 =	vadd.s32 v1, v3  }
0x295: {  	[tilespmem:s15], [sflag:$0x1] =	stream.indirect_vreg.gather [hbm4b:s4+s2], $0x80, v4, vm0, $0xb8;
	[tilespmem:$0x15800] =	vst v63  }
0x296: {  	s16 =	simm.s32 $0x4800  }
0x297: {  	[tilespmem:s16], [sflag:$0x1] =	stream.indirect_vreg.gather [hbm4b:s5+s2], $0x80, v4, vm0, $0xb8;
	[tilespmem:$0x15800] =	vst v63  }
0x298: {  	s17 =	simm.s32 $0x5000  }
0x299: {  	[tilespmem:s17], [sflag:$0x1] =	stream.indirect_vreg.gather [hbm4b:s3+s2], $0x80, v3, vm0, $0xb8;
	[tilespmem:$0x15800] =	vst v63  }
0x29a: {  	s18 =	simm.s32 $0x5800  }
0x29b: {  	[tilespmem:s18], [sflag:$0x1] =	stream.indirect_vreg.gather [hbm4b:s4+s2], $0x80, v3, vm0, $0xb8;
	[tilespmem:$0x15800] =	vst v63  }
0x29c: {  	s17 =	simm.s32 $0x6000  }
0x29d: {  	[tilespmem:s17], [sflag:$0x1] =	stream.indirect_vreg.gather [hbm4b:s5+s2], $0x80, v3, vm0, $0xb8;
	[tilespmem:$0x15800] =	vst v63  }
0x29e: {  	v3 =	vld [tilespmem:$0x420];
	_ =	sdelay $0x4  }
0x29f: {  	v58 =	vshrl.u32 v3, $0x3  }
0x2a0: {  	v4 =	vmul.u32 $0x30, v58  }
0x2a1: {  	v3 =	vand.u32 $0x7, v3  }
0x2a2: {  	v3 =	vor.u32 v3, v4  }
0x2a3: {  	v4 =	vperm.xlane v3, v0;
	_ =	sdelay $0x1  }
0x2a4: {  	v4 =	vadd.s32 v1, v4;
	_ =	sdelay $0x3  }
0x2a5: {  	s18 =	simm.s32 $0x6800;
	v3 =	vperm.xlane v3, v2  }
0x2a6: {  	[tilespmem:s18], [sflag:$0x1] =	stream.indirect_vreg.gather [hbm4b:s3+s2], $0x80, v4, vm0, $0xb8;
	[tilespmem:$0x15800] =	vst v63  }
0x2a7: {  	s19 =	simm.s32 $0x7000;
	v3 =	vadd.s32 v1, v3  }
0x2a8: {  	[tilespmem:s19], [sflag:$0x1] =	stream.indirect_vreg.gather [hbm4b:s4+s2], $0x80, v4, vm0, $0xb8;
	[tilespmem:$0x15800] =	vst v63  }
0x2a9: {  	s20 =	simm.s32 $0x7800  }
0x2aa: {  	[tilespmem:s20], [sflag:$0x1] =	stream.indirect_vreg.gather [hbm4b:s5+s2], $0x80, v4, vm0, $0xb8;
	[tilespmem:$0x15800] =	vst v63  }
0x2ab: {  	s21 =	simm.s32 $0x8000  }
0x2ac: {  	[tilespmem:s21], [sflag:$0x1] =	stream.indirect_vreg.gather [hbm4b:s3+s2], $0x80, v3, vm0, $0xb8;
	[tilespmem:$0x15800] =	vst v63  }
0x2ad: {  	s22 =	simm.s32 $0x8800  }
0x2ae: {  	[tilespmem:s22], [sflag:$0x1] =	stream.indirect_vreg.gather [hbm4b:s4+s2], $0x80, v3, vm0, $0xb8;
	[tilespmem:$0x15800] =	vst v63  }
0x2af: {  	s29 =	simm.s32 $0x9000  }
0x2b0: {  	[tilespmem:s29], [sflag:$0x1] =	stream.indirect_vreg.gather [hbm4b:s5+s2], $0x80, v3, vm0, $0xb8;
	[tilespmem:$0x15800] =	vst v63  }
0x2b1: {  	v3 =	vld.msk [tilespmem:$0x430], $0xff;
	_ =	sdelay $0x4  }
0x2b2: {  	v59 =	vshrl.u32 v3, $0x3  }
0x2b3: {  	v4 =	vmul.u32 $0x30, v59  }
0x2b4: {  	v3 =	vand.u32 $0x7, v3  }
0x2b5: {  	v3 =	vor.u32 v3, v4  }
0x2b6: {  	v3 =	vperm.xlane v3, v0;
	_ =	sdelay $0x1  }
0x2b7: {  	v3 =	vadd.s32 v1, v3;
	_ =	sdelay $0x3  }
0x2b8: {  	s23 =	simm.s32 $0x9800  }
0x2b9: {  	[tilespmem:s23], [sflag:$0x1] =	stream.indirect_vreg.gather [hbm4b:s3+s2], $0x80, v3, vm0, $0xb8;
	[tilespmem:$0x15800] =	vst v63  }
0x2ba: {  	s24 =	simm.s32 $0xA000  }
0x2bb: {  	[tilespmem:s24], [sflag:$0x1] =	stream.indirect_vreg.gather [hbm4b:s4+s2], $0x80, v3, vm0, $0xb8;
	[tilespmem:$0x15800] =	vst v63  }
0x2bc: {  	s1 =	simm.s32 $0xA800  }
0x2bd: {  	[tilespmem:s1], [sflag:$0x1] =	stream.indirect_vreg.gather [hbm4b:s5+s2], $0x80, v3, vm0, $0xb8;
	[tilespmem:$0x15800] =	vst v63  }
0x2be: {  	_ =	swait.ge [sflag:s28], $0xA800  }
0x2bf: {  	[sflag:s28] =	ssyncset.done $0x0  }
0x2c0: {  	s8 =	rddreg [dreg:$0xa];
	[sflag:s28] =	ssyncadd.s32 $0xFFFF5800  }
0x2c1: {  	[hbm4b:s8+s2] =	stream.linear.scatter [tilespmem:s30], [sflag:$0x3], $0xA800, $0x38;
	[tilespmem:$0x15800] =	vst v63  }
0x2c2: {  	_ =	swait.ge [sflag:s7], $0xA800  }
0x2c3: {  	[sflag:s7] =	ssyncset.done $0x0  }
0x2c4: {  	[sflag:s7] =	ssyncadd.s32 $0xFFFF5800  }
0x2c5: {  	v3 =	vld [tilespmem:$0x480];
	_ =	sdelay $0x4  }
0x2c6: {  	v60 =	vshrl.u32 v3, $0x3  }
0x2c7: {  	v4 =	vmul.u32 $0x30, v60  }
0x2c8: {  	v3 =	vand.u32 $0x7, v3  }
0x2c9: {  	v3 =	vor.u32 v3, v4  }
0x2ca: {  	v4 =	vperm.xlane v3, v0;
	_ =	sdelay $0x1  }
0x2cb: {  	v4 =	vadd.s32 v1, v4;
	_ =	sdelay $0x3  }
0x2cc: {  	v3 =	vperm.xlane v3, v2  }
0x2cd: {  	[tilespmem:s30], [sflag:$0x2] =	stream.indirect_vreg.gather [hbm4b:s3+s2], $0x80, v4, vm0, $0xb8;
	[tilespmem:$0x15800] =	vst v63  }
0x2ce: {  	s25 =	simm.s32 $0xB800;
	v3 =	vadd.s32 v1, v3  }
0x2cf: {  	[tilespmem:s25], [sflag:$0x2] =	stream.indirect_vreg.gather [hbm4b:s4+s2], $0x80, v4, vm0, $0xb8;
	[tilespmem:$0x15800] =	vst v63  }
0x2d0: {  	s9 =	simm.s32 $0xC000  }
0x2d1: {  	[tilespmem:s9], [sflag:$0x2] =	stream.indirect_vreg.gather [hbm4b:s5+s2], $0x80, v4, vm0, $0xb8;
	[tilespmem:$0x15800] =	vst v63  }
0x2d2: {  	s10 =	simm.s32 $0xC800  }
0x2d3: {  	[tilespmem:s10], [sflag:$0x2] =	stream.indirect_vreg.gather [hbm4b:s3+s2], $0x80, v3, vm0, $0xb8;
	[tilespmem:$0x15800] =	vst v63  }
0x2d4: {  	s11 =	simm.s32 $0xD000  }
0x2d5: {  	[tilespmem:s11], [sflag:$0x2] =	stream.indirect_vreg.gather [hbm4b:s4+s2], $0x80, v3, vm0, $0xb8;
	[tilespmem:$0x15800] =	vst v63  }
0x2d6: {  	s10 =	simm.s32 $0xD800  }
0x2d7: {  	[tilespmem:s10], [sflag:$0x2] =	stream.indirect_vreg.gather [hbm4b:s5+s2], $0x80, v3, vm0, $0xb8;
	[tilespmem:$0x15800] =	vst v63  }
0x2d8: {  	v3 =	vld [tilespmem:$0x490];
	_ =	sdelay $0x4  }
0x2d9: {  	v61 =	vshrl.u32 v3, $0x3  }
0x2da: {  	v4 =	vmul.u32 $0x30, v61  }
0x2db: {  	v3 =	vand.u32 $0x7, v3  }
0x2dc: {  	v3 =	vor.u32 v3, v4  }
0x2dd: {  	v4 =	vperm.xlane v3, v0;
	_ =	sdelay $0x1  }
0x2de: {  	v4 =	vadd.s32 v1, v4;
	_ =	sdelay $0x3  }
0x2df: {  	s11 =	simm.s32 $0xE000;
	v3 =	vperm.xlane v3, v2  }
0x2e0: {  	[tilespmem:s11], [sflag:$0x2] =	stream.indirect_vreg.gather [hbm4b:s3+s2], $0x80, v4, vm0, $0xb8;
	[tilespmem:$0x15800] =	vst v63  }
0x2e1: {  	s14 =	simm.s32 $0xE800;
	v3 =	vadd.s32 v1, v3  }
0x2e2: {  	[tilespmem:s14], [sflag:$0x2] =	stream.indirect_vreg.gather [hbm4b:s4+s2], $0x80, v4, vm0, $0xb8;
	[tilespmem:$0x15800] =	vst v63  }
0x2e3: {  	s12 =	simm.s32 $0xF000  }
0x2e4: {  	[tilespmem:s12], [sflag:$0x2] =	stream.indirect_vreg.gather [hbm4b:s5+s2], $0x80, v4, vm0, $0xb8;
	[tilespmem:$0x15800] =	vst v63  }
0x2e5: {  	s13 =	simm.s32 $0xF800  }
0x2e6: {  	[tilespmem:s13], [sflag:$0x2] =	stream.indirect_vreg.gather [hbm4b:s3+s2], $0x80, v3, vm0, $0xb8;
	[tilespmem:$0x15800] =	vst v63  }
0x2e7: {  	s13 =	simm.s32 $0x10000  }
0x2e8: {  	[tilespmem:s13], [sflag:$0x2] =	stream.indirect_vreg.gather [hbm4b:s4+s2], $0x80, v3, vm0, $0xb8;
	[tilespmem:$0x15800] =	vst v63  }
0x2e9: {  	s14 =	simm.s32 $0x10800  }
0x2ea: {  	[tilespmem:s14], [sflag:$0x2] =	stream.indirect_vreg.gather [hbm4b:s5+s2], $0x80, v3, vm0, $0xb8;
	[tilespmem:$0x15800] =	vst v63  }
0x2eb: {  	v3 =	vld [tilespmem:$0x4A0];
	_ =	sdelay $0x4  }
0x2ec: {  	v62 =	vshrl.u32 v3, $0x3  }
0x2ed: {  	v4 =	vmul.u32 $0x30, v62  }
0x2ee: {  	v3 =	vand.u32 $0x7, v3  }
0x2ef: {  	v3 =	vor.u32 v3, v4  }
0x2f0: {  	v4 =	vperm.xlane v3, v0;
	_ =	sdelay $0x1  }
0x2f1: {  	v4 =	vadd.s32 v1, v4;
	_ =	sdelay $0x3  }
0x2f2: {  	s15 =	simm.s32 $0x11000;
	v3 =	vperm.xlane v3, v2  }
0x2f3: {  	[tilespmem:s15], [sflag:$0x2] =	stream.indirect_vreg.gather [hbm4b:s3+s2], $0x80, v4, vm0, $0xb8;
	[tilespmem:$0x15800] =	vst v63  }
0x2f4: {  	s16 =	simm.s32 $0x11800;
	v3 =	vadd.s32 v1, v3  }
0x2f5: {  	[tilespmem:s16], [sflag:$0x2] =	stream.indirect_vreg.gather [hbm4b:s4+s2], $0x80, v4, vm0, $0xb8;
	[tilespmem:$0x15800] =	vst v63  }
0x2f6: {  	s17 =	simm.s32 $0x12000  }
0x2f7: {  	[tilespmem:s17], [sflag:$0x2] =	stream.indirect_vreg.gather [hbm4b:s5+s2], $0x80, v4, vm0, $0xb8;
	[tilespmem:$0x15800] =	vst v63  }
0x2f8: {  	s18 =	simm.s32 $0x12800  }
0x2f9: {  	[tilespmem:s18], [sflag:$0x2] =	stream.indirect_vreg.gather [hbm4b:s3+s2], $0x80, v3, vm0, $0xb8;
	[tilespmem:$0x15800] =	vst v63  }
0x2fa: {  	s19 =	simm.s32 $0x13000  }
0x2fb: {  	[tilespmem:s19], [sflag:$0x2] =	stream.indirect_vreg.gather [hbm4b:s4+s2], $0x80, v3, vm0, $0xb8;
	[tilespmem:$0x15800] =	vst v63  }
0x2fc: {  	s20 =	simm.s32 $0x13800  }
0x2fd: {  	[tilespmem:s20], [sflag:$0x2] =	stream.indirect_vreg.gather [hbm4b:s5+s2], $0x80, v3, vm0, $0xb8;
	[tilespmem:$0x15800] =	vst v63  }
0x2fe: {  	v3 =	vld.msk [tilespmem:$0x4B0], $0xff;
	_ =	sdelay $0x4  }
0x2ff: {  	v63 =	vshrl.u32 v3, $0x3  }
0x300: {  	v4 =	vmul.u32 $0x30, v63  }
0x301: {  	v3 =	vand.u32 $0x7, v3  }
0x302: {  	v3 =	vor.u32 v3, v4  }
0x303: {  	v3 =	vperm.xlane v3, v0;
	_ =	sdelay $0x1  }
0x304: {  	v3 =	vadd.s32 v1, v3;
	_ =	sdelay $0x3  }
0x305: {  	s21 =	simm.s32 $0x14000  }
0x306: {  	[tilespmem:s21], [sflag:$0x2] =	stream.indirect_vreg.gather [hbm4b:s3+s2], $0x80, v3, vm0, $0xb8;
	[tilespmem:$0x15800] =	vst v63  }
0x307: {  	s22 =	simm.s32 $0x14800  }
0x308: {  	[tilespmem:s22], [sflag:$0x2] =	stream.indirect_vreg.gather [hbm4b:s4+s2], $0x80, v3, vm0, $0xb8;
	[tilespmem:$0x15800] =	vst v63  }
0x309: {  	s23 =	simm.s32 $0x15000  }
0x30a: {  	[tilespmem:s23], [sflag:$0x2] =	stream.indirect_vreg.gather [hbm4b:s5+s2], $0x80, v3, vm0, $0xb8;
	[tilespmem:$0x15800] =	vst v63  }
0x30b: {  	_ =	swait.ge [sflag:s26], $0xA800  }
0x30c: {  	[sflag:s26] =	ssyncset.done $0x0  }
0x30d: {  	s24 =	rddreg [dreg:$0xb];
	[sflag:s26] =	ssyncadd.s32 $0xFFFF5800  }
0x30e: {  	[hbm4b:s24+s2] =	stream.linear.scatter [tilespmem:s31], [sflag:$0x3], $0xA800, $0x38;
	[tilespmem:$0x15800] =	vst v63  }
0x30f: {  	_ =	swait.ge [sflag:s7], $0xA800  }
0x310: {  	[sflag:s7] =	ssyncset.done $0x0  }
0x311: {  	[sflag:s7] =	ssyncadd.s32 $0xFFFF5800  }
0x312: {  	_ =	swait.ge [sflag:s28], $0xA800  }
0x313: {  	p0 =	sne.s32 s6, $0x1;
	[sflag:s28] =	ssyncset.done $0x0  }
.Ltmp0:
0x314: {  	s25 =	rddreg [dreg:$0xc];
	[sflag:s28] =	ssyncadd.s32 $0xFFFF5800;
	(pc) =	sbr.rel @p0 .LBB2_1-.Ltmp0, $4  }
0x315: {  	[hbm4b:s25+s2] =	stream.linear.scatter [tilespmem:s30], [sflag:$0x3], $0xA800, $0x38;
	[tilespmem:$0x15800] =	vst v63  }
0x316: {  	_ =	swait.ge [sflag:s7], $0xA800  }
0x317: {  	[sflag:s7] =	ssyncset.done $0x0  }
0x318: {  	s6 =	sadd.s32 $0xFFFFFFFF, s6;
	[sflag:s7] =	ssyncadd.s32 $0xFFFF5800  }
0x319: {  	_ =	sfence.sel $0x180000  }
0x31a: {  	[bflag:$0x0] =	sbarrier.arrive $0xFFFF  }
0x31b: {  	_ =	strace $0x9000004A  }
0x31c: {  	s0 =	stileid.u32;
	[bflag:$0x2] =	sbarrier.arrive $0xFFFF  }
0x31d: {  	p0 =	sne.s32 s0, $0x0;
	s0 =	rddreg [dreg:$0x1]  }
0x31e: {  	s0 =	sadd.s32 @!p0 $0x100000, s0  }
0x31f: {  	[sflag:s0] =	ssyncadd.tile.s32 @!p0 $0x1;
	_ =	shalt  }
.Lfunc_end2:
_tile_overlayer_lowered:
.L_overlay_start_2:
0x320: {  	(tag) =	ssettag $0x2  }
0x321: {  	s0 =	rddreg [dreg:$0x0];
	s2 =	stileid.u32  }
0x322: {  	s1 =	rddreg [dreg:$0x1];
	p0 =	sne.s32 s2, $0x0  }
0x323: {  	s3 =	rddreg [dreg:$0x2];
	[bflag:$0x3] =	sbarrier.arrive $0xFFFF;
	s2 =	simm.s32 @!p0 $0x1C03  }
0x324: {  	[timem:s3], [sflag:s2] =	dma.local @!p0 [hbm:s0], s1  }
0x325: {  	s0 =	simm.s32 @!p0 $0x3  }
0x326: {  	_ =	swait.ge @!p0 [sflag:s0], s1  }
0x327: {  	s1 =	ssub.s32 @!p0 $0x0, s1;
	[sflag:s0] =	ssyncset.done @!p0 $0x0  }
0x328: {  	[sflag:s0] =	ssyncadd.s32 @!p0 s1  }
0x329: {  	[bflag:$0x3] =	sbarrier.arrive $0xFFFF  }
0x32a: {  	_ =	shalt  }

// kernel: sparse-core-data-format-call.cloned.1.call-start
scs
called_computation_lowered:
.L_overlay_start_0:
0x0: {  	s1 =	sld [smem:$0x3FD9]  }
0x1: {  	s2 =	sld [smem:$0x3FFE];
	_ =	sdelay $0x1  }
0x2: {  	s3 =	srdreg.scid  }
0x3: {  	s0 =	sand.u32 $0x1, s3  }
0x4: {  	s17 =	sshll.u32 s0, $0xA;
	s1 =	sadd.s32 s2, s1  }
0x5: {  	s1 =	sadd.s32 s1, s17  }
0x6: {  	[smem:$0x3FC4] =	sst s1  }
0x7: {  	_ = 	snop  }
0x8: {  	(tm) =	ssettm $0x1  }
0x9: {  	s18 =	sld [smem:$0x3FFB];
	_ =	sdelay $0x3  }
0xa: {  	_ =	strace s18  }
0xb: {  	s1 =	sld [smem:$0x3FFC];
	_ =	sdelay $0x3  }
0xc: {  	_ =	strace s1  }
0xd: {  	s1 =	sld [smem:$0x3FFD];
	_ =	sdelay $0x3  }
0xe: {  	_ =	strace s1  }
0xf: {  	_ =	strace $0x8FFFFFFF  }
0x10: {  	s19 =	sld [smem:$0x3FDB];
	_ =	sdelay $0x1  }
0x11: {  	s20 =	simm.s32 $_scs_section_size  }
0x12: {  	s4 =	simm.s32 $_size__tile_overlayer_lowered;
	s5 =	simm.s32 $_tile_overlayer_lowered  }
0x13: {  	s23 =	simm.s32 $0x1BFF;
	s22 =	sshll.u32 s5, $0x1;
	s1 =	sadd.s32 s20, s19  }
0x14: {  	s6 =	simm.s32 $0x0;
	s21 =	sshll.u32 s4, $0x1;
	s4 =	sadd.s32 s22, s1  }
0x15: {  	[timem:s6], [sflag:s23] =	dma.local [hbm:s4], s21  }
0x16: {  	_ =	swait.ge [sflag:s23], s21  }
0x17: {  	s2 =	ssub.s32 $0x0, s21;
	[sflag:s23] =	ssyncset.done $0x0  }
0x18: {  	[sflag:s23] =	ssyncadd.s32 s2;
	_ =	sdelay $0x1  }
0x19: {  	s24 =	simm.s32 $0x1B8B  }
0x1a: {  	_ =	swait.ge [sflag:s24], $0x1  }
0x1b: {  	[sflag:s24] =	ssyncset.done $0x0  }
0x1c: {  	s26 =	simm.s32 $0x1B8E;
	s25 =	sld [smem:$0x3FFE];
	[sflag:s24] =	ssyncadd.s32 $0xFFFFFFFF  }
0x1d: {  	s27 =	simm.s32 $execute0_lowered;
	[smem:$0x3FD2] =	sst s26  }
0x1e: {  	s4 =	sshll.u32 s27, $0x1;
	_ =	strace $0x80000046;
	[dreg:$0x1] =	wrdreg $0xFFFFFFFF  }
0x1f: {  	s28 =	simm.s32 $_size_execute0_lowered;
	s1 =	sadd.s32 s1, s4;
	[dreg:$0x0] =	wrdreg $0x0  }
0x20: {  	s4 =	sshll.u32 s28, $0x1;
	[dreg:$0x2] =	wrdreg s1  }
0x21: {  	[dreg:$0x3] =	wrdreg s4  }
0x22: {  	[dreg:$0x4] =	wrdreg $0xC0  }
0x23: {  	_ =	task [dreg:s6], $0x5FFFF  }
0x24: {  	[dreg:$0x1] =	wrdreg $0xFFFFFFFF  }
0x25: {  	[dreg:$0x0] =	wrdreg $0x60  }
0x26: {  	[dreg:$0x2] =	wrdreg s25  }
0x27: {  	[dreg:$0x3] =	wrdreg $0x9  }
0x28: {  	_ =	task.clear_ibuf [dreg:s6], $0x4FFFF;
	_ =	strace $0x90000046  }
0x29: {  	s29 =	simm.s32 $0x9;
	_ =	strace $0x80000048  }
0x2a: {  	_ =	swait.ge [sflag:s29], $0x1  }
0x2b: {  	[sflag:s29] =	ssyncadd.s32 $0xFFFFFFFF  }
0x2c: {  	_ =	strace $0x90000048  }
0x2d: {  	_ =	sfence  }
0x2e: {  	s30 =	sld [smem:$0x0];
	_ =	sdelay $0x2  }
0x2f: {  	s31 =	sshll.u32 s3, $0xD;
	s3 =	sshrl.u32 s3, $0x2  }
0x30: {  	s2 =	sand.u32 $0x4000, s31;
	s1 =	sadd.s32 s3, s30  }
0x31: {  	s0 =	sor.u32 s2, s0;
	s1 =	sshll.u32 s1, $0x11  }
0x32: {  	s0 =	sor.u32 s1, s0  }
0x33: {  	s0 =	sadd.s32 $0x8F2B, s0  }
0x34: {  	[sflag:s0] =	ssyncadd.remote.s32 $0x1  }
0x35: {  	_ =	sfence.sel $0xFFFF  }
0x36: {  	[dreg:$0x0] =	wrdreg $0xFFFFFFFF;
	(pc) =	sbr.abs _section_cstart, $3  }
0x37: {  	[dreg:$0x1] =	wrdreg $0xFFFFFFFF  }
0x38: {  	_ =	task.clear_ibuf [dreg:s6], $0x2FFFF;
	_ =	strace $0x9FFFFFFF  }
0x39: {  	(tm) =	ssettm $0x7FFFFFFF  }
tec
execute0_lowered:
.L_overlay_start_1:
0x0: {  	(tag) =	ssettag $0x1  }
0x1: {  	s0 =	srdreg.scid  }
0x2: {  	s6 =	rddreg [dreg:$0x0];
	s4 =	simm.s32 $0x1;
	s7 =	simm.s32 $0x2  }
0x3: {  	s15 =	simm.s32 $0x0;
	s8 =	simm.s32 $0x800;
	s0 =	sshll.u32 s0, $0x3  }
0x4: {  	s9 =	simm.s32 $0x8800;
	s10 =	simm.s32 $0x0;
	s1 =	sand.u32 $0x8, s0  }
0x5: {  	s16 =	simm.s32 $0x0;
	s17 =	simm.s32 $0x0;
	s2 =	ssub.s32 $0x30, s1  }
0x6: {  	s12 =	simm.s32 $0x0;
	s13 =	stileid.u32;
	s3 =	sshrl.u32 s2, $0x3  }
.Ltmp0:
0x7: {  	s2 =	sshrl.u32 s2, $0x4;
	s3 =	sand.u32 $0x1, s3;
	(pc) =	sbr.rel .LBB1_1-.Ltmp0, $4  }
0x8: {  	s0 =	rddreg [dreg:$0x1];
	_ =	strace $0x80000047;
	s2 =	sadd.s32 s2, s3  }
0x9: {  	s14 =	simm.s32 $0x0;
	[sflag:s4] =	ssyncpa.u1 $0x0;
	s5 =	smul.u32 $0x11, s2  }
0xa: {  	s11 =	smov.u32 s1;
	[sflag:s7] =	ssyncpa.u1 $0x0;
	s3 =	sadd.s32 $0xE00, s6  }
0xb: {  	s6 =	sadd.s32 $0x31EE00, s6;
	s2 =	stileid.u32;
	s7 =	sadd.s32 $0x1, s5  }
.LBB1_7:
0xc: {  	s18 =	sadd.s32 $0x10, s11  }
0xd: {  	s15 =	sadd.s32 $0x8, s12;
	s19 =	smov.u32 s12;
	p1 =	sgt.s32 s18, $0x2F  }
0xe: {  	s19 =	smov.u32 @p1 s15  }
0xf: {  	s21 =	smov.u32 s13;
	s15 =	sadd.s32 $0x10, s13;
	p2 =	sgt.s32 s19, $0x84  }
0x10: {  	s21 =	smov.u32 @p2 s15  }
0x11: {  	s18 =	smov.u32 @p1 s1;
	p1 =	sgt.s32 s21, $0xF  }
0x12: {  	p0 =	slt.u32 s14, $0x2;
	s21 =	smov.u32 @p1 s2;
	p1 =	sne.s32 s14, s7  }
.Ltmp1:
0x13: {  	s20 =	simm.s32 @!p0 $0x2;
	(pc) =	sbr.rel @!p1 .LBB1_8-.Ltmp1, $4  }
0x14: {  	s16 =	smov.u32 s12;
	s17 =	smov.u32 s13;
	_ =	swait.ge @!p0 [sflag:s20], $0x4000  }
0x15: {  	s10 =	sadd.s32 $0x4000, s10;
	[sflag:s20] =	ssyncset.done @!p0 $0x0;
	s19 =	simm.s32 @p2 $0x0  }
0x16: {  	s15 =	smov.u32 s11;
	[sflag:s20] =	ssyncadd.s32 @!p0 $0xFFFFC000;
	s11 =	smov.u32 s18  }
0x17: {  	s12 =	smov.u32 s19;
	s14 =	sadd.s32 $0x1, s14;
	s13 =	smov.u32 s21  }
.LBB1_1:
0x18: {  	p0 =	sge.u32 s14, s5;
	s21 =	smov.u32 s13  }
0x19: {  	s31 =	sadd.s32 $0xFFFFFFFF, s14;
	s18 =	sshll.u32 @!p0 s11, $0x8;
	s19 =	sshll.u32 @!p0 s11, $0x7  }
0x1a: {  	s20 =	sxor.u32 @!p0 $0xFFFFFFFF, s14;
	p1 =	sgt.s32 @!p0 s13, $0xF;
	s22 =	sshra.s32 @!p0 s13, $0x1F  }
0x1b: {  	s23 =	sshra.s32 @!p0 s12, $0x1F;
	s18 =	sand.u32 @!p0 $0xFFFFF800, s18;
	s19 =	sand.u32 @!p0 $0x300, s19  }
0x1c: {  	p1 =	por !p1, p0;
	s22 =	sand.u32 @!p0 s22, s13;
	s18 =	sor.u32 @!p0 s19, s18  }
0x1d: {  	s21 =	simm.s32 @p1 $0xF;
	p1 =	sgt.s32 @!p0 s12, $0x7D;
	s18 =	sshrl.u32 @!p0 s18, $0x8  }
0x1e: {  	s21 =	ssub.s32 @!p0 s21, s22;
	p1 =	por !p1, p0;
	s22 =	smov.u32 s12  }
0x1f: {  	s23 =	sand.u32 @!p0 s23, s12;
	s19 =	smulhi.u32 @!p0 $0x5555556, s18;
	s22 =	simm.s32 @p1 $0x7D  }
0x20: {  	p1 =	sgt.s32 @!p0 s11, $0x28;
	s21 =	sadd.s32 @!p0 $0xFFFFFFF1, s21;
	s22 =	ssub.s32 @!p0 s22, s23  }
0x21: {  	p1 =	por !p1, p0;
	s23 =	smov.u32 s11;
	p2 =	sgt.s32 @!p0 s21, $0x0  }
0x22: {  	s21 =	sshll.u32 @!p0 s21, $0x8;
	s19 =	smul.u32 @!p0 $0x30, s19;
	s24 =	sadd.s32 @!p0 $0xFFFFFF83, s22  }
0x23: {  	s23 =	simm.s32 @p1 $0x28;
	p1 =	sgt.s32 @!p0 s24, $0x7;
	s24 =	sshra.s32 @!p0 s11, $0x1F  }
0x24: {  	s22 =	ssub.s32 @!p0 $0x85, s22;
	s21 =	ssub.s32 @!p0 $0x100, s21;
	s24 =	sand.u32 @!p0 s24, s11  }
0x25: {  	p2 =	por !p2, p0;
	p1 =	por !p1, p0;
	s23 =	ssub.s32 @!p0 s23, s24  }
0x26: {  	s21 =	simm.s32 @!p2 $0x0;
	s22 =	simm.s32 @!p1 $0x0;
	s24 =	sadd.s32 @!p0 $0xFFFFFFD8, s23  }
0x27: {  	s20 =	sshll.u32 @!p0 s20, $0xE;
	s21 =	smul.u32 @!p0 s22, s21;
	p1 =	sgt.s32 @!p0 s24, $0x7  }
0x28: {  	s22 =	ssub.s32 @!p0 $0x30, s23;
	s23 =	smul.u32 @!p0 $0x31E00, s13;
	p1 =	por !p1, p0  }
0x29: {  	s18 =	ssub.s32 @!p0 s18, s19;
	s19 =	smul.u32 @!p0 $0x600, s12;
	s22 =	simm.s32 @!p1 $0x0  }
0x2a: {  	s23 =	sadd.s32 @!p0 s3, s23;
	s21 =	smul.u32 @!p0 s22, s21;
	s22 =	sshll.u32 @!p0 s11, $0x4  }
0x2b: {  	s20 =	sand.u32 @!p0 $0x4000, s20;
	s19 =	sadd.s32 @!p0 s19, s23;
	s22 =	sand.u32 @!p0 $0x10, s22  }
0x2c: {  	s18 =	sshll.u32 @!p0 s18, $0x5;
	s21 =	sand.u32 @!p0 $0x3FFFFF00, s21;
	s19 =	sadd.s32 @!p0 s22, s19  }
0x2d: {  	s22 =	simm.s32 @!p0 $0x3000;
	s18 =	sadd.s32 @!p0 s18, s19;
	s19 =	simm.s32 @!p0 $0x800  }
0x2e: {  	[tilespmem:s20], [sflag:$0x1] =	stream.strided.gather @!p0 [hbm4b:s18+s19], s21, s22, s19, $0x38;
	[tilespmem:$0x10000] =	vst v63  }
0x2f: {  	p0 =	sge.u32 s31, s5  }
.Ltmp2:
0x30: {  	_ = 	snop;
	(pc) =	sbr.rel @p0 .LBB1_7-.Ltmp2, $1  }
0x31: {  	_ =	sdelay $0x3  }
0x32: {  	p0 =	sgt.s32 s17, $0xF  }
0x33: {  	s18 =	smov.u32 s17;
	s19 =	sshra.s32 s17, $0x1F;
	s20 =	sshra.s32 s16, $0x1F  }
0x34: {  	p1 =	sgt.s32 s15, $0x28;
	s18 =	simm.s32 @!p0 $0xF;
	s19 =	sand.u32 s19, s17  }
0x35: {  	s22 =	sshra.s32 s15, $0x1F;
	p0 =	sgt.s32 s16, $0x7D;
	s18 =	ssub.s32 s18, s19  }
0x36: {  	s20 =	sand.u32 s20, s16;
	s19 =	smov.u32 s16;
	s18 =	sadd.s32 $0xFFFFFFF1, s18  }
0x37: {  	s28 =	sand.u32 s22, s15;
	s19 =	simm.s32 @!p0 $0x7D;
	p0 =	sgt.s32 s18, $0x0  }
0x38: {  	s19 =	ssub.s32 s19, s20;
	s20 =	smov.u32 s15;
	s18 =	sshll.u32 s18, $0x8  }
0x39: {  	s21 =	sadd.s32 $0xFFFFFF83, s19;
	s20 =	simm.s32 @!p1 $0x28;
	s19 =	ssub.s32 $0x85, s19  }
0x3a: {  	s18 =	ssub.s32 $0x100, s18;
	p1 =	sgt.s32 s21, $0x7;
	s20 =	ssub.s32 s20, s28  }
0x3b: {  	s18 =	simm.s32 @p0 $0x0;
	s19 =	simm.s32 @p1 $0x0;
	s21 =	sadd.s32 $0xFFFFFFD8, s20  }
0x3c: {  	s20 =	ssub.s32 $0x30, s20;
	p0 =	sgt.s32 s21, $0x7;
	s18 =	smul.u32 s19, s18  }
0x3d: {  	s29 =	sshll.u32 s10, $0x2;
	s20 =	simm.s32 @p0 $0x0  }
0x3e: {  	s31 =	sshll.u32 s14, $0xE;
	s23 =	simm.s32 $0x0;
	s18 =	smul.u32 s20, s18  }
0x3f: {  	s24 =	simm.s32 $0x0;
	s25 =	simm.s32 $0x0;
	s19 =	sand.u32 $0x10000, s29  }
0x40: {  	s21 =	sand.u32 $0x4000, s31;
	s30 =	sshrl.u32 s19, $0x2;
	s18 =	sand.u32 $0x3FFFFF00, s18  }
0x41: {  	p0 =	por $0x0, $0x0;
	s19 =	sor.u32 $0x40, s30;
	_ =	swait.ge [sflag:s4], s18  }
0x42: {  	s20 =	sor.u32 $0x8410, s30;
	s18 =	ssub.s32 $0x0, s18;
	[sflag:s4] =	ssyncset.done $0x0  }
0x43: {  	s22 =	sadd.s32 $0x8400, s30;
	[sflag:s4] =	ssyncadd.s32 s18;
	s18 =	sor.u32 $0x8000, s21  }
.LBB1_3:
0x44: {  	v1 =	vld [tilespmem:s19+$0xFFFFFFD0]  }
0x45: {  	v2 =	vld [tilespmem:s19+$0x430]  }
0x46: {  	s26 =	sshll.u32 s25, $0xB;
	v4 =	vld [tilespmem:s19+$0xFFFFFFE0]  }
0x47: {  	v7 =	vld [tilespmem:s19+$0xFFFFFFF0];
	v0 =	vmov s26  }
0x48: {  	v8 =	vld [tilespmem:s19+$0x0]  }
0x49: {  	v9 =	vld [tilespmem:s19+$0x10];
	s26 =	sand.u32 $0x300, s23  }
0x4a: {  	s27 =	sand.u32 $0x80, s23;
	v10 =	vld [tilespmem:s19+$0x20];
	s26 =	sadd.s32 s26, s21  }
0x4b: {  	v11 =	vld [tilespmem:s19+$0x30];
	s26 =	sadd.s32 s27, s26;
	s27 =	simm.s32 $0x1;
	[tilespmem:s20+$0x60] =	vst v2  }
0x4c: {  	s27 =	simm.s32 @!p0 $0x0;
	[tilespmem:s20+$0xFFFFFC00] =	vst v1;
	v3 =	vld.idx.msk [tilespmem:v0+s26+$0x400 ss:$0x1], $0xffff;
	s26 =	sshll.u32 s24, $0x2  }
0x4d: {  	v6 =	vld [tilespmem:s19+$0x3D0];
	s27 =	sshll.u32 s27, $0x9;
	[tilespmem:s20+$0xFFFFFC10] =	vst v4;
	s26 =	sand.u32 $0xFFFFFC00, s26  }
0x4e: {  	v5 =	vld [tilespmem:s19+$0x3E0];
	[tilespmem:s20+$0xFFFFFC20] =	vst v7;
	s26 =	sor.u32 s27, s26  }
0x4f: {  	[tilespmem:s20+$0xFFFFFC30] =	vst v8;
	v4 =	vld [tilespmem:s19+$0x400];
	s26 =	sshrl.u32 s26, $0x2  }
0x50: {  	[tilespmem:s20+$0xFFFFFC40] =	vst v9;
	v1 =	vld [tilespmem:s19+$0x410];
	s26 =	sadd.s32 s26, s22  }
0x51: {  	[tilespmem:s26+$0x0] =	vst v3;
	v3 =	vld [tilespmem:s19+$0x3F0]  }
0x52: {  	s30 =	simm.s32 $0x80;
	s29 =	simm.s32 $0x100;
	[tilespmem:s20+$0xFFFFFC50] =	vst v10;
	v2 =	vld [tilespmem:s19+$0x420]  }
0x53: {  	s28 =	smov.u32 s20;
	s31 =	sand.u32 $0x300, s30;
	v7 =	vld [tilespmem:s19+$0xFFFFFFC0];
	[tilespmem:s20+$0xFFFFFC60] =	vst v11;
	s27 =	sadd.s32 $0x80, s19  }
.LBB1_4:
0x54: {  	p1 =	sne.s32 s29, $0x380;
	v8 =	vld [tilespmem:s27+$0xFFFFFFD0];
	s30 =	sand.u32 $0x80, s30;
	s31 =	sadd.s32 s31, s21;
	[tilespmem:s28+$0x0] =	vst v6  }
0x55: {  	s31 =	sadd.s32 s30, s31;
	v6 =	vld [tilespmem:s27+$0x430];
	[tilespmem:s28+$0x10] =	vst v5;
	s30 =	smov.u32 s29  }
0x56: {  	v5 =	vld.idx.msk [tilespmem:v0+s31+$0x400 ss:$0x1], $0xffff;
	[tilespmem:s28+$0x20] =	vst v3  }
0x57: {  	v3 =	vld [tilespmem:s27+$0xFFFFFFE0];
	[tilespmem:s28+$0x30] =	vst v4  }
0x58: {  	v4 =	vld [tilespmem:s27+$0xFFFFFFF0];
	[tilespmem:s28+$0xFFFFFBF0] =	vst v7  }
0x59: {  	v7 =	vld [tilespmem:s27+$0x0];
	[tilespmem:s28+$0x40] =	vst v1  }
0x5a: {  	v1 =	vld [tilespmem:s27+$0x10];
	[tilespmem:s28+$0x50] =	vst v2;
	s28 =	sadd.s32 $0x800, s28  }
0x5b: {  	s26 =	sadd.s32 $0x800, s26;
	v2 =	vld [tilespmem:s27+$0x20];
	[tilespmem:s28+$0x60] =	vst v6  }
0x5c: {  	v9 =	vld [tilespmem:s27+$0x30];
	[tilespmem:s26+$0x0] =	vst v5  }
0x5d: {  	[tilespmem:s28+$0xFFFFFC00] =	vst v8;
	v6 =	vld [tilespmem:s27+$0x3D0]  }
0x5e: {  	[tilespmem:s28+$0xFFFFFC10] =	vst v3;
	v5 =	vld [tilespmem:s27+$0x3E0]  }
.Ltmp3:
0x5f: {  	[tilespmem:s28+$0xFFFFFC20] =	vst v4;
	v3 =	vld [tilespmem:s27+$0x3F0];
	(pc) =	sbr.rel @p1 .LBB1_4-.Ltmp3, $4  }
0x60: {  	[tilespmem:s28+$0xFFFFFC30] =	vst v7;
	v4 =	vld [tilespmem:s27+$0x400]  }
0x61: {  	[tilespmem:s28+$0xFFFFFC40] =	vst v1;
	v1 =	vld [tilespmem:s27+$0x410]  }
0x62: {  	[tilespmem:s28+$0xFFFFFC50] =	vst v2;
	v2 =	vld [tilespmem:s27+$0x420]  }
0x63: {  	s29 =	sadd.s32 $0x80, s29;
	s31 =	sand.u32 $0x300, s30;
	v7 =	vld [tilespmem:s27+$0xFFFFFFC0];
	[tilespmem:s28+$0xFFFFFC60] =	vst v9;
	s27 =	sadd.s32 $0x80, s27  }
0x64: {  	[tilespmem:s28+$0x0] =	vst v6  }
0x65: {  	[tilespmem:s28+$0x10] =	vst v5  }
0x66: {  	v49 =	vld [tilespmem:s27+$0x430];
	[tilespmem:s28+$0x20] =	vst v3  }
0x67: {  	v50 =	vld [tilespmem:s27+$0xFFFFFFD0];
	[tilespmem:s28+$0x30] =	vst v4  }
0x68: {  	v51 =	vld [tilespmem:s27+$0xFFFFFFE0];
	[tilespmem:s28+$0x40] =	vst v1  }
0x69: {  	s29 =	sand.u32 $0x80, s30;
	s31 =	sadd.s32 s31, s21;
	v52 =	vld [tilespmem:s27+$0xFFFFFFF0];
	[tilespmem:s28+$0x50] =	vst v2  }
0x6a: {  	v53 =	vld [tilespmem:s27+$0x0];
	s29 =	sadd.s32 s29, s31;
	s31 =	sadd.s32 $0x800, s28;
	[tilespmem:s28+$0xFFFFFBF0] =	vst v7  }
0x6b: {  	v54 =	vld [tilespmem:s27+$0x10];
	[tilespmem:s31+$0x60] =	vst v49  }
0x6c: {  	v55 =	vld [tilespmem:s27+$0x20];
	[tilespmem:s31+$0xFFFFFC00] =	vst v50  }
0x6d: {  	v56 =	vld [tilespmem:s27+$0x30];
	[tilespmem:s31+$0xFFFFFC10] =	vst v51  }
0x6e: {  	v57 =	vld [tilespmem:s27+$0x3D0];
	[tilespmem:s31+$0xFFFFFC20] =	vst v52  }
0x6f: {  	v58 =	vld [tilespmem:s27+$0x3E0];
	[tilespmem:s31+$0xFFFFFC30] =	vst v53  }
0x70: {  	v59 =	vld [tilespmem:s27+$0x3F0];
	[tilespmem:s31+$0xFFFFFC40] =	vst v54  }
0x71: {  	v60 =	vld [tilespmem:s27+$0x400];
	[tilespmem:s31+$0xFFFFFC50] =	vst v55  }
0x72: {  	v61 =	vld [tilespmem:s27+$0xFFFFFFC0];
	[tilespmem:s31+$0xFFFFFC60] =	vst v56  }
0x73: {  	v62 =	vld [tilespmem:s27+$0x410];
	[tilespmem:s31+$0x0] =	vst v57  }
0x74: {  	v63 =	vld [tilespmem:s27+$0x420];
	s25 =	sadd.s32 $0x1, s25;
	[tilespmem:s31+$0x10] =	vst v58  }
0x75: {  	p1 =	sne.s32 s25, $0x8;
	v0 =	vld.idx.msk [tilespmem:v0+s29+$0x400 ss:$0x1], $0xffff;
	[tilespmem:s31+$0x20] =	vst v59  }
.Ltmp4:
0x76: {  	[tilespmem:s31+$0x30] =	vst v60;
	(pc) =	sbr.rel @p1 .LBB1_3-.Ltmp4, $4  }
0x77: {  	[tilespmem:s31+$0xFFFFFBF0] =	vst v61  }
0x78: {  	[tilespmem:s31+$0x40] =	vst v62  }
0x79: {  	s26 =	sadd.s32 $0x800, s26;
	s19 =	sadd.s32 $0x800, s19;
	[tilespmem:s31+$0x50] =	vst v63  }
0x7a: {  	s24 =	sadd.s32 $0x80, s24;
	p0 =	por !p0, !p0;
	s20 =	sadd.s32 $0x80, s20;
	[tilespmem:s26+$0x0] =	vst v0  }
0x7b: {  	s19 =	sshll.u32 s16, $0x8;
	s20 =	sshll.u32 s16, $0x7  }
0x7c: {  	s19 =	sand.u32 $0xFFFFF800, s19;
	s20 =	sand.u32 $0x300, s20  }
0x7d: {  	s19 =	sor.u32 s20, s19  }
0x7e: {  	s17 =	smul.u32 $0x33000, s17;
	s19 =	sshrl.u32 s19, $0x8  }
0x7f: {  	s29 =	smulhi.u32 $0x1E1E1E2, s19  }
0x80: {  	s15 =	smul.u32 $0x1100, s15  }
0x81: {  	s20 =	smul.u32 $0x88, s29  }
.Ltmp5:
0x82: {  	s30 =	sshll.u32 s16, $0x4;
	s17 =	sadd.s32 s6, s17;
	(pc) =	sbr.rel .LBB1_7-.Ltmp5, $4  }
0x83: {  	s16 =	sand.u32 $0x10, s30;
	s15 =	sadd.s32 s15, s17;
	s19 =	ssub.s32 s19, s20  }
0x84: {  	s15 =	sadd.s32 s16, s15;
	s31 =	sshll.u32 s19, $0x5  }
0x85: {  	s15 =	sadd.s32 s31, s15  }
0x86: {  	[hbm4b:s15+s8] =	stream.strided.scatter [tilespmem:s18], [sflag:$0x2], $0x4000, s9, s8, $0x38;
	[tilespmem:$0x10000] =	vst v63  }
.LBB1_8:
0x87: {  	_ =	sfence.sel $0x180000  }
0x88: {  	s1 =	simm.s32 $0x1;
	[bflag:$0x0] =	sbarrier.arrive $0xFFFF  }
0x89: {  	s31 =	simm.s32 $0x2;
	[sflag:s1] =	ssyncpa.u1 $0x1  }
0x8a: {  	[sflag:s31] =	ssyncpa.u1 $0x1  }
0x8b: {  	p0 =	sne.s32 s2, $0x0;
	_ =	strace $0x90000047  }
0x8c: {  	s0 =	sadd.s32 @!p0 $0x100000, s0;
	[bflag:$0x2] =	sbarrier.arrive $0xFFFF  }
0x8d: {  	[sflag:s0] =	ssyncadd.tile.s32 @!p0 $0x1;
	_ =	shalt  }
.Lfunc_end1:
_tile_overlayer_lowered:
.L_overlay_start_2:
0x8e: {  	(tag) =	ssettag $0x2  }
0x8f: {  	s0 =	rddreg [dreg:$0x0];
	s2 =	stileid.u32  }
0x90: {  	s1 =	rddreg [dreg:$0x1];
	p0 =	sne.s32 s2, $0x0  }
0x91: {  	s3 =	rddreg [dreg:$0x2];
	[bflag:$0x3] =	sbarrier.arrive $0xFFFF;
	s2 =	simm.s32 @!p0 $0x1C01  }
0x92: {  	[timem:s3], [sflag:s2] =	dma.local @!p0 [hbm:s0], s1  }
0x93: {  	s0 =	simm.s32 @!p0 $0x1  }
0x94: {  	_ =	swait.ge @!p0 [sflag:s0], s1  }
0x95: {  	s1 =	ssub.s32 @!p0 $0x0, s1;
	[sflag:s0] =	ssyncset.done @!p0 $0x0  }
0x96: {  	[sflag:s0] =	ssyncadd.s32 @!p0 s1  }
0x97: {  	[bflag:$0x3] =	sbarrier.arrive $0xFFFF  }
0x98: {  	_ =	shalt  }

</sc_bundles>
